<compile_context>
chip_gen: v7x
topology: tpu7x:2x2x1
jax: 0.10.2.dev20260603
libtpu: 0.0.44.dev20260713+nightly
codegen_flags: <defaults>
</compile_context>

<pallas_src>
import functools

import jax
import jax.numpy as jnp
from jax import lax
from jax.experimental import pallas as pl
from jax.experimental.pallas import tpu as pltpu
from jax.experimental.pallas import tpu_sc as plsc

N = 10000
D = 128
K = 32
HIDDEN = 128
NUM_CLASSES = 16

NC = 2
NS = 16
NW = NC * NS
CH = 2
IDX_W = CH * K
PW = 320
NP = NW * PW
NCH = PW // CH
NBUF = 2
NOS = 2

BR = 1000


def _sc_gather_sum(table, adj3):
    mesh = plsc.VectorSubcoreMesh(core_axis_name="c", subcore_axis_name="s")

    @functools.partial(
        pl.kernel,
        mesh=mesh,
        out_type=jax.ShapeDtypeStruct((NP, D), jnp.float32),
        scratch_types=(
            [pltpu.VMEM_SHARED((N, D), jnp.float32)]
            + [pltpu.VMEM((NCH, IDX_W), jnp.int32)]
            + [pltpu.VMEM((IDX_W, D), jnp.float32) for _ in range(NBUF)]
            + [pltpu.VMEM((CH, D), jnp.float32) for _ in range(NOS)]
            + [pltpu.SemaphoreType.DMA for _ in range(NBUF + NOS + 1)]
        ),
    )
    def k(table_hbm, adj_hbm, out_hbm, *rest):
        table_sh = rest[0]
        idx_v = rest[1]
        bufs = rest[2:2 + NBUF]
        stages = rest[2 + NBUF:2 + NBUF + NOS]
        gsems = rest[2 + NBUF + NOS:2 + 2 * NBUF + NOS]
        osems = rest[2 + 2 * NBUF + NOS:2 + 2 * NBUF + 2 * NOS]
        tsem = rest[2 + 2 * NBUF + 2 * NOS]

        cid = lax.axis_index("c")
        sid = lax.axis_index("s")
        wid = sid * NC + cid

        @pl.when(sid == 0)
        def _():
            pltpu.async_copy(table_hbm, table_sh, tsem).wait()

        plsc.subcore_barrier()

        pltpu.sync_copy(adj_hbm.at[wid], idx_v)

        for b in range(NBUF):
            pltpu.async_copy(table_sh.at[idx_v.at[b]], bufs[b], gsems[b])

        def ring_body(g, carry):
            for b in range(NBUF):
                c = g * NBUF + b
                gbuf = bufs[b]
                st = stages[b % NOS]
                pltpu.make_async_copy(
                    table_sh.at[idx_v.at[c]], gbuf, gsems[b]
                ).wait()

                @pl.when(c >= NOS)
                def _():
                    pltpu.make_async_copy(
                        st, out_hbm.at[pl.ds(wid * PW, CH)], osems[b % NOS]
                    ).wait()

                def db_body(db, carry2):
                    ds = pl.ds(db * 16, 16)
                    for i in range(CH):
                        vals = [gbuf[i * K + r, ds] for r in range(K)]
                        while len(vals) > 1:
                            vals = [
                                vals[2 * j] + vals[2 * j + 1]
                                for j in range(len(vals) // 2)
                            ]
                        st[i, ds] = vals[0]
                    return carry2

                lax.fori_loop(0, D // 16, db_body, 0, unroll=False)

                pltpu.async_copy(
                    st, out_hbm.at[pl.ds(wid * PW + c * CH, CH)], osems[b % NOS]
                )

                nc = c + NBUF

                @pl.when(nc < NCH)
                def _():
                    pltpu.async_copy(table_sh.at[idx_v.at[nc]], gbuf, gsems[b])

            return carry

        lax.fori_loop(0, NCH // NBUF, ring_body, 0, unroll=False)

        for s in range(NOS):
            pltpu.make_async_copy(
                stages[s], out_hbm.at[pl.ds(wid * PW, CH)], osems[s]
            ).wait()

    return k(table, adj3)


def _tc_layer1(feats, sums1, w1aT, w1bT):

    def body(f_ref, s_ref, wa_ref, wb_ref, o_ref):
        h = jnp.dot(f_ref[...], wa_ref[...], preferred_element_type=jnp.float32)
        h = h + jnp.dot(s_ref[...], wb_ref[...], preferred_element_type=jnp.float32)
        o_ref[...] = jnp.maximum(h, 0.0)

    return pl.pallas_call(
        body,
        grid=(N // BR,),
        in_specs=[
            pl.BlockSpec((BR, D), lambda i: (i, 0)),
            pl.BlockSpec((BR, D), lambda i: (i, 0)),
            pl.BlockSpec((D, HIDDEN), lambda i: (0, 0)),
            pl.BlockSpec((D, HIDDEN), lambda i: (0, 0)),
        ],
        out_specs=pl.BlockSpec((BR, HIDDEN), lambda i: (i, 0)),
        out_shape=jax.ShapeDtypeStruct((N, HIDDEN), jnp.float32),
    )(feats, sums1, w1aT, w1bT)


def _tc_layer2(h1, sums2, w2aT, w2bT):

    def body(h_ref, s_ref, wa_ref, wb_ref, o_ref):
        o = jnp.dot(h_ref[...], wa_ref[...], preferred_element_type=jnp.float32)
        o = o + jnp.dot(s_ref[...], wb_ref[...], preferred_element_type=jnp.float32)
        o_ref[...] = o

    return pl.pallas_call(
        body,
        grid=(N // BR,),
        in_specs=[
            pl.BlockSpec((BR, HIDDEN), lambda i: (i, 0)),
            pl.BlockSpec((BR, HIDDEN), lambda i: (i, 0)),
            pl.BlockSpec((HIDDEN, NUM_CLASSES), lambda i: (0, 0)),
            pl.BlockSpec((HIDDEN, NUM_CLASSES), lambda i: (0, 0)),
        ],
        out_specs=pl.BlockSpec((BR, NUM_CLASSES), lambda i: (i, 0)),
        out_shape=jax.ShapeDtypeStruct((N, NUM_CLASSES), jnp.float32),
    )(h1, sums2, w2aT, w2bT)


def kernel(nodes, adj_lists, features, W1, W2):
    del nodes
    inv_k = jnp.float32(1.0 / K)
    w1aT = W1[:, :D].T
    w1bT = (W1[:, D:] * inv_k).T
    w2aT = W2[:, :HIDDEN].T
    w2bT = (W2[:, HIDDEN:] * inv_k).T

    adj3 = (
        jnp.pad(adj_lists, ((0, NP - N), (0, 0)))
        .reshape(NW, PW * K)
        .reshape(NW, NCH, IDX_W)
    )

    sums1 = _sc_gather_sum(features, adj3)
    h1 = _tc_layer1(features, sums1, w1aT, w1bT)
    sums2 = _sc_gather_sum(h1, adj3)
    return _tc_layer2(h1, sums2, w2aT, w2bT)

# --- scband reference (transcript-rebuilt; emitter-appended) ---
"""Pipeline reference for scband-supervised-graph-sage-72980084293968 (READ-ONLY COPY).

The authoritative reference and input builder live on the scoring server;
editing this copy changes nothing except your own understanding.
"""

import jax, jax.numpy as jnp
import numpy as np

N = 10000
D = 128
K = 32
HIDDEN = 128  # enc1.embed_dim in the reference GraphSAGE code
NUM_CLASSES = 16


def setup_inputs(seed: int = 0) -> dict:
    key = jax.random.key(seed)
    k1, k2, k3, k4 = jax.random.split(key, 4)
    features = jax.random.normal(k1, (N, D), dtype=jnp.float32)
    adj_lists = jax.random.randint(k2, (N, K), 0, N, dtype=jnp.int32)
    nodes = jnp.arange(N, dtype=jnp.int32)
    # Encoder weights (graphsage-simple style: W @ concat(self, neigh_mean))
    W1 = jax.random.normal(k3, (HIDDEN, 2 * D), dtype=jnp.float32) * 0.05
    W2 = jax.random.normal(k4, (NUM_CLASSES, 2 * HIDDEN), dtype=jnp.float32) * 0.05
    return {"nodes": nodes, "adj_lists": adj_lists, "features": features, "W1": W1, "W2": W2}


def reference(nodes, adj_lists, features, W1, W2):
    # Layer 1: MeanAggregator + Encoder over all nodes (needed as inputs to layer 2)
    neigh1 = jnp.mean(jnp.take(features, adj_lists, axis=0), axis=1)          # [N, D]
    combined1 = jnp.concatenate([features, neigh1], axis=1)                    # [N, 2D]
    h1_all = jax.nn.relu(combined1 @ W1.T)                                     # [N, HIDDEN] (relu from features1 lambda)
    # Layer 2: MeanAggregator + Encoder on the batch nodes
    neigh2 = jnp.mean(jnp.take(h1_all, adj_lists, axis=0), axis=1)             # [N, HIDDEN]
    self2 = jnp.take(h1_all, nodes, axis=0)
    combined2 = jnp.concatenate([self2, jnp.take(neigh2, nodes, axis=0)], axis=1)  # [B, 2*HIDDEN]
    embeds = combined2 @ W2.T                                                  # [B, NUM_CLASSES], no final relu
    return embeds

if __name__ == "__main__":
    import jax
    _d = setup_inputs()
    print(jax.jit(kernel)(*tuple(_d.values())))

</pallas_src>

<mosaic_0001>
#map = affine_map<(d0, d1) -> (0, 0)>
#map1 = affine_map<(d0, d1) -> (0, 0, 0)>
module attributes {stable_mosaic.version = 14 : i64} {
  func.func @k(%arg0: i32, %arg1: i32, %arg2: memref<10000x128xf32, #tpu.memory_space<hbm>>, %arg3: memref<32x160x64xi32, #tpu.memory_space<hbm>>, %arg4: memref<10240x128xf32, #tpu.memory_space<hbm>>, %arg5: memref<10000x128xf32, #tpu.memory_space<vmem_shared>>, %arg6: memref<160x64xi32, #tpu.memory_space<vmem>>, %arg7: memref<64x128xf32, #tpu.memory_space<vmem>>, %arg8: memref<64x128xf32, #tpu.memory_space<vmem>>, %arg9: memref<2x128xf32, #tpu.memory_space<vmem>>, %arg10: memref<2x128xf32, #tpu.memory_space<vmem>>, %arg11: memref<!tpu.dma_semaphore, #tpu.memory_space<semaphore_mem>>, %arg12: memref<!tpu.dma_semaphore, #tpu.memory_space<semaphore_mem>>, %arg13: memref<!tpu.dma_semaphore, #tpu.memory_space<semaphore_mem>>, %arg14: memref<!tpu.dma_semaphore, #tpu.memory_space<semaphore_mem>>, %arg15: memref<!tpu.dma_semaphore, #tpu.memory_space<semaphore_mem>>) attributes {dimension_semantics = [#tpu.dimension_semantics<core_parallel>, #tpu.dimension_semantics<subcore_parallel>], iteration_bounds = array<i64: 2, 16>, scalar_prefetch = 0 : i64, scratch_operands = 11 : i64, tpu.core_type = #tpu.core_type<sc_vector_subcore>, window_params = [{transform_indices = #map}, {transform_indices = #map1}, {transform_indices = #map}]} {
    %mul3A = arith.constant 2 : i32
    %mul3A_0 = arith.muli %arg1, %mul3A : i32
    %add3A = arith.addi %mul3A_0, %arg0 : i32
    %eq3A = arith.constant 0 : i32
    %eq3A_1 = arith.cmpi eq, %arg1, %eq3A : i32
    %convert_element_type3A = arith.extui %eq3A_1 : i1 to i32
    %cond3A = arith.constant 0 : i32
    %cond3A_2 = arith.cmpi ne, %convert_element_type3A, %cond3A : i32
    scf.if %cond3A_2 {
      tpu.enqueue_dma source(%arg2 : memref<10000x128xf32, #tpu.memory_space<hbm>>) target(%arg5 : memref<10000x128xf32, #tpu.memory_space<vmem_shared>>) target_semaphore(%arg15 : memref<!tpu.dma_semaphore, #tpu.memory_space<semaphore_mem>>)
      tpu.wait_dma2 semaphore(%arg15 : memref<!tpu.dma_semaphore, #tpu.memory_space<semaphore_mem>>) src(%arg2 : memref<10000x128xf32, #tpu.memory_space<hbm>>) dst(%arg5 : memref<10000x128xf32, #tpu.memory_space<vmem_shared>>)
    } else {
    }
    %barrier3A = arith.constant 0 : index
    tpu.barrier barrier_id(%barrier3A)
    "tpu.region"() ({
      %run_scoped3A = tpu.sem_alloc : memref<!tpu.dma_semaphore, #tpu.memory_space<semaphore_mem>>
      %dma_start3A_32 = arith.constant 0 : i32
      %dma_start3A_33 = arith.constant 0 : i32
      %dma_start3A_34 = tpu.memref_slice %arg3[%add3A, %dma_start3A_32, %dma_start3A_33] : memref<32x160x64xi32, #tpu.memory_space<hbm>> -> memref<1x160x64xi32, #tpu.memory_space<hbm>>
      %dma_start3A_35 = tpu.memref_squeeze %dma_start3A_34 : memref<1x160x64xi32, #tpu.memory_space<hbm>> -> memref<160x64xi32, #tpu.memory_space<hbm>>
      %dma_start3A_36 = arith.constant 0 : i32
      %dma_start3A_37 = arith.constant 0 : i32
      %dma_start3A_38 = tpu.memref_slice %arg3[%add3A, %dma_start3A_36, %dma_start3A_37] : memref<32x160x64xi32, #tpu.memory_space<hbm>> -> memref<1x160x64xi32, #tpu.memory_space<hbm>>
      %dma_start3A_39 = tpu.memref_squeeze %dma_start3A_38 : memref<1x160x64xi32, #tpu.memory_space<hbm>> -> memref<160x64xi32, #tpu.memory_space<hbm>>
      tpu.enqueue_dma source(%dma_start3A_39 : memref<160x64xi32, #tpu.memory_space<hbm>>) target(%arg6 : memref<160x64xi32, #tpu.memory_space<vmem>>) target_semaphore(%run_scoped3A : memref<!tpu.dma_semaphore, #tpu.memory_space<semaphore_mem>>)
      %dma_wait3A_40 = arith.constant 0 : i32
      %dma_wait3A_41 = arith.constant 0 : i32
      %dma_wait3A_42 = tpu.memref_slice %arg3[%add3A, %dma_wait3A_40, %dma_wait3A_41] : memref<32x160x64xi32, #tpu.memory_space<hbm>> -> memref<1x160x64xi32, #tpu.memory_space<hbm>>
      %dma_wait3A_43 = tpu.memref_squeeze %dma_wait3A_42 : memref<1x160x64xi32, #tpu.memory_space<hbm>> -> memref<160x64xi32, #tpu.memory_space<hbm>>
      %dma_wait3A_44 = arith.constant 0 : i32
      %dma_wait3A_45 = arith.constant 0 : i32
      %dma_wait3A_46 = tpu.memref_slice %arg3[%add3A, %dma_wait3A_44, %dma_wait3A_45] : memref<32x160x64xi32, #tpu.memory_space<hbm>> -> memref<1x160x64xi32, #tpu.memory_space<hbm>>
      %dma_wait3A_47 = tpu.memref_squeeze %dma_wait3A_46 : memref<1x160x64xi32, #tpu.memory_space<hbm>> -> memref<160x64xi32, #tpu.memory_space<hbm>>
      tpu.wait_dma2 semaphore(%run_scoped3A : memref<!tpu.dma_semaphore, #tpu.memory_space<semaphore_mem>>) src(%dma_wait3A_47 : memref<160x64xi32, #tpu.memory_space<hbm>>) dst(%arg6 : memref<160x64xi32, #tpu.memory_space<vmem>>)
      tpu.yield
    }) : () -> ()
    %dma_start3A = arith.constant 0 : i32
    %dma_start3A_3 = arith.constant 0 : i32
    %dma_start3A_4 = tpu.memref_slice %arg6[%dma_start3A, %dma_start3A_3] : memref<160x64xi32, #tpu.memory_space<vmem>> -> memref<1x64xi32, #tpu.memory_space<vmem>>
    %dma_start3A_5 = tpu.memref_squeeze %dma_start3A_4 : memref<1x64xi32, #tpu.memory_space<vmem>> -> memref<64xi32, #tpu.memory_space<vmem>>
    %dma_start3A_6 = arith.constant 0 : i32
    %dma_start3A_7 = arith.constant 0 : i32
    %dma_start3A_8 = tpu.memref_slice %arg5[%dma_start3A_6, %dma_start3A_7] : memref<10000x128xf32, #tpu.memory_space<vmem_shared>> -> memref<10000x128xf32, #tpu.memory_space<vmem_shared>>
    tpu.enqueue_indirect_dma source(%dma_start3A_8 : memref<10000x128xf32, #tpu.memory_space<vmem_shared>>) target(%arg7 : memref<64x128xf32, #tpu.memory_space<vmem>>) offsets(%dma_start3A_5 : memref<64xi32, #tpu.memory_space<vmem>>) semaphore(%arg11 : memref<!tpu.dma_semaphore, #tpu.memory_space<semaphore_mem>>)
    %dma_start3A_9 = arith.constant 1 : i32
    %dma_start3A_10 = arith.constant 0 : i32
    %dma_start3A_11 = tpu.memref_slice %arg6[%dma_start3A_9, %dma_start3A_10] : memref<160x64xi32, #tpu.memory_space<vmem>> -> memref<1x64xi32, #tpu.memory_space<vmem>>
    %dma_start3A_12 = tpu.memref_squeeze %dma_start3A_11 : memref<1x64xi32, #tpu.memory_space<vmem>> -> memref<64xi32, #tpu.memory_space<vmem>>
    %dma_start3A_13 = arith.constant 0 : i32
    %dma_start3A_14 = arith.constant 0 : i32
    %dma_start3A_15 = tpu.memref_slice %arg5[%dma_start3A_13, %dma_start3A_14] : memref<10000x128xf32, #tpu.memory_space<vmem_shared>> -> memref<10000x128xf32, #tpu.memory_space<vmem_shared>>
    tpu.enqueue_indirect_dma source(%dma_start3A_15 : memref<10000x128xf32, #tpu.memory_space<vmem_shared>>) target(%arg8 : memref<64x128xf32, #tpu.memory_space<vmem>>) offsets(%dma_start3A_12 : memref<64xi32, #tpu.memory_space<vmem>>) semaphore(%arg12 : memref<!tpu.dma_semaphore, #tpu.memory_space<semaphore_mem>>)
    %scan3A = arith.constant 0 : i32
    %scan3A_16 = arith.constant 0 : i32
    %scan3A_17 = arith.constant 80 : i32
    %scan3A_18 = arith.addi %scan3A_16, %scan3A_17 : i32
    %scan3A_19 = arith.constant 1 : i32
    scf.for %scan3A_32 = %scan3A_16 to %scan3A_18 step %scan3A_19  : i32 {
      %mul3A_33 = arith.constant 2 : i32
      %mul3A_34 = arith.muli %scan3A_32, %mul3A_33 : i32
      %add3A_35 = arith.constant 0 : i32
      %add3A_36 = arith.addi %mul3A_34, %add3A_35 : i32
      %dma_wait3A_37 = arith.constant 0 : i32
      %dma_wait3A_38 = tpu.memref_slice %arg6[%add3A_36, %dma_wait3A_37] : memref<160x64xi32, #tpu.memory_space<vmem>> -> memref<1x64xi32, #tpu.memory_space<vmem>>
      %dma_wait3A_39 = tpu.memref_squeeze %dma_wait3A_38 : memref<1x64xi32, #tpu.memory_space<vmem>> -> memref<64xi32, #tpu.memory_space<vmem>>
      %dma_wait3A_40 = arith.constant 0 : i32
      %dma_wait3A_41 = arith.constant 0 : i32
      %dma_wait3A_42 = tpu.memref_slice %arg5[%dma_wait3A_40, %dma_wait3A_41] : memref<10000x128xf32, #tpu.memory_space<vmem_shared>> -> memref<10000x128xf32, #tpu.memory_space<vmem_shared>>
      tpu.wait_indirect_dma semaphore(%arg11 : memref<!tpu.dma_semaphore, #tpu.memory_space<semaphore_mem>>) src(%dma_wait3A_42 : memref<10000x128xf32, #tpu.memory_space<vmem_shared>>) dst(%arg7 : memref<64x128xf32, #tpu.memory_space<vmem>>)
      %ge3A = arith.constant 2 : i32
      %ge3A_43 = arith.cmpi sge, %add3A_36, %ge3A : i32
      %convert_element_type3A_44 = arith.extui %ge3A_43 : i1 to i32
      %cond3A_45 = arith.constant 0 : i32
      %cond3A_46 = arith.cmpi ne, %convert_element_type3A_44, %cond3A_45 : i32
      scf.if %cond3A_46 {
        %mul3A_105 = arith.constant 320 : i32
        %mul3A_106 = arith.muli %add3A, %mul3A_105 : i32
        %dma_wait3A_107 = arith.constant 0 : i32
        %dma_wait3A_108 = tpu.memref_slice %arg4[%mul3A_106, %dma_wait3A_107] : memref<10240x128xf32, #tpu.memory_space<hbm>> -> memref<2x128xf32, #tpu.memory_space<hbm>>
        %dma_wait3A_109 = arith.constant 0 : i32
        %dma_wait3A_110 = tpu.memref_slice %arg4[%mul3A_106, %dma_wait3A_109] : memref<10240x128xf32, #tpu.memory_space<hbm>> -> memref<2x128xf32, #tpu.memory_space<hbm>>
        tpu.wait_dma2 semaphore(%arg13 : memref<!tpu.dma_semaphore, #tpu.memory_space<semaphore_mem>>) src(%arg9 : memref<2x128xf32, #tpu.memory_space<vmem>>) dst(%dma_wait3A_110 : memref<2x128xf32, #tpu.memory_space<hbm>>)
      } else {
      }
      %scan3A_47 = arith.constant 0 : i32
      %scan3A_48 = arith.constant 0 : i32
      %scan3A_49 = arith.constant 8 : i32
      %scan3A_50 = arith.addi %scan3A_48, %scan3A_49 : i32
      %scan3A_51 = arith.constant 1 : i32
      scf.for %scan3A_105 = %scan3A_48 to %scan3A_50 step %scan3A_51  : i32 {
        %mul3A_106 = arith.constant 16 : i32
        %mul3A_107 = arith.muli %scan3A_105, %mul3A_106 : i32
        %get3A = arith.constant 0 : i32
        %get3A_108 = arith.index_cast %get3A : i32 to index
        %get3A_109 = arith.index_cast %mul3A_107 : i32 to index
        %get3A_110 = tpu.vector_load %arg7[%get3A_108, %get3A_109] {strides = array<i32>} : memref<64x128xf32, #tpu.memory_space<vmem>>, vector<1x16xf32>,
        %get3A_111 = vector.shape_cast %get3A_110 : vector<1x16xf32> to vector<16xf32>
        %get3A_112 = arith.constant 1 : i32
        %get3A_113 = arith.index_cast %get3A_112 : i32 to index
        %get3A_114 = arith.index_cast %mul3A_107 : i32 to index
        %get3A_115 = tpu.vector_load %arg7[%get3A_113, %get3A_114] {strides = array<i32>} : memref<64x128xf32, #tpu.memory_space<vmem>>, vector<1x16xf32>,
        %get3A_116 = vector.shape_cast %get3A_115 : vector<1x16xf32> to vector<16xf32>
        %get3A_117 = arith.constant 2 : i32
        %get3A_118 = arith.index_cast %get3A_117 : i32 to index
        %get3A_119 = arith.index_cast %mul3A_107 : i32 to index
        %get3A_120 = tpu.vector_load %arg7[%get3A_118, %get3A_119] {strides = array<i32>} : memref<64x128xf32, #tpu.memory_space<vmem>>, vector<1x16xf32>,
        %get3A_121 = vector.shape_cast %get3A_120 : vector<1x16xf32> to vector<16xf32>
        %get3A_122 = arith.constant 3 : i32
        %get3A_123 = arith.index_cast %get3A_122 : i32 to index
        %get3A_124 = arith.index_cast %mul3A_107 : i32 to index
        %get3A_125 = tpu.vector_load %arg7[%get3A_123, %get3A_124] {strides = array<i32>} : memref<64x128xf32, #tpu.memory_space<vmem>>, vector<1x16xf32>,
        %get3A_126 = vector.shape_cast %get3A_125 : vector<1x16xf32> to vector<16xf32>
        %get3A_127 = arith.constant 4 : i32
        %get3A_128 = arith.index_cast %get3A_127 : i32 to index
        %get3A_129 = arith.index_cast %mul3A_107 : i32 to index
        %get3A_130 = tpu.vector_load %arg7[%get3A_128, %get3A_129] {strides = array<i32>} : memref<64x128xf32, #tpu.memory_space<vmem>>, vector<1x16xf32>,
        %get3A_131 = vector.shape_cast %get3A_130 : vector<1x16xf32> to vector<16xf32>
        %get3A_132 = arith.constant 5 : i32
        %get3A_133 = arith.index_cast %get3A_132 : i32 to index
        %get3A_134 = arith.index_cast %mul3A_107 : i32 to index
        %get3A_135 = tpu.vector_load %arg7[%get3A_133, %get3A_134] {strides = array<i32>} : memref<64x128xf32, #tpu.memory_space<vmem>>, vector<1x16xf32>,
        %get3A_136 = vector.shape_cast %get3A_135 : vector<1x16xf32> to vector<16xf32>
        %get3A_137 = arith.constant 6 : i32
        %get3A_138 = arith.index_cast %get3A_137 : i32 to index
        %get3A_139 = arith.index_cast %mul3A_107 : i32 to index
        %get3A_140 = tpu.vector_load %arg7[%get3A_138, %get3A_139] {strides = array<i32>} : memref<64x128xf32, #tpu.memory_space<vmem>>, vector<1x16xf32>,
        %get3A_141 = vector.shape_cast %get3A_140 : vector<1x16xf32> to vector<16xf32>
        %get3A_142 = arith.constant 7 : i32
        %get3A_143 = arith.index_cast %get3A_142 : i32 to index
        %get3A_144 = arith.index_cast %mul3A_107 : i32 to index
        %get3A_145 = tpu.vector_load %arg7[%get3A_143, %get3A_144] {strides = array<i32>} : memref<64x128xf32, #tpu.memory_space<vmem>>, vector<1x16xf32>,
        %get3A_146 = vector.shape_cast %get3A_145 : vector<1x16xf32> to vector<16xf32>
        %get3A_147 = arith.constant 8 : i32
        %get3A_148 = arith.index_cast %get3A_147 : i32 to index
        %get3A_149 = arith.index_cast %mul3A_107 : i32 to index
        %get3A_150 = tpu.vector_load %arg7[%get3A_148, %get3A_149] {strides = array<i32>} : memref<64x128xf32, #tpu.memory_space<vmem>>, vector<1x16xf32>,
        %get3A_151 = vector.shape_cast %get3A_150 : vector<1x16xf32> to vector<16xf32>
        %get3A_152 = arith.constant 9 : i32
        %get3A_153 = arith.index_cast %get3A_152 : i32 to index
        %get3A_154 = arith.index_cast %mul3A_107 : i32 to index
        %get3A_155 = tpu.vector_load %arg7[%get3A_153, %get3A_154] {strides = array<i32>} : memref<64x128xf32, #tpu.memory_space<vmem>>, vector<1x16xf32>,
        %get3A_156 = vector.shape_cast %get3A_155 : vector<1x16xf32> to vector<16xf32>
        %get3A_157 = arith.constant 10 : i32
        %get3A_158 = arith.index_cast %get3A_157 : i32 to index
        %get3A_159 = arith.index_cast %mul3A_107 : i32 to index
        %get3A_160 = tpu.vector_load %arg7[%get3A_158, %get3A_159] {strides = array<i32>} : memref<64x128xf32, #tpu.memory_space<vmem>>, vector<1x16xf32>,
        %get3A_161 = vector.shape_cast %get3A_160 : vector<1x16xf32> to vector<16xf32>
        %get3A_162 = arith.constant 11 : i32
        %get3A_163 = arith.index_cast %get3A_162 : i32 to index
        %get3A_164 = arith.index_cast %mul3A_107 : i32 to index
        %get3A_165 = tpu.vector_load %arg7[%get3A_163, %get3A_164] {strides = array<i32>} : memref<64x128xf32, #tpu.memory_space<vmem>>, vector<1x16xf32>,
        %get3A_166 = vector.shape_cast %get3A_165 : vector<1x16xf32> to vector<16xf32>
        %get3A_167 = arith.constant 12 : i32
        %get3A_168 = arith.index_cast %get3A_167 : i32 to index
        %get3A_169 = arith.index_cast %mul3A_107 : i32 to index
        %get3A_170 = tpu.vector_load %arg7[%get3A_168, %get3A_169] {strides = array<i32>} : memref<64x128xf32, #tpu.memory_space<vmem>>, vector<1x16xf32>,
        %get3A_171 = vector.shape_cast %get3A_170 : vector<1x16xf32> to vector<16xf32>
        %get3A_172 = arith.constant 13 : i32
        %get3A_173 = arith.index_cast %get3A_172 : i32 to index
        %get3A_174 = arith.index_cast %mul3A_107 : i32 to index
        %get3A_175 = tpu.vector_load %arg7[%get3A_173, %get3A_174] {strides = array<i32>} : memref<64x128xf32, #tpu.memory_space<vmem>>, vector<1x16xf32>,
        %get3A_176 = vector.shape_cast %get3A_175 : vector<1x16xf32> to vector<16xf32>
        %get3A_177 = arith.constant 14 : i32
        %get3A_178 = arith.index_cast %get3A_177 : i32 to index
        %get3A_179 = arith.index_cast %mul3A_107 : i32 to index
        %get3A_180 = tpu.vector_load %arg7[%get3A_178, %get3A_179] {strides = array<i32>} : memref<64x128xf32, #tpu.memory_space<vmem>>, vector<1x16xf32>,
        %get3A_181 = vector.shape_cast %get3A_180 : vector<1x16xf32> to vector<16xf32>
        %get3A_182 = arith.constant 15 : i32
        %get3A_183 = arith.index_cast %get3A_182 : i32 to index
        %get3A_184 = arith.index_cast %mul3A_107 : i32 to index
        %get3A_185 = tpu.vector_load %arg7[%get3A_183, %get3A_184] {strides = array<i32>} : memref<64x128xf32, #tpu.memory_space<vmem>>, vector<1x16xf32>,
        %get3A_186 = vector.shape_cast %get3A_185 : vector<1x16xf32> to vector<16xf32>
        %get3A_187 = arith.constant 16 : i32
        %get3A_188 = arith.index_cast %get3A_187 : i32 to index
        %get3A_189 = arith.index_cast %mul3A_107 : i32 to index
        %get3A_190 = tpu.vector_load %arg7[%get3A_188, %get3A_189] {strides = array<i32>} : memref<64x128xf32, #tpu.memory_space<vmem>>, vector<1x16xf32>,
        %get3A_191 = vector.shape_cast %get3A_190 : vector<1x16xf32> to vector<16xf32>
        %get3A_192 = arith.constant 17 : i32
        %get3A_193 = arith.index_cast %get3A_192 : i32 to index
        %get3A_194 = arith.index_cast %mul3A_107 : i32 to index
        %get3A_195 = tpu.vector_load %arg7[%get3A_193, %get3A_194] {strides = array<i32>} : memref<64x128xf32, #tpu.memory_space<vmem>>, vector<1x16xf32>,
        %get3A_196 = vector.shape_cast %get3A_195 : vector<1x16xf32> to vector<16xf32>
        %get3A_197 = arith.constant 18 : i32
        %get3A_198 = arith.index_cast %get3A_197 : i32 to index
        %get3A_199 = arith.index_cast %mul3A_107 : i32 to index
        %get3A_200 = tpu.vector_load %arg7[%get3A_198, %get3A_199] {strides = array<i32>} : memref<64x128xf32, #tpu.memory_space<vmem>>, vector<1x16xf32>,
        %get3A_201 = vector.shape_cast %get3A_200 : vector<1x16xf32> to vector<16xf32>
        %get3A_202 = arith.constant 19 : i32
        %get3A_203 = arith.index_cast %get3A_202 : i32 to index
        %get3A_204 = arith.index_cast %mul3A_107 : i32 to index
        %get3A_205 = tpu.vector_load %arg7[%get3A_203, %get3A_204] {strides = array<i32>} : memref<64x128xf32, #tpu.memory_space<vmem>>, vector<1x16xf32>,
        %get3A_206 = vector.shape_cast %get3A_205 : vector<1x16xf32> to vector<16xf32>
        %get3A_207 = arith.constant 20 : i32
        %get3A_208 = arith.index_cast %get3A_207 : i32 to index
        %get3A_209 = arith.index_cast %mul3A_107 : i32 to index
        %get3A_210 = tpu.vector_load %arg7[%get3A_208, %get3A_209] {strides = array<i32>} : memref<64x128xf32, #tpu.memory_space<vmem>>, vector<1x16xf32>,
        %get3A_211 = vector.shape_cast %get3A_210 : vector<1x16xf32> to vector<16xf32>
        %get3A_212 = arith.constant 21 : i32
        %get3A_213 = arith.index_cast %get3A_212 : i32 to index
        %get3A_214 = arith.index_cast %mul3A_107 : i32 to index
        %get3A_215 = tpu.vector_load %arg7[%get3A_213, %get3A_214] {strides = array<i32>} : memref<64x128xf32, #tpu.memory_space<vmem>>, vector<1x16xf32>,
        %get3A_216 = vector.shape_cast %get3A_215 : vector<1x16xf32> to vector<16xf32>
        %get3A_217 = arith.constant 22 : i32
        %get3A_218 = arith.index_cast %get3A_217 : i32 to index
        %get3A_219 = arith.index_cast %mul3A_107 : i32 to index
        %get3A_220 = tpu.vector_load %arg7[%get3A_218, %get3A_219] {strides = array<i32>} : memref<64x128xf32, #tpu.memory_space<vmem>>, vector<1x16xf32>,
        %get3A_221 = vector.shape_cast %get3A_220 : vector<1x16xf32> to vector<16xf32>
        %get3A_222 = arith.constant 23 : i32
        %get3A_223 = arith.index_cast %get3A_222 : i32 to index
        %get3A_224 = arith.index_cast %mul3A_107 : i32 to index
        %get3A_225 = tpu.vector_load %arg7[%get3A_223, %get3A_224] {strides = array<i32>} : memref<64x128xf32, #tpu.memory_space<vmem>>, vector<1x16xf32>,
        %get3A_226 = vector.shape_cast %get3A_225 : vector<1x16xf32> to vector<16xf32>
        %get3A_227 = arith.constant 24 : i32
        %get3A_228 = arith.index_cast %get3A_227 : i32 to index
        %get3A_229 = arith.index_cast %mul3A_107 : i32 to index
        %get3A_230 = tpu.vector_load %arg7[%get3A_228, %get3A_229] {strides = array<i32>} : memref<64x128xf32, #tpu.memory_space<vmem>>, vector<1x16xf32>,
        %get3A_231 = vector.shape_cast %get3A_230 : vector<1x16xf32> to vector<16xf32>
        %get3A_232 = arith.constant 25 : i32
        %get3A_233 = arith.index_cast %get3A_232 : i32 to index
        %get3A_234 = arith.index_cast %mul3A_107 : i32 to index
        %get3A_235 = tpu.vector_load %arg7[%get3A_233, %get3A_234] {strides = array<i32>} : memref<64x128xf32, #tpu.memory_space<vmem>>, vector<1x16xf32>,
        %get3A_236 = vector.shape_cast %get3A_235 : vector<1x16xf32> to vector<16xf32>
        %get3A_237 = arith.constant 26 : i32
        %get3A_238 = arith.index_cast %get3A_237 : i32 to index
        %get3A_239 = arith.index_cast %mul3A_107 : i32 to index
        %get3A_240 = tpu.vector_load %arg7[%get3A_238, %get3A_239] {strides = array<i32>} : memref<64x128xf32, #tpu.memory_space<vmem>>, vector<1x16xf32>,
        %get3A_241 = vector.shape_cast %get3A_240 : vector<1x16xf32> to vector<16xf32>
        %get3A_242 = arith.constant 27 : i32
        %get3A_243 = arith.index_cast %get3A_242 : i32 to index
        %get3A_244 = arith.index_cast %mul3A_107 : i32 to index
        %get3A_245 = tpu.vector_load %arg7[%get3A_243, %get3A_244] {strides = array<i32>} : memref<64x128xf32, #tpu.memory_space<vmem>>, vector<1x16xf32>,
        %get3A_246 = vector.shape_cast %get3A_245 : vector<1x16xf32> to vector<16xf32>
        %get3A_247 = arith.constant 28 : i32
        %get3A_248 = arith.index_cast %get3A_247 : i32 to index
        %get3A_249 = arith.index_cast %mul3A_107 : i32 to index
        %get3A_250 = tpu.vector_load %arg7[%get3A_248, %get3A_249] {strides = array<i32>} : memref<64x128xf32, #tpu.memory_space<vmem>>, vector<1x16xf32>,
        %get3A_251 = vector.shape_cast %get3A_250 : vector<1x16xf32> to vector<16xf32>
        %get3A_252 = arith.constant 29 : i32
        %get3A_253 = arith.index_cast %get3A_252 : i32 to index
        %get3A_254 = arith.index_cast %mul3A_107 : i32 to index
        %get3A_255 = tpu.vector_load %arg7[%get3A_253, %get3A_254] {strides = array<i32>} : memref<64x128xf32, #tpu.memory_space<vmem>>, vector<1x16xf32>,
        %get3A_256 = vector.shape_cast %get3A_255 : vector<1x16xf32> to vector<16xf32>
        %get3A_257 = arith.constant 30 : i32
        %get3A_258 = arith.index_cast %get3A_257 : i32 to index
        %get3A_259 = arith.index_cast %mul3A_107 : i32 to index
        %get3A_260 = tpu.vector_load %arg7[%get3A_258, %get3A_259] {strides = array<i32>} : memref<64x128xf32, #tpu.memory_space<vmem>>, vector<1x16xf32>,
        %get3A_261 = vector.shape_cast %get3A_260 : vector<1x16xf32> to vector<16xf32>
        %get3A_262 = arith.constant 31 : i32
        %get3A_263 = arith.index_cast %get3A_262 : i32 to index
        %get3A_264 = arith.index_cast %mul3A_107 : i32 to index
        %get3A_265 = tpu.vector_load %arg7[%get3A_263, %get3A_264] {strides = array<i32>} : memref<64x128xf32, #tpu.memory_space<vmem>>, vector<1x16xf32>,
        %get3A_266 = vector.shape_cast %get3A_265 : vector<1x16xf32> to vector<16xf32>
        %add3A_267 = arith.addf %get3A_111, %get3A_116 : vector<16xf32>
        %add3A_268 = arith.addf %get3A_121, %get3A_126 : vector<16xf32>
        %add3A_269 = arith.addf %get3A_131, %get3A_136 : vector<16xf32>
        %add3A_270 = arith.addf %get3A_141, %get3A_146 : vector<16xf32>
        %add3A_271 = arith.addf %get3A_151, %get3A_156 : vector<16xf32>
        %add3A_272 = arith.addf %get3A_161, %get3A_166 : vector<16xf32>
        %add3A_273 = arith.addf %get3A_171, %get3A_176 : vector<16xf32>
        %add3A_274 = arith.addf %get3A_181, %get3A_186 : vector<16xf32>
        %add3A_275 = arith.addf %get3A_191, %get3A_196 : vector<16xf32>
        %add3A_276 = arith.addf %get3A_201, %get3A_206 : vector<16xf32>
        %add3A_277 = arith.addf %get3A_211, %get3A_216 : vector<16xf32>
        %add3A_278 = arith.addf %get3A_221, %get3A_226 : vector<16xf32>
        %add3A_279 = arith.addf %get3A_231, %get3A_236 : vector<16xf32>
        %add3A_280 = arith.addf %get3A_241, %get3A_246 : vector<16xf32>
        %add3A_281 = arith.addf %get3A_251, %get3A_256 : vector<16xf32>
        %add3A_282 = arith.addf %get3A_261, %get3A_266 : vector<16xf32>
        %add3A_283 = arith.addf %add3A_267, %add3A_268 : vector<16xf32>
        %add3A_284 = arith.addf %add3A_269, %add3A_270 : vector<16xf32>
        %add3A_285 = arith.addf %add3A_271, %add3A_272 : vector<16xf32>
        %add3A_286 = arith.addf %add3A_273, %add3A_274 : vector<16xf32>
        %add3A_287 = arith.addf %add3A_275, %add3A_276 : vector<16xf32>
        %add3A_288 = arith.addf %add3A_277, %add3A_278 : vector<16xf32>
        %add3A_289 = arith.addf %add3A_279, %add3A_280 : vector<16xf32>
        %add3A_290 = arith.addf %add3A_281, %add3A_282 : vector<16xf32>
        %add3A_291 = arith.addf %add3A_283, %add3A_284 : vector<16xf32>
        %add3A_292 = arith.addf %add3A_285, %add3A_286 : vector<16xf32>
        %add3A_293 = arith.addf %add3A_287, %add3A_288 : vector<16xf32>
        %add3A_294 = arith.addf %add3A_289, %add3A_290 : vector<16xf32>
        %add3A_295 = arith.addf %add3A_291, %add3A_292 : vector<16xf32>
        %add3A_296 = arith.addf %add3A_293, %add3A_294 : vector<16xf32>
        %add3A_297 = arith.addf %add3A_295, %add3A_296 : vector<16xf32>
        %swap3A = arith.constant 0 : i32
        %swap3A_298 = arith.index_cast %swap3A : i32 to index
        %swap3A_299 = arith.index_cast %mul3A_107 : i32 to index
        %swap3A_300 = tpu.vector_load %arg9[%swap3A_298, %swap3A_299] {strides = array<i32>} : memref<2x128xf32, #tpu.memory_space<vmem>>, vector<1x16xf32>,
        %swap3A_301 = vector.shape_cast %swap3A_300 : vector<1x16xf32> to vector<16xf32>
        %swap3A_302 = vector.shape_cast %add3A_297 : vector<16xf32> to vector<1x16xf32>
        tpu.vector_store %arg9[%swap3A_298, %swap3A_299], %swap3A_302 {strides = array<i32>} : memref<2x128xf32, #tpu.memory_space<vmem>>, vector<1x16xf32>,
        %get3A_303 = arith.constant 32 : i32
        %get3A_304 = arith.index_cast %get3A_303 : i32 to index
        %get3A_305 = arith.index_cast %mul3A_107 : i32 to index
        %get3A_306 = tpu.vector_load %arg7[%get3A_304, %get3A_305] {strides = array<i32>} : memref<64x128xf32, #tpu.memory_space<vmem>>, vector<1x16xf32>,
        %get3A_307 = vector.shape_cast %get3A_306 : vector<1x16xf32> to vector<16xf32>
        %get3A_308 = arith.constant 33 : i32
        %get3A_309 = arith.index_cast %get3A_308 : i32 to index
        %get3A_310 = arith.index_cast %mul3A_107 : i32 to index
        %get3A_311 = tpu.vector_load %arg7[%get3A_309, %get3A_310] {strides = array<i32>} : memref<64x128xf32, #tpu.memory_space<vmem>>, vector<1x16xf32>,
        %get3A_312 = vector.shape_cast %get3A_311 : vector<1x16xf32> to vector<16xf32>
        %get3A_313 = arith.constant 34 : i32
        %get3A_314 = arith.index_cast %get3A_313 : i32 to index
        %get3A_315 = arith.index_cast %mul3A_107 : i32 to index
        %get3A_316 = tpu.vector_load %arg7[%get3A_314, %get3A_315] {strides = array<i32>} : memref<64x128xf32, #tpu.memory_space<vmem>>, vector<1x16xf32>,
        %get3A_317 = vector.shape_cast %get3A_316 : vector<1x16xf32> to vector<16xf32>
        %get3A_318 = arith.constant 35 : i32
        %get3A_319 = arith.index_cast %get3A_318 : i32 to index
        %get3A_320 = arith.index_cast %mul3A_107 : i32 to index
        %get3A_321 = tpu.vector_load %arg7[%get3A_319, %get3A_320] {strides = array<i32>} : memref<64x128xf32, #tpu.memory_space<vmem>>, vector<1x16xf32>,
        %get3A_322 = vector.shape_cast %get3A_321 : vector<1x16xf32> to vector<16xf32>
        %get3A_323 = arith.constant 36 : i32
        %get3A_324 = arith.index_cast %get3A_323 : i32 to index
        %get3A_325 = arith.index_cast %mul3A_107 : i32 to index
        %get3A_326 = tpu.vector_load %arg7[%get3A_324, %get3A_325] {strides = array<i32>} : memref<64x128xf32, #tpu.memory_space<vmem>>, vector<1x16xf32>,
        %get3A_327 = vector.shape_cast %get3A_326 : vector<1x16xf32> to vector<16xf32>
        %get3A_328 = arith.constant 37 : i32
        %get3A_329 = arith.index_cast %get3A_328 : i32 to index
        %get3A_330 = arith.index_cast %mul3A_107 : i32 to index
        %get3A_331 = tpu.vector_load %arg7[%get3A_329, %get3A_330] {strides = array<i32>} : memref<64x128xf32, #tpu.memory_space<vmem>>, vector<1x16xf32>,
        %get3A_332 = vector.shape_cast %get3A_331 : vector<1x16xf32> to vector<16xf32>
        %get3A_333 = arith.constant 38 : i32
        %get3A_334 = arith.index_cast %get3A_333 : i32 to index
        %get3A_335 = arith.index_cast %mul3A_107 : i32 to index
        %get3A_336 = tpu.vector_load %arg7[%get3A_334, %get3A_335] {strides = array<i32>} : memref<64x128xf32, #tpu.memory_space<vmem>>, vector<1x16xf32>,
        %get3A_337 = vector.shape_cast %get3A_336 : vector<1x16xf32> to vector<16xf32>
        %get3A_338 = arith.constant 39 : i32
        %get3A_339 = arith.index_cast %get3A_338 : i32 to index
        %get3A_340 = arith.index_cast %mul3A_107 : i32 to index
        %get3A_341 = tpu.vector_load %arg7[%get3A_339, %get3A_340] {strides = array<i32>} : memref<64x128xf32, #tpu.memory_space<vmem>>, vector<1x16xf32>,
        %get3A_342 = vector.shape_cast %get3A_341 : vector<1x16xf32> to vector<16xf32>
        %get3A_343 = arith.constant 40 : i32
        %get3A_344 = arith.index_cast %get3A_343 : i32 to index
        %get3A_345 = arith.index_cast %mul3A_107 : i32 to index
        %get3A_346 = tpu.vector_load %arg7[%get3A_344, %get3A_345] {strides = array<i32>} : memref<64x128xf32, #tpu.memory_space<vmem>>, vector<1x16xf32>,
        %get3A_347 = vector.shape_cast %get3A_346 : vector<1x16xf32> to vector<16xf32>
        %get3A_348 = arith.constant 41 : i32
        %get3A_349 = arith.index_cast %get3A_348 : i32 to index
        %get3A_350 = arith.index_cast %mul3A_107 : i32 to index
        %get3A_351 = tpu.vector_load %arg7[%get3A_349, %get3A_350] {strides = array<i32>} : memref<64x128xf32, #tpu.memory_space<vmem>>, vector<1x16xf32>,
        %get3A_352 = vector.shape_cast %get3A_351 : vector<1x16xf32> to vector<16xf32>
        %get3A_353 = arith.constant 42 : i32
        %get3A_354 = arith.index_cast %get3A_353 : i32 to index
        %get3A_355 = arith.index_cast %mul3A_107 : i32 to index
        %get3A_356 = tpu.vector_load %arg7[%get3A_354, %get3A_355] {strides = array<i32>} : memref<64x128xf32, #tpu.memory_space<vmem>>, vector<1x16xf32>,
        %get3A_357 = vector.shape_cast %get3A_356 : vector<1x16xf32> to vector<16xf32>
        %get3A_358 = arith.constant 43 : i32
        %get3A_359 = arith.index_cast %get3A_358 : i32 to index
        %get3A_360 = arith.index_cast %mul3A_107 : i32 to index
        %get3A_361 = tpu.vector_load %arg7[%get3A_359, %get3A_360] {strides = array<i32>} : memref<64x128xf32, #tpu.memory_space<vmem>>, vector<1x16xf32>,
        %get3A_362 = vector.shape_cast %get3A_361 : vector<1x16xf32> to vector<16xf32>
        %get3A_363 = arith.constant 44 : i32
        %get3A_364 = arith.index_cast %get3A_363 : i32 to index
        %get3A_365 = arith.index_cast %mul3A_107 : i32 to index
        %get3A_366 = tpu.vector_load %arg7[%get3A_364, %get3A_365] {strides = array<i32>} : memref<64x128xf32, #tpu.memory_space<vmem>>, vector<1x16xf32>,
        %get3A_367 = vector.shape_cast %get3A_366 : vector<1x16xf32> to vector<16xf32>
        %get3A_368 = arith.constant 45 : i32
        %get3A_369 = arith.index_cast %get3A_368 : i32 to index
        %get3A_370 = arith.index_cast %mul3A_107 : i32 to index
        %get3A_371 = tpu.vector_load %arg7[%get3A_369, %get3A_370] {strides = array<i32>} : memref<64x128xf32, #tpu.memory_space<vmem>>, vector<1x16xf32>,
        %get3A_372 = vector.shape_cast %get3A_371 : vector<1x16xf32> to vector<16xf32>
        %get3A_373 = arith.constant 46 : i32
        %get3A_374 = arith.index_cast %get3A_373 : i32 to index
        %get3A_375 = arith.index_cast %mul3A_107 : i32 to index
        %get3A_376 = tpu.vector_load %arg7[%get3A_374, %get3A_375] {strides = array<i32>} : memref<64x128xf32, #tpu.memory_space<vmem>>, vector<1x16xf32>,
        %get3A_377 = vector.shape_cast %get3A_376 : vector<1x16xf32> to vector<16xf32>
        %get3A_378 = arith.constant 47 : i32
        %get3A_379 = arith.index_cast %get3A_378 : i32 to index
        %get3A_380 = arith.index_cast %mul3A_107 : i32 to index
        %get3A_381 = tpu.vector_load %arg7[%get3A_379, %get3A_380] {strides = array<i32>} : memref<64x128xf32, #tpu.memory_space<vmem>>, vector<1x16xf32>,
        %get3A_382 = vector.shape_cast %get3A_381 : vector<1x16xf32> to vector<16xf32>
        %get3A_383 = arith.constant 48 : i32
        %get3A_384 = arith.index_cast %get3A_383 : i32 to index
        %get3A_385 = arith.index_cast %mul3A_107 : i32 to index
        %get3A_386 = tpu.vector_load %arg7[%get3A_384, %get3A_385] {strides = array<i32>} : memref<64x128xf32, #tpu.memory_space<vmem>>, vector<1x16xf32>,
        %get3A_387 = vector.shape_cast %get3A_386 : vector<1x16xf32> to vector<16xf32>
        %get3A_388 = arith.constant 49 : i32
        %get3A_389 = arith.index_cast %get3A_388 : i32 to index
        %get3A_390 = arith.index_cast %mul3A_107 : i32 to index
        %get3A_391 = tpu.vector_load %arg7[%get3A_389, %get3A_390] {strides = array<i32>} : memref<64x128xf32, #tpu.memory_space<vmem>>, vector<1x16xf32>,
        %get3A_392 = vector.shape_cast %get3A_391 : vector<1x16xf32> to vector<16xf32>
        %get3A_393 = arith.constant 50 : i32
        %get3A_394 = arith.index_cast %get3A_393 : i32 to index
        %get3A_395 = arith.index_cast %mul3A_107 : i32 to index
        %get3A_396 = tpu.vector_load %arg7[%get3A_394, %get3A_395] {strides = array<i32>} : memref<64x128xf32, #tpu.memory_space<vmem>>, vector<1x16xf32>,
        %get3A_397 = vector.shape_cast %get3A_396 : vector<1x16xf32> to vector<16xf32>
        %get3A_398 = arith.constant 51 : i32
        %get3A_399 = arith.index_cast %get3A_398 : i32 to index
        %get3A_400 = arith.index_cast %mul3A_107 : i32 to index
        %get3A_401 = tpu.vector_load %arg7[%get3A_399, %get3A_400] {strides = array<i32>} : memref<64x128xf32, #tpu.memory_space<vmem>>, vector<1x16xf32>,
        %get3A_402 = vector.shape_cast %get3A_401 : vector<1x16xf32> to vector<16xf32>
        %get3A_403 = arith.constant 52 : i32
        %get3A_404 = arith.index_cast %get3A_403 : i32 to index
        %get3A_405 = arith.index_cast %mul3A_107 : i32 to index
        %get3A_406 = tpu.vector_load %arg7[%get3A_404, %get3A_405] {strides = array<i32>} : memref<64x128xf32, #tpu.memory_space<vmem>>, vector<1x16xf32>,
        %get3A_407 = vector.shape_cast %get3A_406 : vector<1x16xf32> to vector<16xf32>
        %get3A_408 = arith.constant 53 : i32
        %get3A_409 = arith.index_cast %get3A_408 : i32 to index
        %get3A_410 = arith.index_cast %mul3A_107 : i32 to index
        %get3A_411 = tpu.vector_load %arg7[%get3A_409, %get3A_410] {strides = array<i32>} : memref<64x128xf32, #tpu.memory_space<vmem>>, vector<1x16xf32>,
        %get3A_412 = vector.shape_cast %get3A_411 : vector<1x16xf32> to vector<16xf32>
        %get3A_413 = arith.constant 54 : i32
        %get3A_414 = arith.index_cast %get3A_413 : i32 to index
        %get3A_415 = arith.index_cast %mul3A_107 : i32 to index
        %get3A_416 = tpu.vector_load %arg7[%get3A_414, %get3A_415] {strides = array<i32>} : memref<64x128xf32, #tpu.memory_space<vmem>>, vector<1x16xf32>,
        %get3A_417 = vector.shape_cast %get3A_416 : vector<1x16xf32> to vector<16xf32>
        %get3A_418 = arith.constant 55 : i32
        %get3A_419 = arith.index_cast %get3A_418 : i32 to index
        %get3A_420 = arith.index_cast %mul3A_107 : i32 to index
        %get3A_421 = tpu.vector_load %arg7[%get3A_419, %get3A_420] {strides = array<i32>} : memref<64x128xf32, #tpu.memory_space<vmem>>, vector<1x16xf32>,
        %get3A_422 = vector.shape_cast %get3A_421 : vector<1x16xf32> to vector<16xf32>
        %get3A_423 = arith.constant 56 : i32
        %get3A_424 = arith.index_cast %get3A_423 : i32 to index
        %get3A_425 = arith.index_cast %mul3A_107 : i32 to index
        %get3A_426 = tpu.vector_load %arg7[%get3A_424, %get3A_425] {strides = array<i32>} : memref<64x128xf32, #tpu.memory_space<vmem>>, vector<1x16xf32>,
        %get3A_427 = vector.shape_cast %get3A_426 : vector<1x16xf32> to vector<16xf32>
        %get3A_428 = arith.constant 57 : i32
        %get3A_429 = arith.index_cast %get3A_428 : i32 to index
        %get3A_430 = arith.index_cast %mul3A_107 : i32 to index
        %get3A_431 = tpu.vector_load %arg7[%get3A_429, %get3A_430] {strides = array<i32>} : memref<64x128xf32, #tpu.memory_space<vmem>>, vector<1x16xf32>,
        %get3A_432 = vector.shape_cast %get3A_431 : vector<1x16xf32> to vector<16xf32>
        %get3A_433 = arith.constant 58 : i32
        %get3A_434 = arith.index_cast %get3A_433 : i32 to index
        %get3A_435 = arith.index_cast %mul3A_107 : i32 to index
        %get3A_436 = tpu.vector_load %arg7[%get3A_434, %get3A_435] {strides = array<i32>} : memref<64x128xf32, #tpu.memory_space<vmem>>, vector<1x16xf32>,
        %get3A_437 = vector.shape_cast %get3A_436 : vector<1x16xf32> to vector<16xf32>
        %get3A_438 = arith.constant 59 : i32
        %get3A_439 = arith.index_cast %get3A_438 : i32 to index
        %get3A_440 = arith.index_cast %mul3A_107 : i32 to index
        %get3A_441 = tpu.vector_load %arg7[%get3A_439, %get3A_440] {strides = array<i32>} : memref<64x128xf32, #tpu.memory_space<vmem>>, vector<1x16xf32>,
        %get3A_442 = vector.shape_cast %get3A_441 : vector<1x16xf32> to vector<16xf32>
        %get3A_443 = arith.constant 60 : i32
        %get3A_444 = arith.index_cast %get3A_443 : i32 to index
        %get3A_445 = arith.index_cast %mul3A_107 : i32 to index
        %get3A_446 = tpu.vector_load %arg7[%get3A_444, %get3A_445] {strides = array<i32>} : memref<64x128xf32, #tpu.memory_space<vmem>>, vector<1x16xf32>,
        %get3A_447 = vector.shape_cast %get3A_446 : vector<1x16xf32> to vector<16xf32>
        %get3A_448 = arith.constant 61 : i32
        %get3A_449 = arith.index_cast %get3A_448 : i32 to index
        %get3A_450 = arith.index_cast %mul3A_107 : i32 to index
        %get3A_451 = tpu.vector_load %arg7[%get3A_449, %get3A_450] {strides = array<i32>} : memref<64x128xf32, #tpu.memory_space<vmem>>, vector<1x16xf32>,
        %get3A_452 = vector.shape_cast %get3A_451 : vector<1x16xf32> to vector<16xf32>
        %get3A_453 = arith.constant 62 : i32
        %get3A_454 = arith.index_cast %get3A_453 : i32 to index
        %get3A_455 = arith.index_cast %mul3A_107 : i32 to index
        %get3A_456 = tpu.vector_load %arg7[%get3A_454, %get3A_455] {strides = array<i32>} : memref<64x128xf32, #tpu.memory_space<vmem>>, vector<1x16xf32>,
        %get3A_457 = vector.shape_cast %get3A_456 : vector<1x16xf32> to vector<16xf32>
        %get3A_458 = arith.constant 63 : i32
        %get3A_459 = arith.index_cast %get3A_458 : i32 to index
        %get3A_460 = arith.index_cast %mul3A_107 : i32 to index
        %get3A_461 = tpu.vector_load %arg7[%get3A_459, %get3A_460] {strides = array<i32>} : memref<64x128xf32, #tpu.memory_space<vmem>>, vector<1x16xf32>,
        %get3A_462 = vector.shape_cast %get3A_461 : vector<1x16xf32> to vector<16xf32>
        %add3A_463 = arith.addf %get3A_307, %get3A_312 : vector<16xf32>
        %add3A_464 = arith.addf %get3A_317, %get3A_322 : vector<16xf32>
        %add3A_465 = arith.addf %get3A_327, %get3A_332 : vector<16xf32>
        %add3A_466 = arith.addf %get3A_337, %get3A_342 : vector<16xf32>
        %add3A_467 = arith.addf %get3A_347, %get3A_352 : vector<16xf32>
        %add3A_468 = arith.addf %get3A_357, %get3A_362 : vector<16xf32>
        %add3A_469 = arith.addf %get3A_367, %get3A_372 : vector<16xf32>
        %add3A_470 = arith.addf %get3A_377, %get3A_382 : vector<16xf32>
        %add3A_471 = arith.addf %get3A_387, %get3A_392 : vector<16xf32>
        %add3A_472 = arith.addf %get3A_397, %get3A_402 : vector<16xf32>
        %add3A_473 = arith.addf %get3A_407, %get3A_412 : vector<16xf32>
        %add3A_474 = arith.addf %get3A_417, %get3A_422 : vector<16xf32>
        %add3A_475 = arith.addf %get3A_427, %get3A_432 : vector<16xf32>
        %add3A_476 = arith.addf %get3A_437, %get3A_442 : vector<16xf32>
        %add3A_477 = arith.addf %get3A_447, %get3A_452 : vector<16xf32>
        %add3A_478 = arith.addf %get3A_457, %get3A_462 : vector<16xf32>
        %add3A_479 = arith.addf %add3A_463, %add3A_464 : vector<16xf32>
        %add3A_480 = arith.addf %add3A_465, %add3A_466 : vector<16xf32>
        %add3A_481 = arith.addf %add3A_467, %add3A_468 : vector<16xf32>
        %add3A_482 = arith.addf %add3A_469, %add3A_470 : vector<16xf32>
        %add3A_483 = arith.addf %add3A_471, %add3A_472 : vector<16xf32>
        %add3A_484 = arith.addf %add3A_473, %add3A_474 : vector<16xf32>
        %add3A_485 = arith.addf %add3A_475, %add3A_476 : vector<16xf32>
        %add3A_486 = arith.addf %add3A_477, %add3A_478 : vector<16xf32>
        %add3A_487 = arith.addf %add3A_479, %add3A_480 : vector<16xf32>
        %add3A_488 = arith.addf %add3A_481, %add3A_482 : vector<16xf32>
        %add3A_489 = arith.addf %add3A_483, %add3A_484 : vector<16xf32>
        %add3A_490 = arith.addf %add3A_485, %add3A_486 : vector<16xf32>
        %add3A_491 = arith.addf %add3A_487, %add3A_488 : vector<16xf32>
        %add3A_492 = arith.addf %add3A_489, %add3A_490 : vector<16xf32>
        %add3A_493 = arith.addf %add3A_491, %add3A_492 : vector<16xf32>
        %swap3A_494 = arith.constant 1 : i32
        %swap3A_495 = arith.index_cast %swap3A_494 : i32 to index
        %swap3A_496 = arith.index_cast %mul3A_107 : i32 to index
        %swap3A_497 = tpu.vector_load %arg9[%swap3A_495, %swap3A_496] {strides = array<i32>} : memref<2x128xf32, #tpu.memory_space<vmem>>, vector<1x16xf32>,
        %swap3A_498 = vector.shape_cast %swap3A_497 : vector<1x16xf32> to vector<16xf32>
        %swap3A_499 = vector.shape_cast %add3A_493 : vector<16xf32> to vector<1x16xf32>
        tpu.vector_store %arg9[%swap3A_495, %swap3A_496], %swap3A_499 {strides = array<i32>} : memref<2x128xf32, #tpu.memory_space<vmem>>, vector<1x16xf32>,
      }
      %scan3A_52 = arith.constant 8 : i32
      %mul3A_53 = arith.constant 320 : i32
      %mul3A_54 = arith.muli %add3A, %mul3A_53 : i32
      %mul3A_55 = arith.constant 2 : i32
      %mul3A_56 = arith.muli %add3A_36, %mul3A_55 : i32
      %add3A_57 = arith.addi %mul3A_54, %mul3A_56 : i32
      %dma_start3A_58 = arith.constant 0 : i32
      %dma_start3A_59 = tpu.memref_slice %arg4[%add3A_57, %dma_start3A_58] : memref<10240x128xf32, #tpu.memory_space<hbm>> -> memref<2x128xf32, #tpu.memory_space<hbm>>
      %dma_start3A_60 = arith.constant 0 : i32
      %dma_start3A_61 = tpu.memref_slice %arg4[%add3A_57, %dma_start3A_60] : memref<10240x128xf32, #tpu.memory_space<hbm>> -> memref<2x128xf32, #tpu.memory_space<hbm>>
      tpu.enqueue_dma source(%arg9 : memref<2x128xf32, #tpu.memory_space<vmem>>) target(%dma_start3A_61 : memref<2x128xf32, #tpu.memory_space<hbm>>) target_semaphore(%arg13 : memref<!tpu.dma_semaphore, #tpu.memory_space<semaphore_mem>>)
      %add3A_62 = arith.constant 2 : i32
      %add3A_63 = arith.addi %add3A_36, %add3A_62 : i32
      %lt3A = arith.constant 160 : i32
      %lt3A_64 = arith.cmpi slt, %add3A_63, %lt3A : i32
      %convert_element_type3A_65 = arith.extui %lt3A_64 : i1 to i32
      %cond3A_66 = arith.constant 0 : i32
      %cond3A_67 = arith.cmpi ne, %convert_element_type3A_65, %cond3A_66 : i32
      scf.if %cond3A_67 {
        %dma_start3A_105 = arith.constant 0 : i32
        %dma_start3A_106 = tpu.memref_slice %arg6[%add3A_63, %dma_start3A_105] : memref<160x64xi32, #tpu.memory_space<vmem>> -> memref<1x64xi32, #tpu.memory_space<vmem>>
        %dma_start3A_107 = tpu.memref_squeeze %dma_start3A_106 : memref<1x64xi32, #tpu.memory_space<vmem>> -> memref<64xi32, #tpu.memory_space<vmem>>
        %dma_start3A_108 = arith.constant 0 : i32
        %dma_start3A_109 = arith.constant 0 : i32
        %dma_start3A_110 = tpu.memref_slice %arg5[%dma_start3A_108, %dma_start3A_109] : memref<10000x128xf32, #tpu.memory_space<vmem_shared>> -> memref<10000x128xf32, #tpu.memory_space<vmem_shared>>
        tpu.enqueue_indirect_dma source(%dma_start3A_110 : memref<10000x128xf32, #tpu.memory_space<vmem_shared>>) target(%arg7 : memref<64x128xf32, #tpu.memory_space<vmem>>) offsets(%dma_start3A_107 : memref<64xi32, #tpu.memory_space<vmem>>) semaphore(%arg11 : memref<!tpu.dma_semaphore, #tpu.memory_space<semaphore_mem>>)
      } else {
      }
      %mul3A_68 = arith.constant 2 : i32
      %mul3A_69 = arith.muli %scan3A_32, %mul3A_68 : i32
      %add3A_70 = arith.constant 1 : i32
      %add3A_71 = arith.addi %mul3A_69, %add3A_70 : i32
      %dma_wait3A_72 = arith.constant 0 : i32
      %dma_wait3A_73 = tpu.memref_slice %arg6[%add3A_71, %dma_wait3A_72] : memref<160x64xi32, #tpu.memory_space<vmem>> -> memref<1x64xi32, #tpu.memory_space<vmem>>
      %dma_wait3A_74 = tpu.memref_squeeze %dma_wait3A_73 : memref<1x64xi32, #tpu.memory_space<vmem>> -> memref<64xi32, #tpu.memory_space<vmem>>
      %dma_wait3A_75 = arith.constant 0 : i32
      %dma_wait3A_76 = arith.constant 0 : i32
      %dma_wait3A_77 = tpu.memref_slice %arg5[%dma_wait3A_75, %dma_wait3A_76] : memref<10000x128xf32, #tpu.memory_space<vmem_shared>> -> memref<10000x128xf32, #tpu.memory_space<vmem_shared>>
      tpu.wait_indirect_dma semaphore(%arg12 : memref<!tpu.dma_semaphore, #tpu.memory_space<semaphore_mem>>) src(%dma_wait3A_77 : memref<10000x128xf32, #tpu.memory_space<vmem_shared>>) dst(%arg8 : memref<64x128xf32, #tpu.memory_space<vmem>>)
      %ge3A_78 = arith.constant 2 : i32
      %ge3A_79 = arith.cmpi sge, %add3A_71, %ge3A_78 : i32
      %convert_element_type3A_80 = arith.extui %ge3A_79 : i1 to i32
      %cond3A_81 = arith.constant 0 : i32
      %cond3A_82 = arith.cmpi ne, %convert_element_type3A_80, %cond3A_81 : i32
      scf.if %cond3A_82 {
        %mul3A_105 = arith.constant 320 : i32
        %mul3A_106 = arith.muli %add3A, %mul3A_105 : i32
        %dma_wait3A_107 = arith.constant 0 : i32
        %dma_wait3A_108 = tpu.memref_slice %arg4[%mul3A_106, %dma_wait3A_107] : memref<10240x128xf32, #tpu.memory_space<hbm>> -> memref<2x128xf32, #tpu.memory_space<hbm>>
        %dma_wait3A_109 = arith.constant 0 : i32
        %dma_wait3A_110 = tpu.memref_slice %arg4[%mul3A_106, %dma_wait3A_109] : memref<10240x128xf32, #tpu.memory_space<hbm>> -> memref<2x128xf32, #tpu.memory_space<hbm>>
        tpu.wait_dma2 semaphore(%arg14 : memref<!tpu.dma_semaphore, #tpu.memory_space<semaphore_mem>>) src(%arg10 : memref<2x128xf32, #tpu.memory_space<vmem>>) dst(%dma_wait3A_110 : memref<2x128xf32, #tpu.memory_space<hbm>>)
      } else {
      }
      %scan3A_83 = arith.constant 0 : i32
      %scan3A_84 = arith.constant 0 : i32
      %scan3A_85 = arith.constant 8 : i32
      %scan3A_86 = arith.addi %scan3A_84, %scan3A_85 : i32
      %scan3A_87 = arith.constant 1 : i32
      scf.for %scan3A_105 = %scan3A_84 to %scan3A_86 step %scan3A_87  : i32 {
        %mul3A_106 = arith.constant 16 : i32
        %mul3A_107 = arith.muli %scan3A_105, %mul3A_106 : i32
        %get3A = arith.constant 0 : i32
        %get3A_108 = arith.index_cast %get3A : i32 to index
        %get3A_109 = arith.index_cast %mul3A_107 : i32 to index
        %get3A_110 = tpu.vector_load %arg8[%get3A_108, %get3A_109] {strides = array<i32>} : memref<64x128xf32, #tpu.memory_space<vmem>>, vector<1x16xf32>,
        %get3A_111 = vector.shape_cast %get3A_110 : vector<1x16xf32> to vector<16xf32>
        %get3A_112 = arith.constant 1 : i32
        %get3A_113 = arith.index_cast %get3A_112 : i32 to index
        %get3A_114 = arith.index_cast %mul3A_107 : i32 to index
        %get3A_115 = tpu.vector_load %arg8[%get3A_113, %get3A_114] {strides = array<i32>} : memref<64x128xf32, #tpu.memory_space<vmem>>, vector<1x16xf32>,
        %get3A_116 = vector.shape_cast %get3A_115 : vector<1x16xf32> to vector<16xf32>
        %get3A_117 = arith.constant 2 : i32
        %get3A_118 = arith.index_cast %get3A_117 : i32 to index
        %get3A_119 = arith.index_cast %mul3A_107 : i32 to index
        %get3A_120 = tpu.vector_load %arg8[%get3A_118, %get3A_119] {strides = array<i32>} : memref<64x128xf32, #tpu.memory_space<vmem>>, vector<1x16xf32>,
        %get3A_121 = vector.shape_cast %get3A_120 : vector<1x16xf32> to vector<16xf32>
        %get3A_122 = arith.constant 3 : i32
        %get3A_123 = arith.index_cast %get3A_122 : i32 to index
        %get3A_124 = arith.index_cast %mul3A_107 : i32 to index
        %get3A_125 = tpu.vector_load %arg8[%get3A_123, %get3A_124] {strides = array<i32>} : memref<64x128xf32, #tpu.memory_space<vmem>>, vector<1x16xf32>,
        %get3A_126 = vector.shape_cast %get3A_125 : vector<1x16xf32> to vector<16xf32>
        %get3A_127 = arith.constant 4 : i32
        %get3A_128 = arith.index_cast %get3A_127 : i32 to index
        %get3A_129 = arith.index_cast %mul3A_107 : i32 to index
        %get3A_130 = tpu.vector_load %arg8[%get3A_128, %get3A_129] {strides = array<i32>} : memref<64x128xf32, #tpu.memory_space<vmem>>, vector<1x16xf32>,
        %get3A_131 = vector.shape_cast %get3A_130 : vector<1x16xf32> to vector<16xf32>
        %get3A_132 = arith.constant 5 : i32
        %get3A_133 = arith.index_cast %get3A_132 : i32 to index
        %get3A_134 = arith.index_cast %mul3A_107 : i32 to index
        %get3A_135 = tpu.vector_load %arg8[%get3A_133, %get3A_134] {strides = array<i32>} : memref<64x128xf32, #tpu.memory_space<vmem>>, vector<1x16xf32>,
        %get3A_136 = vector.shape_cast %get3A_135 : vector<1x16xf32> to vector<16xf32>
        %get3A_137 = arith.constant 6 : i32
        %get3A_138 = arith.index_cast %get3A_137 : i32 to index
        %get3A_139 = arith.index_cast %mul3A_107 : i32 to index
        %get3A_140 = tpu.vector_load %arg8[%get3A_138, %get3A_139] {strides = array<i32>} : memref<64x128xf32, #tpu.memory_space<vmem>>, vector<1x16xf32>,
        %get3A_141 = vector.shape_cast %get3A_140 : vector<1x16xf32> to vector<16xf32>
        %get3A_142 = arith.constant 7 : i32
        %get3A_143 = arith.index_cast %get3A_142 : i32 to index
        %get3A_144 = arith.index_cast %mul3A_107 : i32 to index
        %get3A_145 = tpu.vector_load %arg8[%get3A_143, %get3A_144] {strides = array<i32>} : memref<64x128xf32, #tpu.memory_space<vmem>>, vector<1x16xf32>,
        %get3A_146 = vector.shape_cast %get3A_145 : vector<1x16xf32> to vector<16xf32>
        %get3A_147 = arith.constant 8 : i32
        %get3A_148 = arith.index_cast %get3A_147 : i32 to index
        %get3A_149 = arith.index_cast %mul3A_107 : i32 to index
        %get3A_150 = tpu.vector_load %arg8[%get3A_148, %get3A_149] {strides = array<i32>} : memref<64x128xf32, #tpu.memory_space<vmem>>, vector<1x16xf32>,
        %get3A_151 = vector.shape_cast %get3A_150 : vector<1x16xf32> to vector<16xf32>
        %get3A_152 = arith.constant 9 : i32
        %get3A_153 = arith.index_cast %get3A_152 : i32 to index
        %get3A_154 = arith.index_cast %mul3A_107 : i32 to index
        %get3A_155 = tpu.vector_load %arg8[%get3A_153, %get3A_154] {strides = array<i32>} : memref<64x128xf32, #tpu.memory_space<vmem>>, vector<1x16xf32>,
        %get3A_156 = vector.shape_cast %get3A_155 : vector<1x16xf32> to vector<16xf32>
        %get3A_157 = arith.constant 10 : i32
        %get3A_158 = arith.index_cast %get3A_157 : i32 to index
        %get3A_159 = arith.index_cast %mul3A_107 : i32 to index
        %get3A_160 = tpu.vector_load %arg8[%get3A_158, %get3A_159] {strides = array<i32>} : memref<64x128xf32, #tpu.memory_space<vmem>>, vector<1x16xf32>,
        %get3A_161 = vector.shape_cast %get3A_160 : vector<1x16xf32> to vector<16xf32>
        %get3A_162 = arith.constant 11 : i32
        %get3A_163 = arith.index_cast %get3A_162 : i32 to index
        %get3A_164 = arith.index_cast %mul3A_107 : i32 to index
        %get3A_165 = tpu.vector_load %arg8[%get3A_163, %get3A_164] {strides = array<i32>} : memref<64x128xf32, #tpu.memory_space<vmem>>, vector<1x16xf32>,
        %get3A_166 = vector.shape_cast %get3A_165 : vector<1x16xf32> to vector<16xf32>
        %get3A_167 = arith.constant 12 : i32
        %get3A_168 = arith.index_cast %get3A_167 : i32 to index
        %get3A_169 = arith.index_cast %mul3A_107 : i32 to index
        %get3A_170 = tpu.vector_load %arg8[%get3A_168, %get3A_169] {strides = array<i32>} : memref<64x128xf32, #tpu.memory_space<vmem>>, vector<1x16xf32>,
        %get3A_171 = vector.shape_cast %get3A_170 : vector<1x16xf32> to vector<16xf32>
        %get3A_172 = arith.constant 13 : i32
        %get3A_173 = arith.index_cast %get3A_172 : i32 to index
        %get3A_174 = arith.index_cast %mul3A_107 : i32 to index
        %get3A_175 = tpu.vector_load %arg8[%get3A_173, %get3A_174] {strides = array<i32>} : memref<64x128xf32, #tpu.memory_space<vmem>>, vector<1x16xf32>,
        %get3A_176 = vector.shape_cast %get3A_175 : vector<1x16xf32> to vector<16xf32>
        %get3A_177 = arith.constant 14 : i32
        %get3A_178 = arith.index_cast %get3A_177 : i32 to index
        %get3A_179 = arith.index_cast %mul3A_107 : i32 to index
        %get3A_180 = tpu.vector_load %arg8[%get3A_178, %get3A_179] {strides = array<i32>} : memref<64x128xf32, #tpu.memory_space<vmem>>, vector<1x16xf32>,
        %get3A_181 = vector.shape_cast %get3A_180 : vector<1x16xf32> to vector<16xf32>
        %get3A_182 = arith.constant 15 : i32
        %get3A_183 = arith.index_cast %get3A_182 : i32 to index
        %get3A_184 = arith.index_cast %mul3A_107 : i32 to index
        %get3A_185 = tpu.vector_load %arg8[%get3A_183, %get3A_184] {strides = array<i32>} : memref<64x128xf32, #tpu.memory_space<vmem>>, vector<1x16xf32>,
        %get3A_186 = vector.shape_cast %get3A_185 : vector<1x16xf32> to vector<16xf32>
        %get3A_187 = arith.constant 16 : i32
        %get3A_188 = arith.index_cast %get3A_187 : i32 to index
        %get3A_189 = arith.index_cast %mul3A_107 : i32 to index
        %get3A_190 = tpu.vector_load %arg8[%get3A_188, %get3A_189] {strides = array<i32>} : memref<64x128xf32, #tpu.memory_space<vmem>>, vector<1x16xf32>,
        %get3A_191 = vector.shape_cast %get3A_190 : vector<1x16xf32> to vector<16xf32>
        %get3A_192 = arith.constant 17 : i32
        %get3A_193 = arith.index_cast %get3A_192 : i32 to index
        %get3A_194 = arith.index_cast %mul3A_107 : i32 to index
        %get3A_195 = tpu.vector_load %arg8[%get3A_193, %get3A_194] {strides = array<i32>} : memref<64x128xf32, #tpu.memory_space<vmem>>, vector<1x16xf32>,
        %get3A_196 = vector.shape_cast %get3A_195 : vector<1x16xf32> to vector<16xf32>
        %get3A_197 = arith.constant 18 : i32
        %get3A_198 = arith.index_cast %get3A_197 : i32 to index
        %get3A_199 = arith.index_cast %mul3A_107 : i32 to index
        %get3A_200 = tpu.vector_load %arg8[%get3A_198, %get3A_199] {strides = array<i32>} : memref<64x128xf32, #tpu.memory_space<vmem>>, vector<1x16xf32>,
        %get3A_201 = vector.shape_cast %get3A_200 : vector<1x16xf32> to vector<16xf32>
        %get3A_202 = arith.constant 19 : i32
        %get3A_203 = arith.index_cast %get3A_202 : i32 to index
        %get3A_204 = arith.index_cast %mul3A_107 : i32 to index
        %get3A_205 = tpu.vector_load %arg8[%get3A_203, %get3A_204] {strides = array<i32>} : memref<64x128xf32, #tpu.memory_space<vmem>>, vector<1x16xf32>,
        %get3A_206 = vector.shape_cast %get3A_205 : vector<1x16xf32> to vector<16xf32>
        %get3A_207 = arith.constant 20 : i32
        %get3A_208 = arith.index_cast %get3A_207 : i32 to index
        %get3A_209 = arith.index_cast %mul3A_107 : i32 to index
        %get3A_210 = tpu.vector_load %arg8[%get3A_208, %get3A_209] {strides = array<i32>} : memref<64x128xf32, #tpu.memory_space<vmem>>, vector<1x16xf32>,
        %get3A_211 = vector.shape_cast %get3A_210 : vector<1x16xf32> to vector<16xf32>
        %get3A_212 = arith.constant 21 : i32
        %get3A_213 = arith.index_cast %get3A_212 : i32 to index
        %get3A_214 = arith.index_cast %mul3A_107 : i32 to index
        %get3A_215 = tpu.vector_load %arg8[%get3A_213, %get3A_214] {strides = array<i32>} : memref<64x128xf32, #tpu.memory_space<vmem>>, vector<1x16xf32>,
        %get3A_216 = vector.shape_cast %get3A_215 : vector<1x16xf32> to vector<16xf32>
        %get3A_217 = arith.constant 22 : i32
        %get3A_218 = arith.index_cast %get3A_217 : i32 to index
        %get3A_219 = arith.index_cast %mul3A_107 : i32 to index
        %get3A_220 = tpu.vector_load %arg8[%get3A_218, %get3A_219] {strides = array<i32>} : memref<64x128xf32, #tpu.memory_space<vmem>>, vector<1x16xf32>,
        %get3A_221 = vector.shape_cast %get3A_220 : vector<1x16xf32> to vector<16xf32>
        %get3A_222 = arith.constant 23 : i32
        %get3A_223 = arith.index_cast %get3A_222 : i32 to index
        %get3A_224 = arith.index_cast %mul3A_107 : i32 to index
        %get3A_225 = tpu.vector_load %arg8[%get3A_223, %get3A_224] {strides = array<i32>} : memref<64x128xf32, #tpu.memory_space<vmem>>, vector<1x16xf32>,
        %get3A_226 = vector.shape_cast %get3A_225 : vector<1x16xf32> to vector<16xf32>
        %get3A_227 = arith.constant 24 : i32
        %get3A_228 = arith.index_cast %get3A_227 : i32 to index
        %get3A_229 = arith.index_cast %mul3A_107 : i32 to index
        %get3A_230 = tpu.vector_load %arg8[%get3A_228, %get3A_229] {strides = array<i32>} : memref<64x128xf32, #tpu.memory_space<vmem>>, vector<1x16xf32>,
        %get3A_231 = vector.shape_cast %get3A_230 : vector<1x16xf32> to vector<16xf32>
        %get3A_232 = arith.constant 25 : i32
        %get3A_233 = arith.index_cast %get3A_232 : i32 to index
        %get3A_234 = arith.index_cast %mul3A_107 : i32 to index
        %get3A_235 = tpu.vector_load %arg8[%get3A_233, %get3A_234] {strides = array<i32>} : memref<64x128xf32, #tpu.memory_space<vmem>>, vector<1x16xf32>,
        %get3A_236 = vector.shape_cast %get3A_235 : vector<1x16xf32> to vector<16xf32>
        %get3A_237 = arith.constant 26 : i32
        %get3A_238 = arith.index_cast %get3A_237 : i32 to index
        %get3A_239 = arith.index_cast %mul3A_107 : i32 to index
        %get3A_240 = tpu.vector_load %arg8[%get3A_238, %get3A_239] {strides = array<i32>} : memref<64x128xf32, #tpu.memory_space<vmem>>, vector<1x16xf32>,
        %get3A_241 = vector.shape_cast %get3A_240 : vector<1x16xf32> to vector<16xf32>
        %get3A_242 = arith.constant 27 : i32
        %get3A_243 = arith.index_cast %get3A_242 : i32 to index
        %get3A_244 = arith.index_cast %mul3A_107 : i32 to index
        %get3A_245 = tpu.vector_load %arg8[%get3A_243, %get3A_244] {strides = array<i32>} : memref<64x128xf32, #tpu.memory_space<vmem>>, vector<1x16xf32>,
        %get3A_246 = vector.shape_cast %get3A_245 : vector<1x16xf32> to vector<16xf32>
        %get3A_247 = arith.constant 28 : i32
        %get3A_248 = arith.index_cast %get3A_247 : i32 to index
        %get3A_249 = arith.index_cast %mul3A_107 : i32 to index
        %get3A_250 = tpu.vector_load %arg8[%get3A_248, %get3A_249] {strides = array<i32>} : memref<64x128xf32, #tpu.memory_space<vmem>>, vector<1x16xf32>,
        %get3A_251 = vector.shape_cast %get3A_250 : vector<1x16xf32> to vector<16xf32>
        %get3A_252 = arith.constant 29 : i32
        %get3A_253 = arith.index_cast %get3A_252 : i32 to index
        %get3A_254 = arith.index_cast %mul3A_107 : i32 to index
        %get3A_255 = tpu.vector_load %arg8[%get3A_253, %get3A_254] {strides = array<i32>} : memref<64x128xf32, #tpu.memory_space<vmem>>, vector<1x16xf32>,
        %get3A_256 = vector.shape_cast %get3A_255 : vector<1x16xf32> to vector<16xf32>
        %get3A_257 = arith.constant 30 : i32
        %get3A_258 = arith.index_cast %get3A_257 : i32 to index
        %get3A_259 = arith.index_cast %mul3A_107 : i32 to index
        %get3A_260 = tpu.vector_load %arg8[%get3A_258, %get3A_259] {strides = array<i32>} : memref<64x128xf32, #tpu.memory_space<vmem>>, vector<1x16xf32>,
        %get3A_261 = vector.shape_cast %get3A_260 : vector<1x16xf32> to vector<16xf32>
        %get3A_262 = arith.constant 31 : i32
        %get3A_263 = arith.index_cast %get3A_262 : i32 to index
        %get3A_264 = arith.index_cast %mul3A_107 : i32 to index
        %get3A_265 = tpu.vector_load %arg8[%get3A_263, %get3A_264] {strides = array<i32>} : memref<64x128xf32, #tpu.memory_space<vmem>>, vector<1x16xf32>,
        %get3A_266 = vector.shape_cast %get3A_265 : vector<1x16xf32> to vector<16xf32>
        %add3A_267 = arith.addf %get3A_111, %get3A_116 : vector<16xf32>
        %add3A_268 = arith.addf %get3A_121, %get3A_126 : vector<16xf32>
        %add3A_269 = arith.addf %get3A_131, %get3A_136 : vector<16xf32>
        %add3A_270 = arith.addf %get3A_141, %get3A_146 : vector<16xf32>
        %add3A_271 = arith.addf %get3A_151, %get3A_156 : vector<16xf32>
        %add3A_272 = arith.addf %get3A_161, %get3A_166 : vector<16xf32>
        %add3A_273 = arith.addf %get3A_171, %get3A_176 : vector<16xf32>
        %add3A_274 = arith.addf %get3A_181, %get3A_186 : vector<16xf32>
        %add3A_275 = arith.addf %get3A_191, %get3A_196 : vector<16xf32>
        %add3A_276 = arith.addf %get3A_201, %get3A_206 : vector<16xf32>
        %add3A_277 = arith.addf %get3A_211, %get3A_216 : vector<16xf32>
        %add3A_278 = arith.addf %get3A_221, %get3A_226 : vector<16xf32>
        %add3A_279 = arith.addf %get3A_231, %get3A_236 : vector<16xf32>
        %add3A_280 = arith.addf %get3A_241, %get3A_246 : vector<16xf32>
        %add3A_281 = arith.addf %get3A_251, %get3A_256 : vector<16xf32>
        %add3A_282 = arith.addf %get3A_261, %get3A_266 : vector<16xf32>
        %add3A_283 = arith.addf %add3A_267, %add3A_268 : vector<16xf32>
        %add3A_284 = arith.addf %add3A_269, %add3A_270 : vector<16xf32>
        %add3A_285 = arith.addf %add3A_271, %add3A_272 : vector<16xf32>
        %add3A_286 = arith.addf %add3A_273, %add3A_274 : vector<16xf32>
        %add3A_287 = arith.addf %add3A_275, %add3A_276 : vector<16xf32>
        %add3A_288 = arith.addf %add3A_277, %add3A_278 : vector<16xf32>
        %add3A_289 = arith.addf %add3A_279, %add3A_280 : vector<16xf32>
        %add3A_290 = arith.addf %add3A_281, %add3A_282 : vector<16xf32>
        %add3A_291 = arith.addf %add3A_283, %add3A_284 : vector<16xf32>
        %add3A_292 = arith.addf %add3A_285, %add3A_286 : vector<16xf32>
        %add3A_293 = arith.addf %add3A_287, %add3A_288 : vector<16xf32>
        %add3A_294 = arith.addf %add3A_289, %add3A_290 : vector<16xf32>
        %add3A_295 = arith.addf %add3A_291, %add3A_292 : vector<16xf32>
        %add3A_296 = arith.addf %add3A_293, %add3A_294 : vector<16xf32>
        %add3A_297 = arith.addf %add3A_295, %add3A_296 : vector<16xf32>
        %swap3A = arith.constant 0 : i32
        %swap3A_298 = arith.index_cast %swap3A : i32 to index
        %swap3A_299 = arith.index_cast %mul3A_107 : i32 to index
        %swap3A_300 = tpu.vector_load %arg10[%swap3A_298, %swap3A_299] {strides = array<i32>} : memref<2x128xf32, #tpu.memory_space<vmem>>, vector<1x16xf32>,
        %swap3A_301 = vector.shape_cast %swap3A_300 : vector<1x16xf32> to vector<16xf32>
        %swap3A_302 = vector.shape_cast %add3A_297 : vector<16xf32> to vector<1x16xf32>
        tpu.vector_store %arg10[%swap3A_298, %swap3A_299], %swap3A_302 {strides = array<i32>} : memref<2x128xf32, #tpu.memory_space<vmem>>, vector<1x16xf32>,
        %get3A_303 = arith.constant 32 : i32
        %get3A_304 = arith.index_cast %get3A_303 : i32 to index
        %get3A_305 = arith.index_cast %mul3A_107 : i32 to index
        %get3A_306 = tpu.vector_load %arg8[%get3A_304, %get3A_305] {strides = array<i32>} : memref<64x128xf32, #tpu.memory_space<vmem>>, vector<1x16xf32>,
        %get3A_307 = vector.shape_cast %get3A_306 : vector<1x16xf32> to vector<16xf32>
        %get3A_308 = arith.constant 33 : i32
        %get3A_309 = arith.index_cast %get3A_308 : i32 to index
        %get3A_310 = arith.index_cast %mul3A_107 : i32 to index
        %get3A_311 = tpu.vector_load %arg8[%get3A_309, %get3A_310] {strides = array<i32>} : memref<64x128xf32, #tpu.memory_space<vmem>>, vector<1x16xf32>,
        %get3A_312 = vector.shape_cast %get3A_311 : vector<1x16xf32> to vector<16xf32>
        %get3A_313 = arith.constant 34 : i32
        %get3A_314 = arith.index_cast %get3A_313 : i32 to index
        %get3A_315 = arith.index_cast %mul3A_107 : i32 to index
        %get3A_316 = tpu.vector_load %arg8[%get3A_314, %get3A_315] {strides = array<i32>} : memref<64x128xf32, #tpu.memory_space<vmem>>, vector<1x16xf32>,
        %get3A_317 = vector.shape_cast %get3A_316 : vector<1x16xf32> to vector<16xf32>
        %get3A_318 = arith.constant 35 : i32
        %get3A_319 = arith.index_cast %get3A_318 : i32 to index
        %get3A_320 = arith.index_cast %mul3A_107 : i32 to index
        %get3A_321 = tpu.vector_load %arg8[%get3A_319, %get3A_320] {strides = array<i32>} : memref<64x128xf32, #tpu.memory_space<vmem>>, vector<1x16xf32>,
        %get3A_322 = vector.shape_cast %get3A_321 : vector<1x16xf32> to vector<16xf32>
        %get3A_323 = arith.constant 36 : i32
        %get3A_324 = arith.index_cast %get3A_323 : i32 to index
        %get3A_325 = arith.index_cast %mul3A_107 : i32 to index
        %get3A_326 = tpu.vector_load %arg8[%get3A_324, %get3A_325] {strides = array<i32>} : memref<64x128xf32, #tpu.memory_space<vmem>>, vector<1x16xf32>,
        %get3A_327 = vector.shape_cast %get3A_326 : vector<1x16xf32> to vector<16xf32>
        %get3A_328 = arith.constant 37 : i32
        %get3A_329 = arith.index_cast %get3A_328 : i32 to index
        %get3A_330 = arith.index_cast %mul3A_107 : i32 to index
        %get3A_331 = tpu.vector_load %arg8[%get3A_329, %get3A_330] {strides = array<i32>} : memref<64x128xf32, #tpu.memory_space<vmem>>, vector<1x16xf32>,
        %get3A_332 = vector.shape_cast %get3A_331 : vector<1x16xf32> to vector<16xf32>
        %get3A_333 = arith.constant 38 : i32
        %get3A_334 = arith.index_cast %get3A_333 : i32 to index
        %get3A_335 = arith.index_cast %mul3A_107 : i32 to index
        %get3A_336 = tpu.vector_load %arg8[%get3A_334, %get3A_335] {strides = array<i32>} : memref<64x128xf32, #tpu.memory_space<vmem>>, vector<1x16xf32>,
        %get3A_337 = vector.shape_cast %get3A_336 : vector<1x16xf32> to vector<16xf32>
        %get3A_338 = arith.constant 39 : i32
        %get3A_339 = arith.index_cast %get3A_338 : i32 to index
        %get3A_340 = arith.index_cast %mul3A_107 : i32 to index
        %get3A_341 = tpu.vector_load %arg8[%get3A_339, %get3A_340] {strides = array<i32>} : memref<64x128xf32, #tpu.memory_space<vmem>>, vector<1x16xf32>,
        %get3A_342 = vector.shape_cast %get3A_341 : vector<1x16xf32> to vector<16xf32>
        %get3A_343 = arith.constant 40 : i32
        %get3A_344 = arith.index_cast %get3A_343 : i32 to index
        %get3A_345 = arith.index_cast %mul3A_107 : i32 to index
        %get3A_346 = tpu.vector_load %arg8[%get3A_344, %get3A_345] {strides = array<i32>} : memref<64x128xf32, #tpu.memory_space<vmem>>, vector<1x16xf32>,
        %get3A_347 = vector.shape_cast %get3A_346 : vector<1x16xf32> to vector<16xf32>
        %get3A_348 = arith.constant 41 : i32
        %get3A_349 = arith.index_cast %get3A_348 : i32 to index
        %get3A_350 = arith.index_cast %mul3A_107 : i32 to index
        %get3A_351 = tpu.vector_load %arg8[%get3A_349, %get3A_350] {strides = array<i32>} : memref<64x128xf32, #tpu.memory_space<vmem>>, vector<1x16xf32>,
        %get3A_352 = vector.shape_cast %get3A_351 : vector<1x16xf32> to vector<16xf32>
        %get3A_353 = arith.constant 42 : i32
        %get3A_354 = arith.index_cast %get3A_353 : i32 to index
        %get3A_355 = arith.index_cast %mul3A_107 : i32 to index
        %get3A_356 = tpu.vector_load %arg8[%get3A_354, %get3A_355] {strides = array<i32>} : memref<64x128xf32, #tpu.memory_space<vmem>>, vector<1x16xf32>,
        %get3A_357 = vector.shape_cast %get3A_356 : vector<1x16xf32> to vector<16xf32>
        %get3A_358 = arith.constant 43 : i32
        %get3A_359 = arith.index_cast %get3A_358 : i32 to index
        %get3A_360 = arith.index_cast %mul3A_107 : i32 to index
        %get3A_361 = tpu.vector_load %arg8[%get3A_359, %get3A_360] {strides = array<i32>} : memref<64x128xf32, #tpu.memory_space<vmem>>, vector<1x16xf32>,
        %get3A_362 = vector.shape_cast %get3A_361 : vector<1x16xf32> to vector<16xf32>
        %get3A_363 = arith.constant 44 : i32
        %get3A_364 = arith.index_cast %get3A_363 : i32 to index
        %get3A_365 = arith.index_cast %mul3A_107 : i32 to index
        %get3A_366 = tpu.vector_load %arg8[%get3A_364, %get3A_365] {strides = array<i32>} : memref<64x128xf32, #tpu.memory_space<vmem>>, vector<1x16xf32>,
        %get3A_367 = vector.shape_cast %get3A_366 : vector<1x16xf32> to vector<16xf32>
        %get3A_368 = arith.constant 45 : i32
        %get3A_369 = arith.index_cast %get3A_368 : i32 to index
        %get3A_370 = arith.index_cast %mul3A_107 : i32 to index
        %get3A_371 = tpu.vector_load %arg8[%get3A_369, %get3A_370] {strides = array<i32>} : memref<64x128xf32, #tpu.memory_space<vmem>>, vector<1x16xf32>,
        %get3A_372 = vector.shape_cast %get3A_371 : vector<1x16xf32> to vector<16xf32>
        %get3A_373 = arith.constant 46 : i32
        %get3A_374 = arith.index_cast %get3A_373 : i32 to index
        %get3A_375 = arith.index_cast %mul3A_107 : i32 to index
        %get3A_376 = tpu.vector_load %arg8[%get3A_374, %get3A_375] {strides = array<i32>} : memref<64x128xf32, #tpu.memory_space<vmem>>, vector<1x16xf32>,
        %get3A_377 = vector.shape_cast %get3A_376 : vector<1x16xf32> to vector<16xf32>
        %get3A_378 = arith.constant 47 : i32
        %get3A_379 = arith.index_cast %get3A_378 : i32 to index
        %get3A_380 = arith.index_cast %mul3A_107 : i32 to index
        %get3A_381 = tpu.vector_load %arg8[%get3A_379, %get3A_380] {strides = array<i32>} : memref<64x128xf32, #tpu.memory_space<vmem>>, vector<1x16xf32>,
        %get3A_382 = vector.shape_cast %get3A_381 : vector<1x16xf32> to vector<16xf32>
        %get3A_383 = arith.constant 48 : i32
        %get3A_384 = arith.index_cast %get3A_383 : i32 to index
        %get3A_385 = arith.index_cast %mul3A_107 : i32 to index
        %get3A_386 = tpu.vector_load %arg8[%get3A_384, %get3A_385] {strides = array<i32>} : memref<64x128xf32, #tpu.memory_space<vmem>>, vector<1x16xf32>,
        %get3A_387 = vector.shape_cast %get3A_386 : vector<1x16xf32> to vector<16xf32>
        %get3A_388 = arith.constant 49 : i32
        %get3A_389 = arith.index_cast %get3A_388 : i32 to index
        %get3A_390 = arith.index_cast %mul3A_107 : i32 to index
        %get3A_391 = tpu.vector_load %arg8[%get3A_389, %get3A_390] {strides = array<i32>} : memref<64x128xf32, #tpu.memory_space<vmem>>, vector<1x16xf32>,
        %get3A_392 = vector.shape_cast %get3A_391 : vector<1x16xf32> to vector<16xf32>
        %get3A_393 = arith.constant 50 : i32
        %get3A_394 = arith.index_cast %get3A_393 : i32 to index
        %get3A_395 = arith.index_cast %mul3A_107 : i32 to index
        %get3A_396 = tpu.vector_load %arg8[%get3A_394, %get3A_395] {strides = array<i32>} : memref<64x128xf32, #tpu.memory_space<vmem>>, vector<1x16xf32>,
        %get3A_397 = vector.shape_cast %get3A_396 : vector<1x16xf32> to vector<16xf32>
        %get3A_398 = arith.constant 51 : i32
        %get3A_399 = arith.index_cast %get3A_398 : i32 to index
        %get3A_400 = arith.index_cast %mul3A_107 : i32 to index
        %get3A_401 = tpu.vector_load %arg8[%get3A_399, %get3A_400] {strides = array<i32>} : memref<64x128xf32, #tpu.memory_space<vmem>>, vector<1x16xf32>,
        %get3A_402 = vector.shape_cast %get3A_401 : vector<1x16xf32> to vector<16xf32>
        %get3A_403 = arith.constant 52 : i32
        %get3A_404 = arith.index_cast %get3A_403 : i32 to index
        %get3A_405 = arith.index_cast %mul3A_107 : i32 to index
        %get3A_406 = tpu.vector_load %arg8[%get3A_404, %get3A_405] {strides = array<i32>} : memref<64x128xf32, #tpu.memory_space<vmem>>, vector<1x16xf32>,
        %get3A_407 = vector.shape_cast %get3A_406 : vector<1x16xf32> to vector<16xf32>
        %get3A_408 = arith.constant 53 : i32
        %get3A_409 = arith.index_cast %get3A_408 : i32 to index
        %get3A_410 = arith.index_cast %mul3A_107 : i32 to index
        %get3A_411 = tpu.vector_load %arg8[%get3A_409, %get3A_410] {strides = array<i32>} : memref<64x128xf32, #tpu.memory_space<vmem>>, vector<1x16xf32>,
        %get3A_412 = vector.shape_cast %get3A_411 : vector<1x16xf32> to vector<16xf32>
        %get3A_413 = arith.constant 54 : i32
        %get3A_414 = arith.index_cast %get3A_413 : i32 to index
        %get3A_415 = arith.index_cast %mul3A_107 : i32 to index
        %get3A_416 = tpu.vector_load %arg8[%get3A_414, %get3A_415] {strides = array<i32>} : memref<64x128xf32, #tpu.memory_space<vmem>>, vector<1x16xf32>,
        %get3A_417 = vector.shape_cast %get3A_416 : vector<1x16xf32> to vector<16xf32>
        %get3A_418 = arith.constant 55 : i32
        %get3A_419 = arith.index_cast %get3A_418 : i32 to index
        %get3A_420 = arith.index_cast %mul3A_107 : i32 to index
        %get3A_421 = tpu.vector_load %arg8[%get3A_419, %get3A_420] {strides = array<i32>} : memref<64x128xf32, #tpu.memory_space<vmem>>, vector<1x16xf32>,
        %get3A_422 = vector.shape_cast %get3A_421 : vector<1x16xf32> to vector<16xf32>
        %get3A_423 = arith.constant 56 : i32
        %get3A_424 = arith.index_cast %get3A_423 : i32 to index
        %get3A_425 = arith.index_cast %mul3A_107 : i32 to index
        %get3A_426 = tpu.vector_load %arg8[%get3A_424, %get3A_425] {strides = array<i32>} : memref<64x128xf32, #tpu.memory_space<vmem>>, vector<1x16xf32>,
        %get3A_427 = vector.shape_cast %get3A_426 : vector<1x16xf32> to vector<16xf32>
        %get3A_428 = arith.constant 57 : i32
        %get3A_429 = arith.index_cast %get3A_428 : i32 to index
        %get3A_430 = arith.index_cast %mul3A_107 : i32 to index
        %get3A_431 = tpu.vector_load %arg8[%get3A_429, %get3A_430] {strides = array<i32>} : memref<64x128xf32, #tpu.memory_space<vmem>>, vector<1x16xf32>,
        %get3A_432 = vector.shape_cast %get3A_431 : vector<1x16xf32> to vector<16xf32>
        %get3A_433 = arith.constant 58 : i32
        %get3A_434 = arith.index_cast %get3A_433 : i32 to index
        %get3A_435 = arith.index_cast %mul3A_107 : i32 to index
        %get3A_436 = tpu.vector_load %arg8[%get3A_434, %get3A_435] {strides = array<i32>} : memref<64x128xf32, #tpu.memory_space<vmem>>, vector<1x16xf32>,
        %get3A_437 = vector.shape_cast %get3A_436 : vector<1x16xf32> to vector<16xf32>
        %get3A_438 = arith.constant 59 : i32
        %get3A_439 = arith.index_cast %get3A_438 : i32 to index
        %get3A_440 = arith.index_cast %mul3A_107 : i32 to index
        %get3A_441 = tpu.vector_load %arg8[%get3A_439, %get3A_440] {strides = array<i32>} : memref<64x128xf32, #tpu.memory_space<vmem>>, vector<1x16xf32>,
        %get3A_442 = vector.shape_cast %get3A_441 : vector<1x16xf32> to vector<16xf32>
        %get3A_443 = arith.constant 60 : i32
        %get3A_444 = arith.index_cast %get3A_443 : i32 to index
        %get3A_445 = arith.index_cast %mul3A_107 : i32 to index
        %get3A_446 = tpu.vector_load %arg8[%get3A_444, %get3A_445] {strides = array<i32>} : memref<64x128xf32, #tpu.memory_space<vmem>>, vector<1x16xf32>,
        %get3A_447 = vector.shape_cast %get3A_446 : vector<1x16xf32> to vector<16xf32>
        %get3A_448 = arith.constant 61 : i32
        %get3A_449 = arith.index_cast %get3A_448 : i32 to index
        %get3A_450 = arith.index_cast %mul3A_107 : i32 to index
        %get3A_451 = tpu.vector_load %arg8[%get3A_449, %get3A_450] {strides = array<i32>} : memref<64x128xf32, #tpu.memory_space<vmem>>, vector<1x16xf32>,
        %get3A_452 = vector.shape_cast %get3A_451 : vector<1x16xf32> to vector<16xf32>
        %get3A_453 = arith.constant 62 : i32
        %get3A_454 = arith.index_cast %get3A_453 : i32 to index
        %get3A_455 = arith.index_cast %mul3A_107 : i32 to index
        %get3A_456 = tpu.vector_load %arg8[%get3A_454, %get3A_455] {strides = array<i32>} : memref<64x128xf32, #tpu.memory_space<vmem>>, vector<1x16xf32>,
        %get3A_457 = vector.shape_cast %get3A_456 : vector<1x16xf32> to vector<16xf32>
        %get3A_458 = arith.constant 63 : i32
        %get3A_459 = arith.index_cast %get3A_458 : i32 to index
        %get3A_460 = arith.index_cast %mul3A_107 : i32 to index
        %get3A_461 = tpu.vector_load %arg8[%get3A_459, %get3A_460] {strides = array<i32>} : memref<64x128xf32, #tpu.memory_space<vmem>>, vector<1x16xf32>,
        %get3A_462 = vector.shape_cast %get3A_461 : vector<1x16xf32> to vector<16xf32>
        %add3A_463 = arith.addf %get3A_307, %get3A_312 : vector<16xf32>
        %add3A_464 = arith.addf %get3A_317, %get3A_322 : vector<16xf32>
        %add3A_465 = arith.addf %get3A_327, %get3A_332 : vector<16xf32>
        %add3A_466 = arith.addf %get3A_337, %get3A_342 : vector<16xf32>
        %add3A_467 = arith.addf %get3A_347, %get3A_352 : vector<16xf32>
        %add3A_468 = arith.addf %get3A_357, %get3A_362 : vector<16xf32>
        %add3A_469 = arith.addf %get3A_367, %get3A_372 : vector<16xf32>
        %add3A_470 = arith.addf %get3A_377, %get3A_382 : vector<16xf32>
        %add3A_471 = arith.addf %get3A_387, %get3A_392 : vector<16xf32>
        %add3A_472 = arith.addf %get3A_397, %get3A_402 : vector<16xf32>
        %add3A_473 = arith.addf %get3A_407, %get3A_412 : vector<16xf32>
        %add3A_474 = arith.addf %get3A_417, %get3A_422 : vector<16xf32>
        %add3A_475 = arith.addf %get3A_427, %get3A_432 : vector<16xf32>
        %add3A_476 = arith.addf %get3A_437, %get3A_442 : vector<16xf32>
        %add3A_477 = arith.addf %get3A_447, %get3A_452 : vector<16xf32>
        %add3A_478 = arith.addf %get3A_457, %get3A_462 : vector<16xf32>
        %add3A_479 = arith.addf %add3A_463, %add3A_464 : vector<16xf32>
        %add3A_480 = arith.addf %add3A_465, %add3A_466 : vector<16xf32>
        %add3A_481 = arith.addf %add3A_467, %add3A_468 : vector<16xf32>
        %add3A_482 = arith.addf %add3A_469, %add3A_470 : vector<16xf32>
        %add3A_483 = arith.addf %add3A_471, %add3A_472 : vector<16xf32>
        %add3A_484 = arith.addf %add3A_473, %add3A_474 : vector<16xf32>
        %add3A_485 = arith.addf %add3A_475, %add3A_476 : vector<16xf32>
        %add3A_486 = arith.addf %add3A_477, %add3A_478 : vector<16xf32>
        %add3A_487 = arith.addf %add3A_479, %add3A_480 : vector<16xf32>
        %add3A_488 = arith.addf %add3A_481, %add3A_482 : vector<16xf32>
        %add3A_489 = arith.addf %add3A_483, %add3A_484 : vector<16xf32>
        %add3A_490 = arith.addf %add3A_485, %add3A_486 : vector<16xf32>
        %add3A_491 = arith.addf %add3A_487, %add3A_488 : vector<16xf32>
        %add3A_492 = arith.addf %add3A_489, %add3A_490 : vector<16xf32>
        %add3A_493 = arith.addf %add3A_491, %add3A_492 : vector<16xf32>
        %swap3A_494 = arith.constant 1 : i32
        %swap3A_495 = arith.index_cast %swap3A_494 : i32 to index
        %swap3A_496 = arith.index_cast %mul3A_107 : i32 to index
        %swap3A_497 = tpu.vector_load %arg10[%swap3A_495, %swap3A_496] {strides = array<i32>} : memref<2x128xf32, #tpu.memory_space<vmem>>, vector<1x16xf32>,
        %swap3A_498 = vector.shape_cast %swap3A_497 : vector<1x16xf32> to vector<16xf32>
        %swap3A_499 = vector.shape_cast %add3A_493 : vector<16xf32> to vector<1x16xf32>
        tpu.vector_store %arg10[%swap3A_495, %swap3A_496], %swap3A_499 {strides = array<i32>} : memref<2x128xf32, #tpu.memory_space<vmem>>, vector<1x16xf32>,
      }
      %scan3A_88 = arith.constant 8 : i32
      %mul3A_89 = arith.constant 320 : i32
      %mul3A_90 = arith.muli %add3A, %mul3A_89 : i32
      %mul3A_91 = arith.constant 2 : i32
      %mul3A_92 = arith.muli %add3A_71, %mul3A_91 : i32
      %add3A_93 = arith.addi %mul3A_90, %mul3A_92 : i32
      %dma_start3A_94 = arith.constant 0 : i32
      %dma_start3A_95 = tpu.memref_slice %arg4[%add3A_93, %dma_start3A_94] : memref<10240x128xf32, #tpu.memory_space<hbm>> -> memref<2x128xf32, #tpu.memory_space<hbm>>
      %dma_start3A_96 = arith.constant 0 : i32
      %dma_start3A_97 = tpu.memref_slice %arg4[%add3A_93, %dma_start3A_96] : memref<10240x128xf32, #tpu.memory_space<hbm>> -> memref<2x128xf32, #tpu.memory_space<hbm>>
      tpu.enqueue_dma source(%arg10 : memref<2x128xf32, #tpu.memory_space<vmem>>) target(%dma_start3A_97 : memref<2x128xf32, #tpu.memory_space<hbm>>) target_semaphore(%arg14 : memref<!tpu.dma_semaphore, #tpu.memory_space<semaphore_mem>>)
      %add3A_98 = arith.constant 2 : i32
      %add3A_99 = arith.addi %add3A_71, %add3A_98 : i32
      %lt3A_100 = arith.constant 160 : i32
      %lt3A_101 = arith.cmpi slt, %add3A_99, %lt3A_100 : i32
      %convert_element_type3A_102 = arith.extui %lt3A_101 : i1 to i32
      %cond3A_103 = arith.constant 0 : i32
      %cond3A_104 = arith.cmpi ne, %convert_element_type3A_102, %cond3A_103 : i32
      scf.if %cond3A_104 {
        %dma_start3A_105 = arith.constant 0 : i32
        %dma_start3A_106 = tpu.memref_slice %arg6[%add3A_99, %dma_start3A_105] : memref<160x64xi32, #tpu.memory_space<vmem>> -> memref<1x64xi32, #tpu.memory_space<vmem>>
        %dma_start3A_107 = tpu.memref_squeeze %dma_start3A_106 : memref<1x64xi32, #tpu.memory_space<vmem>> -> memref<64xi32, #tpu.memory_space<vmem>>
        %dma_start3A_108 = arith.constant 0 : i32
        %dma_start3A_109 = arith.constant 0 : i32
        %dma_start3A_110 = tpu.memref_slice %arg5[%dma_start3A_108, %dma_start3A_109] : memref<10000x128xf32, #tpu.memory_space<vmem_shared>> -> memref<10000x128xf32, #tpu.memory_space<vmem_shared>>
        tpu.enqueue_indirect_dma source(%dma_start3A_110 : memref<10000x128xf32, #tpu.memory_space<vmem_shared>>) target(%arg8 : memref<64x128xf32, #tpu.memory_space<vmem>>) offsets(%dma_start3A_107 : memref<64xi32, #tpu.memory_space<vmem>>) semaphore(%arg12 : memref<!tpu.dma_semaphore, #tpu.memory_space<semaphore_mem>>)
      } else {
      }
    }
    %scan3A_20 = arith.constant 80 : i32
    %mul3A_21 = arith.constant 320 : i32
    %mul3A_22 = arith.muli %add3A, %mul3A_21 : i32
    %dma_wait3A = arith.constant 0 : i32
    %dma_wait3A_23 = tpu.memref_slice %arg4[%mul3A_22, %dma_wait3A] : memref<10240x128xf32, #tpu.memory_space<hbm>> -> memref<2x128xf32, #tpu.memory_space<hbm>>
    %dma_wait3A_24 = arith.constant 0 : i32
    %dma_wait3A_25 = tpu.memref_slice %arg4[%mul3A_22, %dma_wait3A_24] : memref<10240x128xf32, #tpu.memory_space<hbm>> -> memref<2x128xf32, #tpu.memory_space<hbm>>
    tpu.wait_dma2 semaphore(%arg13 : memref<!tpu.dma_semaphore, #tpu.memory_space<semaphore_mem>>) src(%arg9 : memref<2x128xf32, #tpu.memory_space<vmem>>) dst(%dma_wait3A_25 : memref<2x128xf32, #tpu.memory_space<hbm>>)
    %mul3A_26 = arith.constant 320 : i32
    %mul3A_27 = arith.muli %add3A, %mul3A_26 : i32
    %dma_wait3A_28 = arith.constant 0 : i32
    %dma_wait3A_29 = tpu.memref_slice %arg4[%mul3A_27, %dma_wait3A_28] : memref<10240x128xf32, #tpu.memory_space<hbm>> -> memref<2x128xf32, #tpu.memory_space<hbm>>
    %dma_wait3A_30 = arith.constant 0 : i32
    %dma_wait3A_31 = tpu.memref_slice %arg4[%mul3A_27, %dma_wait3A_30] : memref<10240x128xf32, #tpu.memory_space<hbm>> -> memref<2x128xf32, #tpu.memory_space<hbm>>
    tpu.wait_dma2 semaphore(%arg14 : memref<!tpu.dma_semaphore, #tpu.memory_space<semaphore_mem>>) src(%arg10 : memref<2x128xf32, #tpu.memory_space<vmem>>) dst(%dma_wait3A_31 : memref<2x128xf32, #tpu.memory_space<hbm>>)
    return
  }
}

#map = affine_map<(d0, d1) -> (0, 0)>
#map1 = affine_map<(d0, d1) -> (0, 0, 0)>
module attributes {stable_mosaic.version = 14 : i64} {
  func.func @k(%arg0: i32, %arg1: i32, %arg2: memref<10000x128xf32, #tpu.memory_space<hbm>>, %arg3: memref<32x160x64xi32, #tpu.memory_space<hbm>>, %arg4: memref<10240x128xf32, #tpu.memory_space<hbm>>, %arg5: memref<10000x128xf32, #tpu.memory_space<vmem_shared>>, %arg6: memref<160x64xi32, #tpu.memory_space<vmem>>, %arg7: memref<64x128xf32, #tpu.memory_space<vmem>>, %arg8: memref<64x128xf32, #tpu.memory_space<vmem>>, %arg9: memref<2x128xf32, #tpu.memory_space<vmem>>, %arg10: memref<2x128xf32, #tpu.memory_space<vmem>>, %arg11: memref<!tpu.dma_semaphore, #tpu.memory_space<semaphore_mem>>, %arg12: memref<!tpu.dma_semaphore, #tpu.memory_space<semaphore_mem>>, %arg13: memref<!tpu.dma_semaphore, #tpu.memory_space<semaphore_mem>>, %arg14: memref<!tpu.dma_semaphore, #tpu.memory_space<semaphore_mem>>, %arg15: memref<!tpu.dma_semaphore, #tpu.memory_space<semaphore_mem>>) attributes {dimension_semantics = [#tpu.dimension_semantics<core_parallel>, #tpu.dimension_semantics<subcore_parallel>], iteration_bounds = array<i64: 2, 16>, scalar_prefetch = 0 : i64, scratch_operands = 11 : i64, tpu.core_type = #tpu.core_type<sc_vector_subcore>, window_params = [{transform_indices = #map}, {transform_indices = #map1}, {transform_indices = #map}]} {
    %mul3A = arith.constant 2 : i32
    %mul3A_0 = arith.muli %arg1, %mul3A : i32
    %add3A = arith.addi %mul3A_0, %arg0 : i32
    %eq3A = arith.constant 0 : i32
    %eq3A_1 = arith.cmpi eq, %arg1, %eq3A : i32
    %convert_element_type3A = arith.extui %eq3A_1 : i1 to i32
    %cond3A = arith.constant 0 : i32
    %cond3A_2 = arith.cmpi ne, %convert_element_type3A, %cond3A : i32
    scf.if %cond3A_2 {
      tpu.enqueue_dma source(%arg2 : memref<10000x128xf32, #tpu.memory_space<hbm>>) target(%arg5 : memref<10000x128xf32, #tpu.memory_space<vmem_shared>>) target_semaphore(%arg15 : memref<!tpu.dma_semaphore, #tpu.memory_space<semaphore_mem>>)
      tpu.wait_dma2 semaphore(%arg15 : memref<!tpu.dma_semaphore, #tpu.memory_space<semaphore_mem>>) src(%arg2 : memref<10000x128xf32, #tpu.memory_space<hbm>>) dst(%arg5 : memref<10000x128xf32, #tpu.memory_space<vmem_shared>>)
    } else {
    }
    %barrier3A = arith.constant 0 : index
    tpu.barrier barrier_id(%barrier3A)
    "tpu.region"() ({
      %run_scoped3A = tpu.sem_alloc : memref<!tpu.dma_semaphore, #tpu.memory_space<semaphore_mem>>
      %dma_start3A_32 = arith.constant 0 : i32
      %dma_start3A_33 = arith.constant 0 : i32
      %dma_start3A_34 = tpu.memref_slice %arg3[%add3A, %dma_start3A_32, %dma_start3A_33] : memref<32x160x64xi32, #tpu.memory_space<hbm>> -> memref<1x160x64xi32, #tpu.memory_space<hbm>>
      %dma_start3A_35 = tpu.memref_squeeze %dma_start3A_34 : memref<1x160x64xi32, #tpu.memory_space<hbm>> -> memref<160x64xi32, #tpu.memory_space<hbm>>
      %dma_start3A_36 = arith.constant 0 : i32
      %dma_start3A_37 = arith.constant 0 : i32
      %dma_start3A_38 = tpu.memref_slice %arg3[%add3A, %dma_start3A_36, %dma_start3A_37] : memref<32x160x64xi32, #tpu.memory_space<hbm>> -> memref<1x160x64xi32, #tpu.memory_space<hbm>>
      %dma_start3A_39 = tpu.memref_squeeze %dma_start3A_38 : memref<1x160x64xi32, #tpu.memory_space<hbm>> -> memref<160x64xi32, #tpu.memory_space<hbm>>
      tpu.enqueue_dma source(%dma_start3A_39 : memref<160x64xi32, #tpu.memory_space<hbm>>) target(%arg6 : memref<160x64xi32, #tpu.memory_space<vmem>>) target_semaphore(%run_scoped3A : memref<!tpu.dma_semaphore, #tpu.memory_space<semaphore_mem>>)
      %dma_wait3A_40 = arith.constant 0 : i32
      %dma_wait3A_41 = arith.constant 0 : i32
      %dma_wait3A_42 = tpu.memref_slice %arg3[%add3A, %dma_wait3A_40, %dma_wait3A_41] : memref<32x160x64xi32, #tpu.memory_space<hbm>> -> memref<1x160x64xi32, #tpu.memory_space<hbm>>
      %dma_wait3A_43 = tpu.memref_squeeze %dma_wait3A_42 : memref<1x160x64xi32, #tpu.memory_space<hbm>> -> memref<160x64xi32, #tpu.memory_space<hbm>>
      %dma_wait3A_44 = arith.constant 0 : i32
      %dma_wait3A_45 = arith.constant 0 : i32
      %dma_wait3A_46 = tpu.memref_slice %arg3[%add3A, %dma_wait3A_44, %dma_wait3A_45] : memref<32x160x64xi32, #tpu.memory_space<hbm>> -> memref<1x160x64xi32, #tpu.memory_space<hbm>>
      %dma_wait3A_47 = tpu.memref_squeeze %dma_wait3A_46 : memref<1x160x64xi32, #tpu.memory_space<hbm>> -> memref<160x64xi32, #tpu.memory_space<hbm>>
      tpu.wait_dma2 semaphore(%run_scoped3A : memref<!tpu.dma_semaphore, #tpu.memory_space<semaphore_mem>>) src(%dma_wait3A_47 : memref<160x64xi32, #tpu.memory_space<hbm>>) dst(%arg6 : memref<160x64xi32, #tpu.memory_space<vmem>>)
      tpu.yield
    }) : () -> ()
    %dma_start3A = arith.constant 0 : i32
    %dma_start3A_3 = arith.constant 0 : i32
    %dma_start3A_4 = tpu.memref_slice %arg6[%dma_start3A, %dma_start3A_3] : memref<160x64xi32, #tpu.memory_space<vmem>> -> memref<1x64xi32, #tpu.memory_space<vmem>>
    %dma_start3A_5 = tpu.memref_squeeze %dma_start3A_4 : memref<1x64xi32, #tpu.memory_space<vmem>> -> memref<64xi32, #tpu.memory_space<vmem>>
    %dma_start3A_6 = arith.constant 0 : i32
    %dma_start3A_7 = arith.constant 0 : i32
    %dma_start3A_8 = tpu.memref_slice %arg5[%dma_start3A_6, %dma_start3A_7] : memref<10000x128xf32, #tpu.memory_space<vmem_shared>> -> memref<10000x128xf32, #tpu.memory_space<vmem_shared>>
    tpu.enqueue_indirect_dma source(%dma_start3A_8 : memref<10000x128xf32, #tpu.memory_space<vmem_shared>>) target(%arg7 : memref<64x128xf32, #tpu.memory_space<vmem>>) offsets(%dma_start3A_5 : memref<64xi32, #tpu.memory_space<vmem>>) semaphore(%arg11 : memref<!tpu.dma_semaphore, #tpu.memory_space<semaphore_mem>>)
    %dma_start3A_9 = arith.constant 1 : i32
    %dma_start3A_10 = arith.constant 0 : i32
    %dma_start3A_11 = tpu.memref_slice %arg6[%dma_start3A_9, %dma_start3A_10] : memref<160x64xi32, #tpu.memory_space<vmem>> -> memref<1x64xi32, #tpu.memory_space<vmem>>
    %dma_start3A_12 = tpu.memref_squeeze %dma_start3A_11 : memref<1x64xi32, #tpu.memory_space<vmem>> -> memref<64xi32, #tpu.memory_space<vmem>>
    %dma_start3A_13 = arith.constant 0 : i32
    %dma_start3A_14 = arith.constant 0 : i32
    %dma_start3A_15 = tpu.memref_slice %arg5[%dma_start3A_13, %dma_start3A_14] : memref<10000x128xf32, #tpu.memory_space<vmem_shared>> -> memref<10000x128xf32, #tpu.memory_space<vmem_shared>>
    tpu.enqueue_indirect_dma source(%dma_start3A_15 : memref<10000x128xf32, #tpu.memory_space<vmem_shared>>) target(%arg8 : memref<64x128xf32, #tpu.memory_space<vmem>>) offsets(%dma_start3A_12 : memref<64xi32, #tpu.memory_space<vmem>>) semaphore(%arg12 : memref<!tpu.dma_semaphore, #tpu.memory_space<semaphore_mem>>)
    %scan3A = arith.constant 0 : i32
    %scan3A_16 = arith.constant 0 : i32
    %scan3A_17 = arith.constant 80 : i32
    %scan3A_18 = arith.addi %scan3A_16, %scan3A_17 : i32
    %scan3A_19 = arith.constant 1 : i32
    scf.for %scan3A_32 = %scan3A_16 to %scan3A_18 step %scan3A_19  : i32 {
      %mul3A_33 = arith.constant 2 : i32
      %mul3A_34 = arith.muli %scan3A_32, %mul3A_33 : i32
      %add3A_35 = arith.constant 0 : i32
      %add3A_36 = arith.addi %mul3A_34, %add3A_35 : i32
      %dma_wait3A_37 = arith.constant 0 : i32
      %dma_wait3A_38 = tpu.memref_slice %arg6[%add3A_36, %dma_wait3A_37] : memref<160x64xi32, #tpu.memory_space<vmem>> -> memref<1x64xi32, #tpu.memory_space<vmem>>
      %dma_wait3A_39 = tpu.memref_squeeze %dma_wait3A_38 : memref<1x64xi32, #tpu.memory_space<vmem>> -> memref<64xi32, #tpu.memory_space<vmem>>
      %dma_wait3A_40 = arith.constant 0 : i32
      %dma_wait3A_41 = arith.constant 0 : i32
      %dma_wait3A_42 = tpu.memref_slice %arg5[%dma_wait3A_40, %dma_wait3A_41] : memref<10000x128xf32, #tpu.memory_space<vmem_shared>> -> memref<10000x128xf32, #tpu.memory_space<vmem_shared>>
      tpu.wait_indirect_dma semaphore(%arg11 : memref<!tpu.dma_semaphore, #tpu.memory_space<semaphore_mem>>) src(%dma_wait3A_42 : memref<10000x128xf32, #tpu.memory_space<vmem_shared>>) dst(%arg7 : memref<64x128xf32, #tpu.memory_space<vmem>>)
      %ge3A = arith.constant 2 : i32
      %ge3A_43 = arith.cmpi sge, %add3A_36, %ge3A : i32
      %convert_element_type3A_44 = arith.extui %ge3A_43 : i1 to i32
      %cond3A_45 = arith.constant 0 : i32
      %cond3A_46 = arith.cmpi ne, %convert_element_type3A_44, %cond3A_45 : i32
      scf.if %cond3A_46 {
        %mul3A_105 = arith.constant 320 : i32
        %mul3A_106 = arith.muli %add3A, %mul3A_105 : i32
        %dma_wait3A_107 = arith.constant 0 : i32
        %dma_wait3A_108 = tpu.memref_slice %arg4[%mul3A_106, %dma_wait3A_107] : memref<10240x128xf32, #tpu.memory_space<hbm>> -> memref<2x128xf32, #tpu.memory_space<hbm>>
        %dma_wait3A_109 = arith.constant 0 : i32
        %dma_wait3A_110 = tpu.memref_slice %arg4[%mul3A_106, %dma_wait3A_109] : memref<10240x128xf32, #tpu.memory_space<hbm>> -> memref<2x128xf32, #tpu.memory_space<hbm>>
        tpu.wait_dma2 semaphore(%arg13 : memref<!tpu.dma_semaphore, #tpu.memory_space<semaphore_mem>>) src(%arg9 : memref<2x128xf32, #tpu.memory_space<vmem>>) dst(%dma_wait3A_110 : memref<2x128xf32, #tpu.memory_space<hbm>>)
      } else {
      }
      %scan3A_47 = arith.constant 0 : i32
      %scan3A_48 = arith.constant 0 : i32
      %scan3A_49 = arith.constant 8 : i32
      %scan3A_50 = arith.addi %scan3A_48, %scan3A_49 : i32
      %scan3A_51 = arith.constant 1 : i32
      scf.for %scan3A_105 = %scan3A_48 to %scan3A_50 step %scan3A_51  : i32 {
        %mul3A_106 = arith.constant 16 : i32
        %mul3A_107 = arith.muli %scan3A_105, %mul3A_106 : i32
        %get3A = arith.constant 0 : i32
        %get3A_108 = arith.index_cast %get3A : i32 to index
        %get3A_109 = arith.index_cast %mul3A_107 : i32 to index
        %get3A_110 = tpu.vector_load %arg7[%get3A_108, %get3A_109] {strides = array<i32>} : memref<64x128xf32, #tpu.memory_space<vmem>>, vector<1x16xf32>,
        %get3A_111 = vector.shape_cast %get3A_110 : vector<1x16xf32> to vector<16xf32>
        %get3A_112 = arith.constant 1 : i32
        %get3A_113 = arith.index_cast %get3A_112 : i32 to index
        %get3A_114 = arith.index_cast %mul3A_107 : i32 to index
        %get3A_115 = tpu.vector_load %arg7[%get3A_113, %get3A_114] {strides = array<i32>} : memref<64x128xf32, #tpu.memory_space<vmem>>, vector<1x16xf32>,
        %get3A_116 = vector.shape_cast %get3A_115 : vector<1x16xf32> to vector<16xf32>
        %get3A_117 = arith.constant 2 : i32
        %get3A_118 = arith.index_cast %get3A_117 : i32 to index
        %get3A_119 = arith.index_cast %mul3A_107 : i32 to index
        %get3A_120 = tpu.vector_load %arg7[%get3A_118, %get3A_119] {strides = array<i32>} : memref<64x128xf32, #tpu.memory_space<vmem>>, vector<1x16xf32>,
        %get3A_121 = vector.shape_cast %get3A_120 : vector<1x16xf32> to vector<16xf32>
        %get3A_122 = arith.constant 3 : i32
        %get3A_123 = arith.index_cast %get3A_122 : i32 to index
        %get3A_124 = arith.index_cast %mul3A_107 : i32 to index
        %get3A_125 = tpu.vector_load %arg7[%get3A_123, %get3A_124] {strides = array<i32>} : memref<64x128xf32, #tpu.memory_space<vmem>>, vector<1x16xf32>,
        %get3A_126 = vector.shape_cast %get3A_125 : vector<1x16xf32> to vector<16xf32>
        %get3A_127 = arith.constant 4 : i32
        %get3A_128 = arith.index_cast %get3A_127 : i32 to index
        %get3A_129 = arith.index_cast %mul3A_107 : i32 to index
        %get3A_130 = tpu.vector_load %arg7[%get3A_128, %get3A_129] {strides = array<i32>} : memref<64x128xf32, #tpu.memory_space<vmem>>, vector<1x16xf32>,
        %get3A_131 = vector.shape_cast %get3A_130 : vector<1x16xf32> to vector<16xf32>
        %get3A_132 = arith.constant 5 : i32
        %get3A_133 = arith.index_cast %get3A_132 : i32 to index
        %get3A_134 = arith.index_cast %mul3A_107 : i32 to index
        %get3A_135 = tpu.vector_load %arg7[%get3A_133, %get3A_134] {strides = array<i32>} : memref<64x128xf32, #tpu.memory_space<vmem>>, vector<1x16xf32>,
        %get3A_136 = vector.shape_cast %get3A_135 : vector<1x16xf32> to vector<16xf32>
        %get3A_137 = arith.constant 6 : i32
        %get3A_138 = arith.index_cast %get3A_137 : i32 to index
        %get3A_139 = arith.index_cast %mul3A_107 : i32 to index
        %get3A_140 = tpu.vector_load %arg7[%get3A_138, %get3A_139] {strides = array<i32>} : memref<64x128xf32, #tpu.memory_space<vmem>>, vector<1x16xf32>,
        %get3A_141 = vector.shape_cast %get3A_140 : vector<1x16xf32> to vector<16xf32>
        %get3A_142 = arith.constant 7 : i32
        %get3A_143 = arith.index_cast %get3A_142 : i32 to index
        %get3A_144 = arith.index_cast %mul3A_107 : i32 to index
        %get3A_145 = tpu.vector_load %arg7[%get3A_143, %get3A_144] {strides = array<i32>} : memref<64x128xf32, #tpu.memory_space<vmem>>, vector<1x16xf32>,
        %get3A_146 = vector.shape_cast %get3A_145 : vector<1x16xf32> to vector<16xf32>
        %get3A_147 = arith.constant 8 : i32
        %get3A_148 = arith.index_cast %get3A_147 : i32 to index
        %get3A_149 = arith.index_cast %mul3A_107 : i32 to index
        %get3A_150 = tpu.vector_load %arg7[%get3A_148, %get3A_149] {strides = array<i32>} : memref<64x128xf32, #tpu.memory_space<vmem>>, vector<1x16xf32>,
        %get3A_151 = vector.shape_cast %get3A_150 : vector<1x16xf32> to vector<16xf32>
        %get3A_152 = arith.constant 9 : i32
        %get3A_153 = arith.index_cast %get3A_152 : i32 to index
        %get3A_154 = arith.index_cast %mul3A_107 : i32 to index
        %get3A_155 = tpu.vector_load %arg7[%get3A_153, %get3A_154] {strides = array<i32>} : memref<64x128xf32, #tpu.memory_space<vmem>>, vector<1x16xf32>,
        %get3A_156 = vector.shape_cast %get3A_155 : vector<1x16xf32> to vector<16xf32>
        %get3A_157 = arith.constant 10 : i32
        %get3A_158 = arith.index_cast %get3A_157 : i32 to index
        %get3A_159 = arith.index_cast %mul3A_107 : i32 to index
        %get3A_160 = tpu.vector_load %arg7[%get3A_158, %get3A_159] {strides = array<i32>} : memref<64x128xf32, #tpu.memory_space<vmem>>, vector<1x16xf32>,
        %get3A_161 = vector.shape_cast %get3A_160 : vector<1x16xf32> to vector<16xf32>
        %get3A_162 = arith.constant 11 : i32
        %get3A_163 = arith.index_cast %get3A_162 : i32 to index
        %get3A_164 = arith.index_cast %mul3A_107 : i32 to index
        %get3A_165 = tpu.vector_load %arg7[%get3A_163, %get3A_164] {strides = array<i32>} : memref<64x128xf32, #tpu.memory_space<vmem>>, vector<1x16xf32>,
        %get3A_166 = vector.shape_cast %get3A_165 : vector<1x16xf32> to vector<16xf32>
        %get3A_167 = arith.constant 12 : i32
        %get3A_168 = arith.index_cast %get3A_167 : i32 to index
        %get3A_169 = arith.index_cast %mul3A_107 : i32 to index
        %get3A_170 = tpu.vector_load %arg7[%get3A_168, %get3A_169] {strides = array<i32>} : memref<64x128xf32, #tpu.memory_space<vmem>>, vector<1x16xf32>,
        %get3A_171 = vector.shape_cast %get3A_170 : vector<1x16xf32> to vector<16xf32>
        %get3A_172 = arith.constant 13 : i32
        %get3A_173 = arith.index_cast %get3A_172 : i32 to index
        %get3A_174 = arith.index_cast %mul3A_107 : i32 to index
        %get3A_175 = tpu.vector_load %arg7[%get3A_173, %get3A_174] {strides = array<i32>} : memref<64x128xf32, #tpu.memory_space<vmem>>, vector<1x16xf32>,
        %get3A_176 = vector.shape_cast %get3A_175 : vector<1x16xf32> to vector<16xf32>
        %get3A_177 = arith.constant 14 : i32
        %get3A_178 = arith.index_cast %get3A_177 : i32 to index
        %get3A_179 = arith.index_cast %mul3A_107 : i32 to index
        %get3A_180 = tpu.vector_load %arg7[%get3A_178, %get3A_179] {strides = array<i32>} : memref<64x128xf32, #tpu.memory_space<vmem>>, vector<1x16xf32>,
        %get3A_181 = vector.shape_cast %get3A_180 : vector<1x16xf32> to vector<16xf32>
        %get3A_182 = arith.constant 15 : i32
        %get3A_183 = arith.index_cast %get3A_182 : i32 to index
        %get3A_184 = arith.index_cast %mul3A_107 : i32 to index
        %get3A_185 = tpu.vector_load %arg7[%get3A_183, %get3A_184] {strides = array<i32>} : memref<64x128xf32, #tpu.memory_space<vmem>>, vector<1x16xf32>,
        %get3A_186 = vector.shape_cast %get3A_185 : vector<1x16xf32> to vector<16xf32>
        %get3A_187 = arith.constant 16 : i32
        %get3A_188 = arith.index_cast %get3A_187 : i32 to index
        %get3A_189 = arith.index_cast %mul3A_107 : i32 to index
        %get3A_190 = tpu.vector_load %arg7[%get3A_188, %get3A_189] {strides = array<i32>} : memref<64x128xf32, #tpu.memory_space<vmem>>, vector<1x16xf32>,
        %get3A_191 = vector.shape_cast %get3A_190 : vector<1x16xf32> to vector<16xf32>
        %get3A_192 = arith.constant 17 : i32
        %get3A_193 = arith.index_cast %get3A_192 : i32 to index
        %get3A_194 = arith.index_cast %mul3A_107 : i32 to index
        %get3A_195 = tpu.vector_load %arg7[%get3A_193, %get3A_194] {strides = array<i32>} : memref<64x128xf32, #tpu.memory_space<vmem>>, vector<1x16xf32>,
        %get3A_196 = vector.shape_cast %get3A_195 : vector<1x16xf32> to vector<16xf32>
        %get3A_197 = arith.constant 18 : i32
        %get3A_198 = arith.index_cast %get3A_197 : i32 to index
        %get3A_199 = arith.index_cast %mul3A_107 : i32 to index
        %get3A_200 = tpu.vector_load %arg7[%get3A_198, %get3A_199] {strides = array<i32>} : memref<64x128xf32, #tpu.memory_space<vmem>>, vector<1x16xf32>,
        %get3A_201 = vector.shape_cast %get3A_200 : vector<1x16xf32> to vector<16xf32>
        %get3A_202 = arith.constant 19 : i32
        %get3A_203 = arith.index_cast %get3A_202 : i32 to index
        %get3A_204 = arith.index_cast %mul3A_107 : i32 to index
        %get3A_205 = tpu.vector_load %arg7[%get3A_203, %get3A_204] {strides = array<i32>} : memref<64x128xf32, #tpu.memory_space<vmem>>, vector<1x16xf32>,
        %get3A_206 = vector.shape_cast %get3A_205 : vector<1x16xf32> to vector<16xf32>
        %get3A_207 = arith.constant 20 : i32
        %get3A_208 = arith.index_cast %get3A_207 : i32 to index
        %get3A_209 = arith.index_cast %mul3A_107 : i32 to index
        %get3A_210 = tpu.vector_load %arg7[%get3A_208, %get3A_209] {strides = array<i32>} : memref<64x128xf32, #tpu.memory_space<vmem>>, vector<1x16xf32>,
        %get3A_211 = vector.shape_cast %get3A_210 : vector<1x16xf32> to vector<16xf32>
        %get3A_212 = arith.constant 21 : i32
        %get3A_213 = arith.index_cast %get3A_212 : i32 to index
        %get3A_214 = arith.index_cast %mul3A_107 : i32 to index
        %get3A_215 = tpu.vector_load %arg7[%get3A_213, %get3A_214] {strides = array<i32>} : memref<64x128xf32, #tpu.memory_space<vmem>>, vector<1x16xf32>,
        %get3A_216 = vector.shape_cast %get3A_215 : vector<1x16xf32> to vector<16xf32>
        %get3A_217 = arith.constant 22 : i32
        %get3A_218 = arith.index_cast %get3A_217 : i32 to index
        %get3A_219 = arith.index_cast %mul3A_107 : i32 to index
        %get3A_220 = tpu.vector_load %arg7[%get3A_218, %get3A_219] {strides = array<i32>} : memref<64x128xf32, #tpu.memory_space<vmem>>, vector<1x16xf32>,
        %get3A_221 = vector.shape_cast %get3A_220 : vector<1x16xf32> to vector<16xf32>
        %get3A_222 = arith.constant 23 : i32
        %get3A_223 = arith.index_cast %get3A_222 : i32 to index
        %get3A_224 = arith.index_cast %mul3A_107 : i32 to index
        %get3A_225 = tpu.vector_load %arg7[%get3A_223, %get3A_224] {strides = array<i32>} : memref<64x128xf32, #tpu.memory_space<vmem>>, vector<1x16xf32>,
        %get3A_226 = vector.shape_cast %get3A_225 : vector<1x16xf32> to vector<16xf32>
        %get3A_227 = arith.constant 24 : i32
        %get3A_228 = arith.index_cast %get3A_227 : i32 to index
        %get3A_229 = arith.index_cast %mul3A_107 : i32 to index
        %get3A_230 = tpu.vector_load %arg7[%get3A_228, %get3A_229] {strides = array<i32>} : memref<64x128xf32, #tpu.memory_space<vmem>>, vector<1x16xf32>,
        %get3A_231 = vector.shape_cast %get3A_230 : vector<1x16xf32> to vector<16xf32>
        %get3A_232 = arith.constant 25 : i32
        %get3A_233 = arith.index_cast %get3A_232 : i32 to index
        %get3A_234 = arith.index_cast %mul3A_107 : i32 to index
        %get3A_235 = tpu.vector_load %arg7[%get3A_233, %get3A_234] {strides = array<i32>} : memref<64x128xf32, #tpu.memory_space<vmem>>, vector<1x16xf32>,
        %get3A_236 = vector.shape_cast %get3A_235 : vector<1x16xf32> to vector<16xf32>
        %get3A_237 = arith.constant 26 : i32
        %get3A_238 = arith.index_cast %get3A_237 : i32 to index
        %get3A_239 = arith.index_cast %mul3A_107 : i32 to index
        %get3A_240 = tpu.vector_load %arg7[%get3A_238, %get3A_239] {strides = array<i32>} : memref<64x128xf32, #tpu.memory_space<vmem>>, vector<1x16xf32>,
        %get3A_241 = vector.shape_cast %get3A_240 : vector<1x16xf32> to vector<16xf32>
        %get3A_242 = arith.constant 27 : i32
        %get3A_243 = arith.index_cast %get3A_242 : i32 to index
        %get3A_244 = arith.index_cast %mul3A_107 : i32 to index
        %get3A_245 = tpu.vector_load %arg7[%get3A_243, %get3A_244] {strides = array<i32>} : memref<64x128xf32, #tpu.memory_space<vmem>>, vector<1x16xf32>,
        %get3A_246 = vector.shape_cast %get3A_245 : vector<1x16xf32> to vector<16xf32>
        %get3A_247 = arith.constant 28 : i32
        %get3A_248 = arith.index_cast %get3A_247 : i32 to index
        %get3A_249 = arith.index_cast %mul3A_107 : i32 to index
        %get3A_250 = tpu.vector_load %arg7[%get3A_248, %get3A_249] {strides = array<i32>} : memref<64x128xf32, #tpu.memory_space<vmem>>, vector<1x16xf32>,
        %get3A_251 = vector.shape_cast %get3A_250 : vector<1x16xf32> to vector<16xf32>
        %get3A_252 = arith.constant 29 : i32
        %get3A_253 = arith.index_cast %get3A_252 : i32 to index
        %get3A_254 = arith.index_cast %mul3A_107 : i32 to index
        %get3A_255 = tpu.vector_load %arg7[%get3A_253, %get3A_254] {strides = array<i32>} : memref<64x128xf32, #tpu.memory_space<vmem>>, vector<1x16xf32>,
        %get3A_256 = vector.shape_cast %get3A_255 : vector<1x16xf32> to vector<16xf32>
        %get3A_257 = arith.constant 30 : i32
        %get3A_258 = arith.index_cast %get3A_257 : i32 to index
        %get3A_259 = arith.index_cast %mul3A_107 : i32 to index
        %get3A_260 = tpu.vector_load %arg7[%get3A_258, %get3A_259] {strides = array<i32>} : memref<64x128xf32, #tpu.memory_space<vmem>>, vector<1x16xf32>,
        %get3A_261 = vector.shape_cast %get3A_260 : vector<1x16xf32> to vector<16xf32>
        %get3A_262 = arith.constant 31 : i32
        %get3A_263 = arith.index_cast %get3A_262 : i32 to index
        %get3A_264 = arith.index_cast %mul3A_107 : i32 to index
        %get3A_265 = tpu.vector_load %arg7[%get3A_263, %get3A_264] {strides = array<i32>} : memref<64x128xf32, #tpu.memory_space<vmem>>, vector<1x16xf32>,
        %get3A_266 = vector.shape_cast %get3A_265 : vector<1x16xf32> to vector<16xf32>
        %add3A_267 = arith.addf %get3A_111, %get3A_116 : vector<16xf32>
        %add3A_268 = arith.addf %get3A_121, %get3A_126 : vector<16xf32>
        %add3A_269 = arith.addf %get3A_131, %get3A_136 : vector<16xf32>
        %add3A_270 = arith.addf %get3A_141, %get3A_146 : vector<16xf32>
        %add3A_271 = arith.addf %get3A_151, %get3A_156 : vector<16xf32>
        %add3A_272 = arith.addf %get3A_161, %get3A_166 : vector<16xf32>
        %add3A_273 = arith.addf %get3A_171, %get3A_176 : vector<16xf32>
        %add3A_274 = arith.addf %get3A_181, %get3A_186 : vector<16xf32>
        %add3A_275 = arith.addf %get3A_191, %get3A_196 : vector<16xf32>
        %add3A_276 = arith.addf %get3A_201, %get3A_206 : vector<16xf32>
        %add3A_277 = arith.addf %get3A_211, %get3A_216 : vector<16xf32>
        %add3A_278 = arith.addf %get3A_221, %get3A_226 : vector<16xf32>
        %add3A_279 = arith.addf %get3A_231, %get3A_236 : vector<16xf32>
        %add3A_280 = arith.addf %get3A_241, %get3A_246 : vector<16xf32>
        %add3A_281 = arith.addf %get3A_251, %get3A_256 : vector<16xf32>
        %add3A_282 = arith.addf %get3A_261, %get3A_266 : vector<16xf32>
        %add3A_283 = arith.addf %add3A_267, %add3A_268 : vector<16xf32>
        %add3A_284 = arith.addf %add3A_269, %add3A_270 : vector<16xf32>
        %add3A_285 = arith.addf %add3A_271, %add3A_272 : vector<16xf32>
        %add3A_286 = arith.addf %add3A_273, %add3A_274 : vector<16xf32>
        %add3A_287 = arith.addf %add3A_275, %add3A_276 : vector<16xf32>
        %add3A_288 = arith.addf %add3A_277, %add3A_278 : vector<16xf32>
        %add3A_289 = arith.addf %add3A_279, %add3A_280 : vector<16xf32>
        %add3A_290 = arith.addf %add3A_281, %add3A_282 : vector<16xf32>
        %add3A_291 = arith.addf %add3A_283, %add3A_284 : vector<16xf32>
        %add3A_292 = arith.addf %add3A_285, %add3A_286 : vector<16xf32>
        %add3A_293 = arith.addf %add3A_287, %add3A_288 : vector<16xf32>
        %add3A_294 = arith.addf %add3A_289, %add3A_290 : vector<16xf32>
        %add3A_295 = arith.addf %add3A_291, %add3A_292 : vector<16xf32>
        %add3A_296 = arith.addf %add3A_293, %add3A_294 : vector<16xf32>
        %add3A_297 = arith.addf %add3A_295, %add3A_296 : vector<16xf32>
        %swap3A = arith.constant 0 : i32
        %swap3A_298 = arith.index_cast %swap3A : i32 to index
        %swap3A_299 = arith.index_cast %mul3A_107 : i32 to index
        %swap3A_300 = tpu.vector_load %arg9[%swap3A_298, %swap3A_299] {strides = array<i32>} : memref<2x128xf32, #tpu.memory_space<vmem>>, vector<1x16xf32>,
        %swap3A_301 = vector.shape_cast %swap3A_300 : vector<1x16xf32> to vector<16xf32>
        %swap3A_302 = vector.shape_cast %add3A_297 : vector<16xf32> to vector<1x16xf32>
        tpu.vector_store %arg9[%swap3A_298, %swap3A_299], %swap3A_302 {strides = array<i32>} : memref<2x128xf32, #tpu.memory_space<vmem>>, vector<1x16xf32>,
        %get3A_303 = arith.constant 32 : i32
        %get3A_304 = arith.index_cast %get3A_303 : i32 to index
        %get3A_305 = arith.index_cast %mul3A_107 : i32 to index
        %get3A_306 = tpu.vector_load %arg7[%get3A_304, %get3A_305] {strides = array<i32>} : memref<64x128xf32, #tpu.memory_space<vmem>>, vector<1x16xf32>,
        %get3A_307 = vector.shape_cast %get3A_306 : vector<1x16xf32> to vector<16xf32>
        %get3A_308 = arith.constant 33 : i32
        %get3A_309 = arith.index_cast %get3A_308 : i32 to index
        %get3A_310 = arith.index_cast %mul3A_107 : i32 to index
        %get3A_311 = tpu.vector_load %arg7[%get3A_309, %get3A_310] {strides = array<i32>} : memref<64x128xf32, #tpu.memory_space<vmem>>, vector<1x16xf32>,
        %get3A_312 = vector.shape_cast %get3A_311 : vector<1x16xf32> to vector<16xf32>
        %get3A_313 = arith.constant 34 : i32
        %get3A_314 = arith.index_cast %get3A_313 : i32 to index
        %get3A_315 = arith.index_cast %mul3A_107 : i32 to index
        %get3A_316 = tpu.vector_load %arg7[%get3A_314, %get3A_315] {strides = array<i32>} : memref<64x128xf32, #tpu.memory_space<vmem>>, vector<1x16xf32>,
        %get3A_317 = vector.shape_cast %get3A_316 : vector<1x16xf32> to vector<16xf32>
        %get3A_318 = arith.constant 35 : i32
        %get3A_319 = arith.index_cast %get3A_318 : i32 to index
        %get3A_320 = arith.index_cast %mul3A_107 : i32 to index
        %get3A_321 = tpu.vector_load %arg7[%get3A_319, %get3A_320] {strides = array<i32>} : memref<64x128xf32, #tpu.memory_space<vmem>>, vector<1x16xf32>,
        %get3A_322 = vector.shape_cast %get3A_321 : vector<1x16xf32> to vector<16xf32>
        %get3A_323 = arith.constant 36 : i32
        %get3A_324 = arith.index_cast %get3A_323 : i32 to index
        %get3A_325 = arith.index_cast %mul3A_107 : i32 to index
        %get3A_326 = tpu.vector_load %arg7[%get3A_324, %get3A_325] {strides = array<i32>} : memref<64x128xf32, #tpu.memory_space<vmem>>, vector<1x16xf32>,
        %get3A_327 = vector.shape_cast %get3A_326 : vector<1x16xf32> to vector<16xf32>
        %get3A_328 = arith.constant 37 : i32
        %get3A_329 = arith.index_cast %get3A_328 : i32 to index
        %get3A_330 = arith.index_cast %mul3A_107 : i32 to index
        %get3A_331 = tpu.vector_load %arg7[%get3A_329, %get3A_330] {strides = array<i32>} : memref<64x128xf32, #tpu.memory_space<vmem>>, vector<1x16xf32>,
        %get3A_332 = vector.shape_cast %get3A_331 : vector<1x16xf32> to vector<16xf32>
        %get3A_333 = arith.constant 38 : i32
        %get3A_334 = arith.index_cast %get3A_333 : i32 to index
        %get3A_335 = arith.index_cast %mul3A_107 : i32 to index
        %get3A_336 = tpu.vector_load %arg7[%get3A_334, %get3A_335] {strides = array<i32>} : memref<64x128xf32, #tpu.memory_space<vmem>>, vector<1x16xf32>,
        %get3A_337 = vector.shape_cast %get3A_336 : vector<1x16xf32> to vector<16xf32>
        %get3A_338 = arith.constant 39 : i32
        %get3A_339 = arith.index_cast %get3A_338 : i32 to index
        %get3A_340 = arith.index_cast %mul3A_107 : i32 to index
        %get3A_341 = tpu.vector_load %arg7[%get3A_339, %get3A_340] {strides = array<i32>} : memref<64x128xf32, #tpu.memory_space<vmem>>, vector<1x16xf32>,
        %get3A_342 = vector.shape_cast %get3A_341 : vector<1x16xf32> to vector<16xf32>
        %get3A_343 = arith.constant 40 : i32
        %get3A_344 = arith.index_cast %get3A_343 : i32 to index
        %get3A_345 = arith.index_cast %mul3A_107 : i32 to index
        %get3A_346 = tpu.vector_load %arg7[%get3A_344, %get3A_345] {strides = array<i32>} : memref<64x128xf32, #tpu.memory_space<vmem>>, vector<1x16xf32>,
        %get3A_347 = vector.shape_cast %get3A_346 : vector<1x16xf32> to vector<16xf32>
        %get3A_348 = arith.constant 41 : i32
        %get3A_349 = arith.index_cast %get3A_348 : i32 to index
        %get3A_350 = arith.index_cast %mul3A_107 : i32 to index
        %get3A_351 = tpu.vector_load %arg7[%get3A_349, %get3A_350] {strides = array<i32>} : memref<64x128xf32, #tpu.memory_space<vmem>>, vector<1x16xf32>,
        %get3A_352 = vector.shape_cast %get3A_351 : vector<1x16xf32> to vector<16xf32>
        %get3A_353 = arith.constant 42 : i32
        %get3A_354 = arith.index_cast %get3A_353 : i32 to index
        %get3A_355 = arith.index_cast %mul3A_107 : i32 to index
        %get3A_356 = tpu.vector_load %arg7[%get3A_354, %get3A_355] {strides = array<i32>} : memref<64x128xf32, #tpu.memory_space<vmem>>, vector<1x16xf32>,
        %get3A_357 = vector.shape_cast %get3A_356 : vector<1x16xf32> to vector<16xf32>
        %get3A_358 = arith.constant 43 : i32
        %get3A_359 = arith.index_cast %get3A_358 : i32 to index
        %get3A_360 = arith.index_cast %mul3A_107 : i32 to index
        %get3A_361 = tpu.vector_load %arg7[%get3A_359, %get3A_360] {strides = array<i32>} : memref<64x128xf32, #tpu.memory_space<vmem>>, vector<1x16xf32>,
        %get3A_362 = vector.shape_cast %get3A_361 : vector<1x16xf32> to vector<16xf32>
        %get3A_363 = arith.constant 44 : i32
        %get3A_364 = arith.index_cast %get3A_363 : i32 to index
        %get3A_365 = arith.index_cast %mul3A_107 : i32 to index
        %get3A_366 = tpu.vector_load %arg7[%get3A_364, %get3A_365] {strides = array<i32>} : memref<64x128xf32, #tpu.memory_space<vmem>>, vector<1x16xf32>,
        %get3A_367 = vector.shape_cast %get3A_366 : vector<1x16xf32> to vector<16xf32>
        %get3A_368 = arith.constant 45 : i32
        %get3A_369 = arith.index_cast %get3A_368 : i32 to index
        %get3A_370 = arith.index_cast %mul3A_107 : i32 to index
        %get3A_371 = tpu.vector_load %arg7[%get3A_369, %get3A_370] {strides = array<i32>} : memref<64x128xf32, #tpu.memory_space<vmem>>, vector<1x16xf32>,
        %get3A_372 = vector.shape_cast %get3A_371 : vector<1x16xf32> to vector<16xf32>
        %get3A_373 = arith.constant 46 : i32
        %get3A_374 = arith.index_cast %get3A_373 : i32 to index
        %get3A_375 = arith.index_cast %mul3A_107 : i32 to index
        %get3A_376 = tpu.vector_load %arg7[%get3A_374, %get3A_375] {strides = array<i32>} : memref<64x128xf32, #tpu.memory_space<vmem>>, vector<1x16xf32>,
        %get3A_377 = vector.shape_cast %get3A_376 : vector<1x16xf32> to vector<16xf32>
        %get3A_378 = arith.constant 47 : i32
        %get3A_379 = arith.index_cast %get3A_378 : i32 to index
        %get3A_380 = arith.index_cast %mul3A_107 : i32 to index
        %get3A_381 = tpu.vector_load %arg7[%get3A_379, %get3A_380] {strides = array<i32>} : memref<64x128xf32, #tpu.memory_space<vmem>>, vector<1x16xf32>,
        %get3A_382 = vector.shape_cast %get3A_381 : vector<1x16xf32> to vector<16xf32>
        %get3A_383 = arith.constant 48 : i32
        %get3A_384 = arith.index_cast %get3A_383 : i32 to index
        %get3A_385 = arith.index_cast %mul3A_107 : i32 to index
        %get3A_386 = tpu.vector_load %arg7[%get3A_384, %get3A_385] {strides = array<i32>} : memref<64x128xf32, #tpu.memory_space<vmem>>, vector<1x16xf32>,
        %get3A_387 = vector.shape_cast %get3A_386 : vector<1x16xf32> to vector<16xf32>
        %get3A_388 = arith.constant 49 : i32
        %get3A_389 = arith.index_cast %get3A_388 : i32 to index
        %get3A_390 = arith.index_cast %mul3A_107 : i32 to index
        %get3A_391 = tpu.vector_load %arg7[%get3A_389, %get3A_390] {strides = array<i32>} : memref<64x128xf32, #tpu.memory_space<vmem>>, vector<1x16xf32>,
        %get3A_392 = vector.shape_cast %get3A_391 : vector<1x16xf32> to vector<16xf32>
        %get3A_393 = arith.constant 50 : i32
        %get3A_394 = arith.index_cast %get3A_393 : i32 to index
        %get3A_395 = arith.index_cast %mul3A_107 : i32 to index
        %get3A_396 = tpu.vector_load %arg7[%get3A_394, %get3A_395] {strides = array<i32>} : memref<64x128xf32, #tpu.memory_space<vmem>>, vector<1x16xf32>,
        %get3A_397 = vector.shape_cast %get3A_396 : vector<1x16xf32> to vector<16xf32>
        %get3A_398 = arith.constant 51 : i32
        %get3A_399 = arith.index_cast %get3A_398 : i32 to index
        %get3A_400 = arith.index_cast %mul3A_107 : i32 to index
        %get3A_401 = tpu.vector_load %arg7[%get3A_399, %get3A_400] {strides = array<i32>} : memref<64x128xf32, #tpu.memory_space<vmem>>, vector<1x16xf32>,
        %get3A_402 = vector.shape_cast %get3A_401 : vector<1x16xf32> to vector<16xf32>
        %get3A_403 = arith.constant 52 : i32
        %get3A_404 = arith.index_cast %get3A_403 : i32 to index
        %get3A_405 = arith.index_cast %mul3A_107 : i32 to index
        %get3A_406 = tpu.vector_load %arg7[%get3A_404, %get3A_405] {strides = array<i32>} : memref<64x128xf32, #tpu.memory_space<vmem>>, vector<1x16xf32>,
        %get3A_407 = vector.shape_cast %get3A_406 : vector<1x16xf32> to vector<16xf32>
        %get3A_408 = arith.constant 53 : i32
        %get3A_409 = arith.index_cast %get3A_408 : i32 to index
        %get3A_410 = arith.index_cast %mul3A_107 : i32 to index
        %get3A_411 = tpu.vector_load %arg7[%get3A_409, %get3A_410] {strides = array<i32>} : memref<64x128xf32, #tpu.memory_space<vmem>>, vector<1x16xf32>,
        %get3A_412 = vector.shape_cast %get3A_411 : vector<1x16xf32> to vector<16xf32>
        %get3A_413 = arith.constant 54 : i32
        %get3A_414 = arith.index_cast %get3A_413 : i32 to index
        %get3A_415 = arith.index_cast %mul3A_107 : i32 to index
        %get3A_416 = tpu.vector_load %arg7[%get3A_414, %get3A_415] {strides = array<i32>} : memref<64x128xf32, #tpu.memory_space<vmem>>, vector<1x16xf32>,
        %get3A_417 = vector.shape_cast %get3A_416 : vector<1x16xf32> to vector<16xf32>
        %get3A_418 = arith.constant 55 : i32
        %get3A_419 = arith.index_cast %get3A_418 : i32 to index
        %get3A_420 = arith.index_cast %mul3A_107 : i32 to index
        %get3A_421 = tpu.vector_load %arg7[%get3A_419, %get3A_420] {strides = array<i32>} : memref<64x128xf32, #tpu.memory_space<vmem>>, vector<1x16xf32>,
        %get3A_422 = vector.shape_cast %get3A_421 : vector<1x16xf32> to vector<16xf32>
        %get3A_423 = arith.constant 56 : i32
        %get3A_424 = arith.index_cast %get3A_423 : i32 to index
        %get3A_425 = arith.index_cast %mul3A_107 : i32 to index
        %get3A_426 = tpu.vector_load %arg7[%get3A_424, %get3A_425] {strides = array<i32>} : memref<64x128xf32, #tpu.memory_space<vmem>>, vector<1x16xf32>,
        %get3A_427 = vector.shape_cast %get3A_426 : vector<1x16xf32> to vector<16xf32>
        %get3A_428 = arith.constant 57 : i32
        %get3A_429 = arith.index_cast %get3A_428 : i32 to index
        %get3A_430 = arith.index_cast %mul3A_107 : i32 to index
        %get3A_431 = tpu.vector_load %arg7[%get3A_429, %get3A_430] {strides = array<i32>} : memref<64x128xf32, #tpu.memory_space<vmem>>, vector<1x16xf32>,
        %get3A_432 = vector.shape_cast %get3A_431 : vector<1x16xf32> to vector<16xf32>
        %get3A_433 = arith.constant 58 : i32
        %get3A_434 = arith.index_cast %get3A_433 : i32 to index
        %get3A_435 = arith.index_cast %mul3A_107 : i32 to index
        %get3A_436 = tpu.vector_load %arg7[%get3A_434, %get3A_435] {strides = array<i32>} : memref<64x128xf32, #tpu.memory_space<vmem>>, vector<1x16xf32>,
        %get3A_437 = vector.shape_cast %get3A_436 : vector<1x16xf32> to vector<16xf32>
        %get3A_438 = arith.constant 59 : i32
        %get3A_439 = arith.index_cast %get3A_438 : i32 to index
        %get3A_440 = arith.index_cast %mul3A_107 : i32 to index
        %get3A_441 = tpu.vector_load %arg7[%get3A_439, %get3A_440] {strides = array<i32>} : memref<64x128xf32, #tpu.memory_space<vmem>>, vector<1x16xf32>,
        %get3A_442 = vector.shape_cast %get3A_441 : vector<1x16xf32> to vector<16xf32>
        %get3A_443 = arith.constant 60 : i32
        %get3A_444 = arith.index_cast %get3A_443 : i32 to index
        %get3A_445 = arith.index_cast %mul3A_107 : i32 to index
        %get3A_446 = tpu.vector_load %arg7[%get3A_444, %get3A_445] {strides = array<i32>} : memref<64x128xf32, #tpu.memory_space<vmem>>, vector<1x16xf32>,
        %get3A_447 = vector.shape_cast %get3A_446 : vector<1x16xf32> to vector<16xf32>
        %get3A_448 = arith.constant 61 : i32
        %get3A_449 = arith.index_cast %get3A_448 : i32 to index
        %get3A_450 = arith.index_cast %mul3A_107 : i32 to index
        %get3A_451 = tpu.vector_load %arg7[%get3A_449, %get3A_450] {strides = array<i32>} : memref<64x128xf32, #tpu.memory_space<vmem>>, vector<1x16xf32>,
        %get3A_452 = vector.shape_cast %get3A_451 : vector<1x16xf32> to vector<16xf32>
        %get3A_453 = arith.constant 62 : i32
        %get3A_454 = arith.index_cast %get3A_453 : i32 to index
        %get3A_455 = arith.index_cast %mul3A_107 : i32 to index
        %get3A_456 = tpu.vector_load %arg7[%get3A_454, %get3A_455] {strides = array<i32>} : memref<64x128xf32, #tpu.memory_space<vmem>>, vector<1x16xf32>,
        %get3A_457 = vector.shape_cast %get3A_456 : vector<1x16xf32> to vector<16xf32>
        %get3A_458 = arith.constant 63 : i32
        %get3A_459 = arith.index_cast %get3A_458 : i32 to index
        %get3A_460 = arith.index_cast %mul3A_107 : i32 to index
        %get3A_461 = tpu.vector_load %arg7[%get3A_459, %get3A_460] {strides = array<i32>} : memref<64x128xf32, #tpu.memory_space<vmem>>, vector<1x16xf32>,
        %get3A_462 = vector.shape_cast %get3A_461 : vector<1x16xf32> to vector<16xf32>
        %add3A_463 = arith.addf %get3A_307, %get3A_312 : vector<16xf32>
        %add3A_464 = arith.addf %get3A_317, %get3A_322 : vector<16xf32>
        %add3A_465 = arith.addf %get3A_327, %get3A_332 : vector<16xf32>
        %add3A_466 = arith.addf %get3A_337, %get3A_342 : vector<16xf32>
        %add3A_467 = arith.addf %get3A_347, %get3A_352 : vector<16xf32>
        %add3A_468 = arith.addf %get3A_357, %get3A_362 : vector<16xf32>
        %add3A_469 = arith.addf %get3A_367, %get3A_372 : vector<16xf32>
        %add3A_470 = arith.addf %get3A_377, %get3A_382 : vector<16xf32>
        %add3A_471 = arith.addf %get3A_387, %get3A_392 : vector<16xf32>
        %add3A_472 = arith.addf %get3A_397, %get3A_402 : vector<16xf32>
        %add3A_473 = arith.addf %get3A_407, %get3A_412 : vector<16xf32>
        %add3A_474 = arith.addf %get3A_417, %get3A_422 : vector<16xf32>
        %add3A_475 = arith.addf %get3A_427, %get3A_432 : vector<16xf32>
        %add3A_476 = arith.addf %get3A_437, %get3A_442 : vector<16xf32>
        %add3A_477 = arith.addf %get3A_447, %get3A_452 : vector<16xf32>
        %add3A_478 = arith.addf %get3A_457, %get3A_462 : vector<16xf32>
        %add3A_479 = arith.addf %add3A_463, %add3A_464 : vector<16xf32>
        %add3A_480 = arith.addf %add3A_465, %add3A_466 : vector<16xf32>
        %add3A_481 = arith.addf %add3A_467, %add3A_468 : vector<16xf32>
        %add3A_482 = arith.addf %add3A_469, %add3A_470 : vector<16xf32>
        %add3A_483 = arith.addf %add3A_471, %add3A_472 : vector<16xf32>
        %add3A_484 = arith.addf %add3A_473, %add3A_474 : vector<16xf32>
        %add3A_485 = arith.addf %add3A_475, %add3A_476 : vector<16xf32>
        %add3A_486 = arith.addf %add3A_477, %add3A_478 : vector<16xf32>
        %add3A_487 = arith.addf %add3A_479, %add3A_480 : vector<16xf32>
        %add3A_488 = arith.addf %add3A_481, %add3A_482 : vector<16xf32>
        %add3A_489 = arith.addf %add3A_483, %add3A_484 : vector<16xf32>
        %add3A_490 = arith.addf %add3A_485, %add3A_486 : vector<16xf32>
        %add3A_491 = arith.addf %add3A_487, %add3A_488 : vector<16xf32>
        %add3A_492 = arith.addf %add3A_489, %add3A_490 : vector<16xf32>
        %add3A_493 = arith.addf %add3A_491, %add3A_492 : vector<16xf32>
        %swap3A_494 = arith.constant 1 : i32
        %swap3A_495 = arith.index_cast %swap3A_494 : i32 to index
        %swap3A_496 = arith.index_cast %mul3A_107 : i32 to index
        %swap3A_497 = tpu.vector_load %arg9[%swap3A_495, %swap3A_496] {strides = array<i32>} : memref<2x128xf32, #tpu.memory_space<vmem>>, vector<1x16xf32>,
        %swap3A_498 = vector.shape_cast %swap3A_497 : vector<1x16xf32> to vector<16xf32>
        %swap3A_499 = vector.shape_cast %add3A_493 : vector<16xf32> to vector<1x16xf32>
        tpu.vector_store %arg9[%swap3A_495, %swap3A_496], %swap3A_499 {strides = array<i32>} : memref<2x128xf32, #tpu.memory_space<vmem>>, vector<1x16xf32>,
      }
      %scan3A_52 = arith.constant 8 : i32
      %mul3A_53 = arith.constant 320 : i32
      %mul3A_54 = arith.muli %add3A, %mul3A_53 : i32
      %mul3A_55 = arith.constant 2 : i32
      %mul3A_56 = arith.muli %add3A_36, %mul3A_55 : i32
      %add3A_57 = arith.addi %mul3A_54, %mul3A_56 : i32
      %dma_start3A_58 = arith.constant 0 : i32
      %dma_start3A_59 = tpu.memref_slice %arg4[%add3A_57, %dma_start3A_58] : memref<10240x128xf32, #tpu.memory_space<hbm>> -> memref<2x128xf32, #tpu.memory_space<hbm>>
      %dma_start3A_60 = arith.constant 0 : i32
      %dma_start3A_61 = tpu.memref_slice %arg4[%add3A_57, %dma_start3A_60] : memref<10240x128xf32, #tpu.memory_space<hbm>> -> memref<2x128xf32, #tpu.memory_space<hbm>>
      tpu.enqueue_dma source(%arg9 : memref<2x128xf32, #tpu.memory_space<vmem>>) target(%dma_start3A_61 : memref<2x128xf32, #tpu.memory_space<hbm>>) target_semaphore(%arg13 : memref<!tpu.dma_semaphore, #tpu.memory_space<semaphore_mem>>)
      %add3A_62 = arith.constant 2 : i32
      %add3A_63 = arith.addi %add3A_36, %add3A_62 : i32
      %lt3A = arith.constant 160 : i32
      %lt3A_64 = arith.cmpi slt, %add3A_63, %lt3A : i32
      %convert_element_type3A_65 = arith.extui %lt3A_64 : i1 to i32
      %cond3A_66 = arith.constant 0 : i32
      %cond3A_67 = arith.cmpi ne, %convert_element_type3A_65, %cond3A_66 : i32
      scf.if %cond3A_67 {
        %dma_start3A_105 = arith.constant 0 : i32
        %dma_start3A_106 = tpu.memref_slice %arg6[%add3A_63, %dma_start3A_105] : memref<160x64xi32, #tpu.memory_space<vmem>> -> memref<1x64xi32, #tpu.memory_space<vmem>>
        %dma_start3A_107 = tpu.memref_squeeze %dma_start3A_106 : memref<1x64xi32, #tpu.memory_space<vmem>> -> memref<64xi32, #tpu.memory_space<vmem>>
        %dma_start3A_108 = arith.constant 0 : i32
        %dma_start3A_109 = arith.constant 0 : i32
        %dma_start3A_110 = tpu.memref_slice %arg5[%dma_start3A_108, %dma_start3A_109] : memref<10000x128xf32, #tpu.memory_space<vmem_shared>> -> memref<10000x128xf32, #tpu.memory_space<vmem_shared>>
        tpu.enqueue_indirect_dma source(%dma_start3A_110 : memref<10000x128xf32, #tpu.memory_space<vmem_shared>>) target(%arg7 : memref<64x128xf32, #tpu.memory_space<vmem>>) offsets(%dma_start3A_107 : memref<64xi32, #tpu.memory_space<vmem>>) semaphore(%arg11 : memref<!tpu.dma_semaphore, #tpu.memory_space<semaphore_mem>>)
      } else {
      }
      %mul3A_68 = arith.constant 2 : i32
      %mul3A_69 = arith.muli %scan3A_32, %mul3A_68 : i32
      %add3A_70 = arith.constant 1 : i32
      %add3A_71 = arith.addi %mul3A_69, %add3A_70 : i32
      %dma_wait3A_72 = arith.constant 0 : i32
      %dma_wait3A_73 = tpu.memref_slice %arg6[%add3A_71, %dma_wait3A_72] : memref<160x64xi32, #tpu.memory_space<vmem>> -> memref<1x64xi32, #tpu.memory_space<vmem>>
      %dma_wait3A_74 = tpu.memref_squeeze %dma_wait3A_73 : memref<1x64xi32, #tpu.memory_space<vmem>> -> memref<64xi32, #tpu.memory_space<vmem>>
      %dma_wait3A_75 = arith.constant 0 : i32
      %dma_wait3A_76 = arith.constant 0 : i32
      %dma_wait3A_77 = tpu.memref_slice %arg5[%dma_wait3A_75, %dma_wait3A_76] : memref<10000x128xf32, #tpu.memory_space<vmem_shared>> -> memref<10000x128xf32, #tpu.memory_space<vmem_shared>>
      tpu.wait_indirect_dma semaphore(%arg12 : memref<!tpu.dma_semaphore, #tpu.memory_space<semaphore_mem>>) src(%dma_wait3A_77 : memref<10000x128xf32, #tpu.memory_space<vmem_shared>>) dst(%arg8 : memref<64x128xf32, #tpu.memory_space<vmem>>)
      %ge3A_78 = arith.constant 2 : i32
      %ge3A_79 = arith.cmpi sge, %add3A_71, %ge3A_78 : i32
      %convert_element_type3A_80 = arith.extui %ge3A_79 : i1 to i32
      %cond3A_81 = arith.constant 0 : i32
      %cond3A_82 = arith.cmpi ne, %convert_element_type3A_80, %cond3A_81 : i32
      scf.if %cond3A_82 {
        %mul3A_105 = arith.constant 320 : i32
        %mul3A_106 = arith.muli %add3A, %mul3A_105 : i32
        %dma_wait3A_107 = arith.constant 0 : i32
        %dma_wait3A_108 = tpu.memref_slice %arg4[%mul3A_106, %dma_wait3A_107] : memref<10240x128xf32, #tpu.memory_space<hbm>> -> memref<2x128xf32, #tpu.memory_space<hbm>>
        %dma_wait3A_109 = arith.constant 0 : i32
        %dma_wait3A_110 = tpu.memref_slice %arg4[%mul3A_106, %dma_wait3A_109] : memref<10240x128xf32, #tpu.memory_space<hbm>> -> memref<2x128xf32, #tpu.memory_space<hbm>>
        tpu.wait_dma2 semaphore(%arg14 : memref<!tpu.dma_semaphore, #tpu.memory_space<semaphore_mem>>) src(%arg10 : memref<2x128xf32, #tpu.memory_space<vmem>>) dst(%dma_wait3A_110 : memref<2x128xf32, #tpu.memory_space<hbm>>)
      } else {
      }
      %scan3A_83 = arith.constant 0 : i32
      %scan3A_84 = arith.constant 0 : i32
      %scan3A_85 = arith.constant 8 : i32
      %scan3A_86 = arith.addi %scan3A_84, %scan3A_85 : i32
      %scan3A_87 = arith.constant 1 : i32
      scf.for %scan3A_105 = %scan3A_84 to %scan3A_86 step %scan3A_87  : i32 {
        %mul3A_106 = arith.constant 16 : i32
        %mul3A_107 = arith.muli %scan3A_105, %mul3A_106 : i32
        %get3A = arith.constant 0 : i32
        %get3A_108 = arith.index_cast %get3A : i32 to index
        %get3A_109 = arith.index_cast %mul3A_107 : i32 to index
        %get3A_110 = tpu.vector_load %arg8[%get3A_108, %get3A_109] {strides = array<i32>} : memref<64x128xf32, #tpu.memory_space<vmem>>, vector<1x16xf32>,
        %get3A_111 = vector.shape_cast %get3A_110 : vector<1x16xf32> to vector<16xf32>
        %get3A_112 = arith.constant 1 : i32
        %get3A_113 = arith.index_cast %get3A_112 : i32 to index
        %get3A_114 = arith.index_cast %mul3A_107 : i32 to index
        %get3A_115 = tpu.vector_load %arg8[%get3A_113, %get3A_114] {strides = array<i32>} : memref<64x128xf32, #tpu.memory_space<vmem>>, vector<1x16xf32>,
        %get3A_116 = vector.shape_cast %get3A_115 : vector<1x16xf32> to vector<16xf32>
        %get3A_117 = arith.constant 2 : i32
        %get3A_118 = arith.index_cast %get3A_117 : i32 to index
        %get3A_119 = arith.index_cast %mul3A_107 : i32 to index
        %get3A_120 = tpu.vector_load %arg8[%get3A_118, %get3A_119] {strides = array<i32>} : memref<64x128xf32, #tpu.memory_space<vmem>>, vector<1x16xf32>,
        %get3A_121 = vector.shape_cast %get3A_120 : vector<1x16xf32> to vector<16xf32>
        %get3A_122 = arith.constant 3 : i32
        %get3A_123 = arith.index_cast %get3A_122 : i32 to index
        %get3A_124 = arith.index_cast %mul3A_107 : i32 to index
        %get3A_125 = tpu.vector_load %arg8[%get3A_123, %get3A_124] {strides = array<i32>} : memref<64x128xf32, #tpu.memory_space<vmem>>, vector<1x16xf32>,
        %get3A_126 = vector.shape_cast %get3A_125 : vector<1x16xf32> to vector<16xf32>
        %get3A_127 = arith.constant 4 : i32
        %get3A_128 = arith.index_cast %get3A_127 : i32 to index
        %get3A_129 = arith.index_cast %mul3A_107 : i32 to index
        %get3A_130 = tpu.vector_load %arg8[%get3A_128, %get3A_129] {strides = array<i32>} : memref<64x128xf32, #tpu.memory_space<vmem>>, vector<1x16xf32>,
        %get3A_131 = vector.shape_cast %get3A_130 : vector<1x16xf32> to vector<16xf32>
        %get3A_132 = arith.constant 5 : i32
        %get3A_133 = arith.index_cast %get3A_132 : i32 to index
        %get3A_134 = arith.index_cast %mul3A_107 : i32 to index
        %get3A_135 = tpu.vector_load %arg8[%get3A_133, %get3A_134] {strides = array<i32>} : memref<64x128xf32, #tpu.memory_space<vmem>>, vector<1x16xf32>,
        %get3A_136 = vector.shape_cast %get3A_135 : vector<1x16xf32> to vector<16xf32>
        %get3A_137 = arith.constant 6 : i32
        %get3A_138 = arith.index_cast %get3A_137 : i32 to index
        %get3A_139 = arith.index_cast %mul3A_107 : i32 to index
        %get3A_140 = tpu.vector_load %arg8[%get3A_138, %get3A_139] {strides = array<i32>} : memref<64x128xf32, #tpu.memory_space<vmem>>, vector<1x16xf32>,
        %get3A_141 = vector.shape_cast %get3A_140 : vector<1x16xf32> to vector<16xf32>
        %get3A_142 = arith.constant 7 : i32
        %get3A_143 = arith.index_cast %get3A_142 : i32 to index
        %get3A_144 = arith.index_cast %mul3A_107 : i32 to index
        %get3A_145 = tpu.vector_load %arg8[%get3A_143, %get3A_144] {strides = array<i32>} : memref<64x128xf32, #tpu.memory_space<vmem>>, vector<1x16xf32>,
        %get3A_146 = vector.shape_cast %get3A_145 : vector<1x16xf32> to vector<16xf32>
        %get3A_147 = arith.constant 8 : i32
        %get3A_148 = arith.index_cast %get3A_147 : i32 to index
        %get3A_149 = arith.index_cast %mul3A_107 : i32 to index
        %get3A_150 = tpu.vector_load %arg8[%get3A_148, %get3A_149] {strides = array<i32>} : memref<64x128xf32, #tpu.memory_space<vmem>>, vector<1x16xf32>,
        %get3A_151 = vector.shape_cast %get3A_150 : vector<1x16xf32> to vector<16xf32>
        %get3A_152 = arith.constant 9 : i32
        %get3A_153 = arith.index_cast %get3A_152 : i32 to index
        %get3A_154 = arith.index_cast %mul3A_107 : i32 to index
        %get3A_155 = tpu.vector_load %arg8[%get3A_153, %get3A_154] {strides = array<i32>} : memref<64x128xf32, #tpu.memory_space<vmem>>, vector<1x16xf32>,
        %get3A_156 = vector.shape_cast %get3A_155 : vector<1x16xf32> to vector<16xf32>
        %get3A_157 = arith.constant 10 : i32
        %get3A_158 = arith.index_cast %get3A_157 : i32 to index
        %get3A_159 = arith.index_cast %mul3A_107 : i32 to index
        %get3A_160 = tpu.vector_load %arg8[%get3A_158, %get3A_159] {strides = array<i32>} : memref<64x128xf32, #tpu.memory_space<vmem>>, vector<1x16xf32>,
        %get3A_161 = vector.shape_cast %get3A_160 : vector<1x16xf32> to vector<16xf32>
        %get3A_162 = arith.constant 11 : i32
        %get3A_163 = arith.index_cast %get3A_162 : i32 to index
        %get3A_164 = arith.index_cast %mul3A_107 : i32 to index
        %get3A_165 = tpu.vector_load %arg8[%get3A_163, %get3A_164] {strides = array<i32>} : memref<64x128xf32, #tpu.memory_space<vmem>>, vector<1x16xf32>,
        %get3A_166 = vector.shape_cast %get3A_165 : vector<1x16xf32> to vector<16xf32>
        %get3A_167 = arith.constant 12 : i32
        %get3A_168 = arith.index_cast %get3A_167 : i32 to index
        %get3A_169 = arith.index_cast %mul3A_107 : i32 to index
        %get3A_170 = tpu.vector_load %arg8[%get3A_168, %get3A_169] {strides = array<i32>} : memref<64x128xf32, #tpu.memory_space<vmem>>, vector<1x16xf32>,
        %get3A_171 = vector.shape_cast %get3A_170 : vector<1x16xf32> to vector<16xf32>
        %get3A_172 = arith.constant 13 : i32
        %get3A_173 = arith.index_cast %get3A_172 : i32 to index
        %get3A_174 = arith.index_cast %mul3A_107 : i32 to index
        %get3A_175 = tpu.vector_load %arg8[%get3A_173, %get3A_174] {strides = array<i32>} : memref<64x128xf32, #tpu.memory_space<vmem>>, vector<1x16xf32>,
        %get3A_176 = vector.shape_cast %get3A_175 : vector<1x16xf32> to vector<16xf32>
        %get3A_177 = arith.constant 14 : i32
        %get3A_178 = arith.index_cast %get3A_177 : i32 to index
        %get3A_179 = arith.index_cast %mul3A_107 : i32 to index
        %get3A_180 = tpu.vector_load %arg8[%get3A_178, %get3A_179] {strides = array<i32>} : memref<64x128xf32, #tpu.memory_space<vmem>>, vector<1x16xf32>,
        %get3A_181 = vector.shape_cast %get3A_180 : vector<1x16xf32> to vector<16xf32>
        %get3A_182 = arith.constant 15 : i32
        %get3A_183 = arith.index_cast %get3A_182 : i32 to index
        %get3A_184 = arith.index_cast %mul3A_107 : i32 to index
        %get3A_185 = tpu.vector_load %arg8[%get3A_183, %get3A_184] {strides = array<i32>} : memref<64x128xf32, #tpu.memory_space<vmem>>, vector<1x16xf32>,
        %get3A_186 = vector.shape_cast %get3A_185 : vector<1x16xf32> to vector<16xf32>
        %get3A_187 = arith.constant 16 : i32
        %get3A_188 = arith.index_cast %get3A_187 : i32 to index
        %get3A_189 = arith.index_cast %mul3A_107 : i32 to index
        %get3A_190 = tpu.vector_load %arg8[%get3A_188, %get3A_189] {strides = array<i32>} : memref<64x128xf32, #tpu.memory_space<vmem>>, vector<1x16xf32>,
        %get3A_191 = vector.shape_cast %get3A_190 : vector<1x16xf32> to vector<16xf32>
        %get3A_192 = arith.constant 17 : i32
        %get3A_193 = arith.index_cast %get3A_192 : i32 to index
        %get3A_194 = arith.index_cast %mul3A_107 : i32 to index
        %get3A_195 = tpu.vector_load %arg8[%get3A_193, %get3A_194] {strides = array<i32>} : memref<64x128xf32, #tpu.memory_space<vmem>>, vector<1x16xf32>,
        %get3A_196 = vector.shape_cast %get3A_195 : vector<1x16xf32> to vector<16xf32>
        %get3A_197 = arith.constant 18 : i32
        %get3A_198 = arith.index_cast %get3A_197 : i32 to index
        %get3A_199 = arith.index_cast %mul3A_107 : i32 to index
        %get3A_200 = tpu.vector_load %arg8[%get3A_198, %get3A_199] {strides = array<i32>} : memref<64x128xf32, #tpu.memory_space<vmem>>, vector<1x16xf32>,
        %get3A_201 = vector.shape_cast %get3A_200 : vector<1x16xf32> to vector<16xf32>
        %get3A_202 = arith.constant 19 : i32
        %get3A_203 = arith.index_cast %get3A_202 : i32 to index
        %get3A_204 = arith.index_cast %mul3A_107 : i32 to index
        %get3A_205 = tpu.vector_load %arg8[%get3A_203, %get3A_204] {strides = array<i32>} : memref<64x128xf32, #tpu.memory_space<vmem>>, vector<1x16xf32>,
        %get3A_206 = vector.shape_cast %get3A_205 : vector<1x16xf32> to vector<16xf32>
        %get3A_207 = arith.constant 20 : i32
        %get3A_208 = arith.index_cast %get3A_207 : i32 to index
        %get3A_209 = arith.index_cast %mul3A_107 : i32 to index
        %get3A_210 = tpu.vector_load %arg8[%get3A_208, %get3A_209] {strides = array<i32>} : memref<64x128xf32, #tpu.memory_space<vmem>>, vector<1x16xf32>,
        %get3A_211 = vector.shape_cast %get3A_210 : vector<1x16xf32> to vector<16xf32>
        %get3A_212 = arith.constant 21 : i32
        %get3A_213 = arith.index_cast %get3A_212 : i32 to index
        %get3A_214 = arith.index_cast %mul3A_107 : i32 to index
        %get3A_215 = tpu.vector_load %arg8[%get3A_213, %get3A_214] {strides = array<i32>} : memref<64x128xf32, #tpu.memory_space<vmem>>, vector<1x16xf32>,
        %get3A_216 = vector.shape_cast %get3A_215 : vector<1x16xf32> to vector<16xf32>
        %get3A_217 = arith.constant 22 : i32
        %get3A_218 = arith.index_cast %get3A_217 : i32 to index
        %get3A_219 = arith.index_cast %mul3A_107 : i32 to index
        %get3A_220 = tpu.vector_load %arg8[%get3A_218, %get3A_219] {strides = array<i32>} : memref<64x128xf32, #tpu.memory_space<vmem>>, vector<1x16xf32>,
        %get3A_221 = vector.shape_cast %get3A_220 : vector<1x16xf32> to vector<16xf32>
        %get3A_222 = arith.constant 23 : i32
        %get3A_223 = arith.index_cast %get3A_222 : i32 to index
        %get3A_224 = arith.index_cast %mul3A_107 : i32 to index
        %get3A_225 = tpu.vector_load %arg8[%get3A_223, %get3A_224] {strides = array<i32>} : memref<64x128xf32, #tpu.memory_space<vmem>>, vector<1x16xf32>,
        %get3A_226 = vector.shape_cast %get3A_225 : vector<1x16xf32> to vector<16xf32>
        %get3A_227 = arith.constant 24 : i32
        %get3A_228 = arith.index_cast %get3A_227 : i32 to index
        %get3A_229 = arith.index_cast %mul3A_107 : i32 to index
        %get3A_230 = tpu.vector_load %arg8[%get3A_228, %get3A_229] {strides = array<i32>} : memref<64x128xf32, #tpu.memory_space<vmem>>, vector<1x16xf32>,
        %get3A_231 = vector.shape_cast %get3A_230 : vector<1x16xf32> to vector<16xf32>
        %get3A_232 = arith.constant 25 : i32
        %get3A_233 = arith.index_cast %get3A_232 : i32 to index
        %get3A_234 = arith.index_cast %mul3A_107 : i32 to index
        %get3A_235 = tpu.vector_load %arg8[%get3A_233, %get3A_234] {strides = array<i32>} : memref<64x128xf32, #tpu.memory_space<vmem>>, vector<1x16xf32>,
        %get3A_236 = vector.shape_cast %get3A_235 : vector<1x16xf32> to vector<16xf32>
        %get3A_237 = arith.constant 26 : i32
        %get3A_238 = arith.index_cast %get3A_237 : i32 to index
        %get3A_239 = arith.index_cast %mul3A_107 : i32 to index
        %get3A_240 = tpu.vector_load %arg8[%get3A_238, %get3A_239] {strides = array<i32>} : memref<64x128xf32, #tpu.memory_space<vmem>>, vector<1x16xf32>,
        %get3A_241 = vector.shape_cast %get3A_240 : vector<1x16xf32> to vector<16xf32>
        %get3A_242 = arith.constant 27 : i32
        %get3A_243 = arith.index_cast %get3A_242 : i32 to index
        %get3A_244 = arith.index_cast %mul3A_107 : i32 to index
        %get3A_245 = tpu.vector_load %arg8[%get3A_243, %get3A_244] {strides = array<i32>} : memref<64x128xf32, #tpu.memory_space<vmem>>, vector<1x16xf32>,
        %get3A_246 = vector.shape_cast %get3A_245 : vector<1x16xf32> to vector<16xf32>
        %get3A_247 = arith.constant 28 : i32
        %get3A_248 = arith.index_cast %get3A_247 : i32 to index
        %get3A_249 = arith.index_cast %mul3A_107 : i32 to index
        %get3A_250 = tpu.vector_load %arg8[%get3A_248, %get3A_249] {strides = array<i32>} : memref<64x128xf32, #tpu.memory_space<vmem>>, vector<1x16xf32>,
        %get3A_251 = vector.shape_cast %get3A_250 : vector<1x16xf32> to vector<16xf32>
        %get3A_252 = arith.constant 29 : i32
        %get3A_253 = arith.index_cast %get3A_252 : i32 to index
        %get3A_254 = arith.index_cast %mul3A_107 : i32 to index
        %get3A_255 = tpu.vector_load %arg8[%get3A_253, %get3A_254] {strides = array<i32>} : memref<64x128xf32, #tpu.memory_space<vmem>>, vector<1x16xf32>,
        %get3A_256 = vector.shape_cast %get3A_255 : vector<1x16xf32> to vector<16xf32>
        %get3A_257 = arith.constant 30 : i32
        %get3A_258 = arith.index_cast %get3A_257 : i32 to index
        %get3A_259 = arith.index_cast %mul3A_107 : i32 to index
        %get3A_260 = tpu.vector_load %arg8[%get3A_258, %get3A_259] {strides = array<i32>} : memref<64x128xf32, #tpu.memory_space<vmem>>, vector<1x16xf32>,
        %get3A_261 = vector.shape_cast %get3A_260 : vector<1x16xf32> to vector<16xf32>
        %get3A_262 = arith.constant 31 : i32
        %get3A_263 = arith.index_cast %get3A_262 : i32 to index
        %get3A_264 = arith.index_cast %mul3A_107 : i32 to index
        %get3A_265 = tpu.vector_load %arg8[%get3A_263, %get3A_264] {strides = array<i32>} : memref<64x128xf32, #tpu.memory_space<vmem>>, vector<1x16xf32>,
        %get3A_266 = vector.shape_cast %get3A_265 : vector<1x16xf32> to vector<16xf32>
        %add3A_267 = arith.addf %get3A_111, %get3A_116 : vector<16xf32>
        %add3A_268 = arith.addf %get3A_121, %get3A_126 : vector<16xf32>
        %add3A_269 = arith.addf %get3A_131, %get3A_136 : vector<16xf32>
        %add3A_270 = arith.addf %get3A_141, %get3A_146 : vector<16xf32>
        %add3A_271 = arith.addf %get3A_151, %get3A_156 : vector<16xf32>
        %add3A_272 = arith.addf %get3A_161, %get3A_166 : vector<16xf32>
        %add3A_273 = arith.addf %get3A_171, %get3A_176 : vector<16xf32>
        %add3A_274 = arith.addf %get3A_181, %get3A_186 : vector<16xf32>
        %add3A_275 = arith.addf %get3A_191, %get3A_196 : vector<16xf32>
        %add3A_276 = arith.addf %get3A_201, %get3A_206 : vector<16xf32>
        %add3A_277 = arith.addf %get3A_211, %get3A_216 : vector<16xf32>
        %add3A_278 = arith.addf %get3A_221, %get3A_226 : vector<16xf32>
        %add3A_279 = arith.addf %get3A_231, %get3A_236 : vector<16xf32>
        %add3A_280 = arith.addf %get3A_241, %get3A_246 : vector<16xf32>
        %add3A_281 = arith.addf %get3A_251, %get3A_256 : vector<16xf32>
        %add3A_282 = arith.addf %get3A_261, %get3A_266 : vector<16xf32>
        %add3A_283 = arith.addf %add3A_267, %add3A_268 : vector<16xf32>
        %add3A_284 = arith.addf %add3A_269, %add3A_270 : vector<16xf32>
        %add3A_285 = arith.addf %add3A_271, %add3A_272 : vector<16xf32>
        %add3A_286 = arith.addf %add3A_273, %add3A_274 : vector<16xf32>
        %add3A_287 = arith.addf %add3A_275, %add3A_276 : vector<16xf32>
        %add3A_288 = arith.addf %add3A_277, %add3A_278 : vector<16xf32>
        %add3A_289 = arith.addf %add3A_279, %add3A_280 : vector<16xf32>
        %add3A_290 = arith.addf %add3A_281, %add3A_282 : vector<16xf32>
        %add3A_291 = arith.addf %add3A_283, %add3A_284 : vector<16xf32>
        %add3A_292 = arith.addf %add3A_285, %add3A_286 : vector<16xf32>
        %add3A_293 = arith.addf %add3A_287, %add3A_288 : vector<16xf32>
        %add3A_294 = arith.addf %add3A_289, %add3A_290 : vector<16xf32>
        %add3A_295 = arith.addf %add3A_291, %add3A_292 : vector<16xf32>
        %add3A_296 = arith.addf %add3A_293, %add3A_294 : vector<16xf32>
        %add3A_297 = arith.addf %add3A_295, %add3A_296 : vector<16xf32>
        %swap3A = arith.constant 0 : i32
        %swap3A_298 = arith.index_cast %swap3A : i32 to index
        %swap3A_299 = arith.index_cast %mul3A_107 : i32 to index
        %swap3A_300 = tpu.vector_load %arg10[%swap3A_298, %swap3A_299] {strides = array<i32>} : memref<2x128xf32, #tpu.memory_space<vmem>>, vector<1x16xf32>,
        %swap3A_301 = vector.shape_cast %swap3A_300 : vector<1x16xf32> to vector<16xf32>
        %swap3A_302 = vector.shape_cast %add3A_297 : vector<16xf32> to vector<1x16xf32>
        tpu.vector_store %arg10[%swap3A_298, %swap3A_299], %swap3A_302 {strides = array<i32>} : memref<2x128xf32, #tpu.memory_space<vmem>>, vector<1x16xf32>,
        %get3A_303 = arith.constant 32 : i32
        %get3A_304 = arith.index_cast %get3A_303 : i32 to index
        %get3A_305 = arith.index_cast %mul3A_107 : i32 to index
        %get3A_306 = tpu.vector_load %arg8[%get3A_304, %get3A_305] {strides = array<i32>} : memref<64x128xf32, #tpu.memory_space<vmem>>, vector<1x16xf32>,
        %get3A_307 = vector.shape_cast %get3A_306 : vector<1x16xf32> to vector<16xf32>
        %get3A_308 = arith.constant 33 : i32
        %get3A_309 = arith.index_cast %get3A_308 : i32 to index
        %get3A_310 = arith.index_cast %mul3A_107 : i32 to index
        %get3A_311 = tpu.vector_load %arg8[%get3A_309, %get3A_310] {strides = array<i32>} : memref<64x128xf32, #tpu.memory_space<vmem>>, vector<1x16xf32>,
        %get3A_312 = vector.shape_cast %get3A_311 : vector<1x16xf32> to vector<16xf32>
        %get3A_313 = arith.constant 34 : i32
        %get3A_314 = arith.index_cast %get3A_313 : i32 to index
        %get3A_315 = arith.index_cast %mul3A_107 : i32 to index
        %get3A_316 = tpu.vector_load %arg8[%get3A_314, %get3A_315] {strides = array<i32>} : memref<64x128xf32, #tpu.memory_space<vmem>>, vector<1x16xf32>,
        %get3A_317 = vector.shape_cast %get3A_316 : vector<1x16xf32> to vector<16xf32>
        %get3A_318 = arith.constant 35 : i32
        %get3A_319 = arith.index_cast %get3A_318 : i32 to index
        %get3A_320 = arith.index_cast %mul3A_107 : i32 to index
        %get3A_321 = tpu.vector_load %arg8[%get3A_319, %get3A_320] {strides = array<i32>} : memref<64x128xf32, #tpu.memory_space<vmem>>, vector<1x16xf32>,
        %get3A_322 = vector.shape_cast %get3A_321 : vector<1x16xf32> to vector<16xf32>
        %get3A_323 = arith.constant 36 : i32
        %get3A_324 = arith.index_cast %get3A_323 : i32 to index
        %get3A_325 = arith.index_cast %mul3A_107 : i32 to index
        %get3A_326 = tpu.vector_load %arg8[%get3A_324, %get3A_325] {strides = array<i32>} : memref<64x128xf32, #tpu.memory_space<vmem>>, vector<1x16xf32>,
        %get3A_327 = vector.shape_cast %get3A_326 : vector<1x16xf32> to vector<16xf32>
        %get3A_328 = arith.constant 37 : i32
        %get3A_329 = arith.index_cast %get3A_328 : i32 to index
        %get3A_330 = arith.index_cast %mul3A_107 : i32 to index
        %get3A_331 = tpu.vector_load %arg8[%get3A_329, %get3A_330] {strides = array<i32>} : memref<64x128xf32, #tpu.memory_space<vmem>>, vector<1x16xf32>,
        %get3A_332 = vector.shape_cast %get3A_331 : vector<1x16xf32> to vector<16xf32>
        %get3A_333 = arith.constant 38 : i32
        %get3A_334 = arith.index_cast %get3A_333 : i32 to index
        %get3A_335 = arith.index_cast %mul3A_107 : i32 to index
        %get3A_336 = tpu.vector_load %arg8[%get3A_334, %get3A_335] {strides = array<i32>} : memref<64x128xf32, #tpu.memory_space<vmem>>, vector<1x16xf32>,
        %get3A_337 = vector.shape_cast %get3A_336 : vector<1x16xf32> to vector<16xf32>
        %get3A_338 = arith.constant 39 : i32
        %get3A_339 = arith.index_cast %get3A_338 : i32 to index
        %get3A_340 = arith.index_cast %mul3A_107 : i32 to index
        %get3A_341 = tpu.vector_load %arg8[%get3A_339, %get3A_340] {strides = array<i32>} : memref<64x128xf32, #tpu.memory_space<vmem>>, vector<1x16xf32>,
        %get3A_342 = vector.shape_cast %get3A_341 : vector<1x16xf32> to vector<16xf32>
        %get3A_343 = arith.constant 40 : i32
        %get3A_344 = arith.index_cast %get3A_343 : i32 to index
        %get3A_345 = arith.index_cast %mul3A_107 : i32 to index
        %get3A_346 = tpu.vector_load %arg8[%get3A_344, %get3A_345] {strides = array<i32>} : memref<64x128xf32, #tpu.memory_space<vmem>>, vector<1x16xf32>,
        %get3A_347 = vector.shape_cast %get3A_346 : vector<1x16xf32> to vector<16xf32>
        %get3A_348 = arith.constant 41 : i32
        %get3A_349 = arith.index_cast %get3A_348 : i32 to index
        %get3A_350 = arith.index_cast %mul3A_107 : i32 to index
        %get3A_351 = tpu.vector_load %arg8[%get3A_349, %get3A_350] {strides = array<i32>} : memref<64x128xf32, #tpu.memory_space<vmem>>, vector<1x16xf32>,
        %get3A_352 = vector.shape_cast %get3A_351 : vector<1x16xf32> to vector<16xf32>
        %get3A_353 = arith.constant 42 : i32
        %get3A_354 = arith.index_cast %get3A_353 : i32 to index
        %get3A_355 = arith.index_cast %mul3A_107 : i32 to index
        %get3A_356 = tpu.vector_load %arg8[%get3A_354, %get3A_355] {strides = array<i32>} : memref<64x128xf32, #tpu.memory_space<vmem>>, vector<1x16xf32>,
        %get3A_357 = vector.shape_cast %get3A_356 : vector<1x16xf32> to vector<16xf32>
        %get3A_358 = arith.constant 43 : i32
        %get3A_359 = arith.index_cast %get3A_358 : i32 to index
        %get3A_360 = arith.index_cast %mul3A_107 : i32 to index
        %get3A_361 = tpu.vector_load %arg8[%get3A_359, %get3A_360] {strides = array<i32>} : memref<64x128xf32, #tpu.memory_space<vmem>>, vector<1x16xf32>,
        %get3A_362 = vector.shape_cast %get3A_361 : vector<1x16xf32> to vector<16xf32>
        %get3A_363 = arith.constant 44 : i32
        %get3A_364 = arith.index_cast %get3A_363 : i32 to index
        %get3A_365 = arith.index_cast %mul3A_107 : i32 to index
        %get3A_366 = tpu.vector_load %arg8[%get3A_364, %get3A_365] {strides = array<i32>} : memref<64x128xf32, #tpu.memory_space<vmem>>, vector<1x16xf32>,
        %get3A_367 = vector.shape_cast %get3A_366 : vector<1x16xf32> to vector<16xf32>
        %get3A_368 = arith.constant 45 : i32
        %get3A_369 = arith.index_cast %get3A_368 : i32 to index
        %get3A_370 = arith.index_cast %mul3A_107 : i32 to index
        %get3A_371 = tpu.vector_load %arg8[%get3A_369, %get3A_370] {strides = array<i32>} : memref<64x128xf32, #tpu.memory_space<vmem>>, vector<1x16xf32>,
        %get3A_372 = vector.shape_cast %get3A_371 : vector<1x16xf32> to vector<16xf32>
        %get3A_373 = arith.constant 46 : i32
        %get3A_374 = arith.index_cast %get3A_373 : i32 to index
        %get3A_375 = arith.index_cast %mul3A_107 : i32 to index
        %get3A_376 = tpu.vector_load %arg8[%get3A_374, %get3A_375] {strides = array<i32>} : memref<64x128xf32, #tpu.memory_space<vmem>>, vector<1x16xf32>,
        %get3A_377 = vector.shape_cast %get3A_376 : vector<1x16xf32> to vector<16xf32>
        %get3A_378 = arith.constant 47 : i32
        %get3A_379 = arith.index_cast %get3A_378 : i32 to index
        %get3A_380 = arith.index_cast %mul3A_107 : i32 to index
        %get3A_381 = tpu.vector_load %arg8[%get3A_379, %get3A_380] {strides = array<i32>} : memref<64x128xf32, #tpu.memory_space<vmem>>, vector<1x16xf32>,
        %get3A_382 = vector.shape_cast %get3A_381 : vector<1x16xf32> to vector<16xf32>
        %get3A_383 = arith.constant 48 : i32
        %get3A_384 = arith.index_cast %get3A_383 : i32 to index
        %get3A_385 = arith.index_cast %mul3A_107 : i32 to index
        %get3A_386 = tpu.vector_load %arg8[%get3A_384, %get3A_385] {strides = array<i32>} : memref<64x128xf32, #tpu.memory_space<vmem>>, vector<1x16xf32>,
        %get3A_387 = vector.shape_cast %get3A_386 : vector<1x16xf32> to vector<16xf32>
        %get3A_388 = arith.constant 49 : i32
        %get3A_389 = arith.index_cast %get3A_388 : i32 to index
        %get3A_390 = arith.index_cast %mul3A_107 : i32 to index
        %get3A_391 = tpu.vector_load %arg8[%get3A_389, %get3A_390] {strides = array<i32>} : memref<64x128xf32, #tpu.memory_space<vmem>>, vector<1x16xf32>,
        %get3A_392 = vector.shape_cast %get3A_391 : vector<1x16xf32> to vector<16xf32>
        %get3A_393 = arith.constant 50 : i32
        %get3A_394 = arith.index_cast %get3A_393 : i32 to index
        %get3A_395 = arith.index_cast %mul3A_107 : i32 to index
        %get3A_396 = tpu.vector_load %arg8[%get3A_394, %get3A_395] {strides = array<i32>} : memref<64x128xf32, #tpu.memory_space<vmem>>, vector<1x16xf32>,
        %get3A_397 = vector.shape_cast %get3A_396 : vector<1x16xf32> to vector<16xf32>
        %get3A_398 = arith.constant 51 : i32
        %get3A_399 = arith.index_cast %get3A_398 : i32 to index
        %get3A_400 = arith.index_cast %mul3A_107 : i32 to index
        %get3A_401 = tpu.vector_load %arg8[%get3A_399, %get3A_400] {strides = array<i32>} : memref<64x128xf32, #tpu.memory_space<vmem>>, vector<1x16xf32>,
        %get3A_402 = vector.shape_cast %get3A_401 : vector<1x16xf32> to vector<16xf32>
        %get3A_403 = arith.constant 52 : i32
        %get3A_404 = arith.index_cast %get3A_403 : i32 to index
        %get3A_405 = arith.index_cast %mul3A_107 : i32 to index
        %get3A_406 = tpu.vector_load %arg8[%get3A_404, %get3A_405] {strides = array<i32>} : memref<64x128xf32, #tpu.memory_space<vmem>>, vector<1x16xf32>,
        %get3A_407 = vector.shape_cast %get3A_406 : vector<1x16xf32> to vector<16xf32>
        %get3A_408 = arith.constant 53 : i32
        %get3A_409 = arith.index_cast %get3A_408 : i32 to index
        %get3A_410 = arith.index_cast %mul3A_107 : i32 to index
        %get3A_411 = tpu.vector_load %arg8[%get3A_409, %get3A_410] {strides = array<i32>} : memref<64x128xf32, #tpu.memory_space<vmem>>, vector<1x16xf32>,
        %get3A_412 = vector.shape_cast %get3A_411 : vector<1x16xf32> to vector<16xf32>
        %get3A_413 = arith.constant 54 : i32
        %get3A_414 = arith.index_cast %get3A_413 : i32 to index
        %get3A_415 = arith.index_cast %mul3A_107 : i32 to index
        %get3A_416 = tpu.vector_load %arg8[%get3A_414, %get3A_415] {strides = array<i32>} : memref<64x128xf32, #tpu.memory_space<vmem>>, vector<1x16xf32>,
        %get3A_417 = vector.shape_cast %get3A_416 : vector<1x16xf32> to vector<16xf32>
        %get3A_418 = arith.constant 55 : i32
        %get3A_419 = arith.index_cast %get3A_418 : i32 to index
        %get3A_420 = arith.index_cast %mul3A_107 : i32 to index
        %get3A_421 = tpu.vector_load %arg8[%get3A_419, %get3A_420] {strides = array<i32>} : memref<64x128xf32, #tpu.memory_space<vmem>>, vector<1x16xf32>,
        %get3A_422 = vector.shape_cast %get3A_421 : vector<1x16xf32> to vector<16xf32>
        %get3A_423 = arith.constant 56 : i32
        %get3A_424 = arith.index_cast %get3A_423 : i32 to index
        %get3A_425 = arith.index_cast %mul3A_107 : i32 to index
        %get3A_426 = tpu.vector_load %arg8[%get3A_424, %get3A_425] {strides = array<i32>} : memref<64x128xf32, #tpu.memory_space<vmem>>, vector<1x16xf32>,
        %get3A_427 = vector.shape_cast %get3A_426 : vector<1x16xf32> to vector<16xf32>
        %get3A_428 = arith.constant 57 : i32
        %get3A_429 = arith.index_cast %get3A_428 : i32 to index
        %get3A_430 = arith.index_cast %mul3A_107 : i32 to index
        %get3A_431 = tpu.vector_load %arg8[%get3A_429, %get3A_430] {strides = array<i32>} : memref<64x128xf32, #tpu.memory_space<vmem>>, vector<1x16xf32>,
        %get3A_432 = vector.shape_cast %get3A_431 : vector<1x16xf32> to vector<16xf32>
        %get3A_433 = arith.constant 58 : i32
        %get3A_434 = arith.index_cast %get3A_433 : i32 to index
        %get3A_435 = arith.index_cast %mul3A_107 : i32 to index
        %get3A_436 = tpu.vector_load %arg8[%get3A_434, %get3A_435] {strides = array<i32>} : memref<64x128xf32, #tpu.memory_space<vmem>>, vector<1x16xf32>,
        %get3A_437 = vector.shape_cast %get3A_436 : vector<1x16xf32> to vector<16xf32>
        %get3A_438 = arith.constant 59 : i32
        %get3A_439 = arith.index_cast %get3A_438 : i32 to index
        %get3A_440 = arith.index_cast %mul3A_107 : i32 to index
        %get3A_441 = tpu.vector_load %arg8[%get3A_439, %get3A_440] {strides = array<i32>} : memref<64x128xf32, #tpu.memory_space<vmem>>, vector<1x16xf32>,
        %get3A_442 = vector.shape_cast %get3A_441 : vector<1x16xf32> to vector<16xf32>
        %get3A_443 = arith.constant 60 : i32
        %get3A_444 = arith.index_cast %get3A_443 : i32 to index
        %get3A_445 = arith.index_cast %mul3A_107 : i32 to index
        %get3A_446 = tpu.vector_load %arg8[%get3A_444, %get3A_445] {strides = array<i32>} : memref<64x128xf32, #tpu.memory_space<vmem>>, vector<1x16xf32>,
        %get3A_447 = vector.shape_cast %get3A_446 : vector<1x16xf32> to vector<16xf32>
        %get3A_448 = arith.constant 61 : i32
        %get3A_449 = arith.index_cast %get3A_448 : i32 to index
        %get3A_450 = arith.index_cast %mul3A_107 : i32 to index
        %get3A_451 = tpu.vector_load %arg8[%get3A_449, %get3A_450] {strides = array<i32>} : memref<64x128xf32, #tpu.memory_space<vmem>>, vector<1x16xf32>,
        %get3A_452 = vector.shape_cast %get3A_451 : vector<1x16xf32> to vector<16xf32>
        %get3A_453 = arith.constant 62 : i32
        %get3A_454 = arith.index_cast %get3A_453 : i32 to index
        %get3A_455 = arith.index_cast %mul3A_107 : i32 to index
        %get3A_456 = tpu.vector_load %arg8[%get3A_454, %get3A_455] {strides = array<i32>} : memref<64x128xf32, #tpu.memory_space<vmem>>, vector<1x16xf32>,
        %get3A_457 = vector.shape_cast %get3A_456 : vector<1x16xf32> to vector<16xf32>
        %get3A_458 = arith.constant 63 : i32
        %get3A_459 = arith.index_cast %get3A_458 : i32 to index
        %get3A_460 = arith.index_cast %mul3A_107 : i32 to index
        %get3A_461 = tpu.vector_load %arg8[%get3A_459, %get3A_460] {strides = array<i32>} : memref<64x128xf32, #tpu.memory_space<vmem>>, vector<1x16xf32>,
        %get3A_462 = vector.shape_cast %get3A_461 : vector<1x16xf32> to vector<16xf32>
        %add3A_463 = arith.addf %get3A_307, %get3A_312 : vector<16xf32>
        %add3A_464 = arith.addf %get3A_317, %get3A_322 : vector<16xf32>
        %add3A_465 = arith.addf %get3A_327, %get3A_332 : vector<16xf32>
        %add3A_466 = arith.addf %get3A_337, %get3A_342 : vector<16xf32>
        %add3A_467 = arith.addf %get3A_347, %get3A_352 : vector<16xf32>
        %add3A_468 = arith.addf %get3A_357, %get3A_362 : vector<16xf32>
        %add3A_469 = arith.addf %get3A_367, %get3A_372 : vector<16xf32>
        %add3A_470 = arith.addf %get3A_377, %get3A_382 : vector<16xf32>
        %add3A_471 = arith.addf %get3A_387, %get3A_392 : vector<16xf32>
        %add3A_472 = arith.addf %get3A_397, %get3A_402 : vector<16xf32>
        %add3A_473 = arith.addf %get3A_407, %get3A_412 : vector<16xf32>
        %add3A_474 = arith.addf %get3A_417, %get3A_422 : vector<16xf32>
        %add3A_475 = arith.addf %get3A_427, %get3A_432 : vector<16xf32>
        %add3A_476 = arith.addf %get3A_437, %get3A_442 : vector<16xf32>
        %add3A_477 = arith.addf %get3A_447, %get3A_452 : vector<16xf32>
        %add3A_478 = arith.addf %get3A_457, %get3A_462 : vector<16xf32>
        %add3A_479 = arith.addf %add3A_463, %add3A_464 : vector<16xf32>
        %add3A_480 = arith.addf %add3A_465, %add3A_466 : vector<16xf32>
        %add3A_481 = arith.addf %add3A_467, %add3A_468 : vector<16xf32>
        %add3A_482 = arith.addf %add3A_469, %add3A_470 : vector<16xf32>
        %add3A_483 = arith.addf %add3A_471, %add3A_472 : vector<16xf32>
        %add3A_484 = arith.addf %add3A_473, %add3A_474 : vector<16xf32>
        %add3A_485 = arith.addf %add3A_475, %add3A_476 : vector<16xf32>
        %add3A_486 = arith.addf %add3A_477, %add3A_478 : vector<16xf32>
        %add3A_487 = arith.addf %add3A_479, %add3A_480 : vector<16xf32>
        %add3A_488 = arith.addf %add3A_481, %add3A_482 : vector<16xf32>
        %add3A_489 = arith.addf %add3A_483, %add3A_484 : vector<16xf32>
        %add3A_490 = arith.addf %add3A_485, %add3A_486 : vector<16xf32>
        %add3A_491 = arith.addf %add3A_487, %add3A_488 : vector<16xf32>
        %add3A_492 = arith.addf %add3A_489, %add3A_490 : vector<16xf32>
        %add3A_493 = arith.addf %add3A_491, %add3A_492 : vector<16xf32>
        %swap3A_494 = arith.constant 1 : i32
        %swap3A_495 = arith.index_cast %swap3A_494 : i32 to index
        %swap3A_496 = arith.index_cast %mul3A_107 : i32 to index
        %swap3A_497 = tpu.vector_load %arg10[%swap3A_495, %swap3A_496] {strides = array<i32>} : memref<2x128xf32, #tpu.memory_space<vmem>>, vector<1x16xf32>,
        %swap3A_498 = vector.shape_cast %swap3A_497 : vector<1x16xf32> to vector<16xf32>
        %swap3A_499 = vector.shape_cast %add3A_493 : vector<16xf32> to vector<1x16xf32>
        tpu.vector_store %arg10[%swap3A_495, %swap3A_496], %swap3A_499 {strides = array<i32>} : memref<2x128xf32, #tpu.memory_space<vmem>>, vector<1x16xf32>,
      }
      %scan3A_88 = arith.constant 8 : i32
      %mul3A_89 = arith.constant 320 : i32
      %mul3A_90 = arith.muli %add3A, %mul3A_89 : i32
      %mul3A_91 = arith.constant 2 : i32
      %mul3A_92 = arith.muli %add3A_71, %mul3A_91 : i32
      %add3A_93 = arith.addi %mul3A_90, %mul3A_92 : i32
      %dma_start3A_94 = arith.constant 0 : i32
      %dma_start3A_95 = tpu.memref_slice %arg4[%add3A_93, %dma_start3A_94] : memref<10240x128xf32, #tpu.memory_space<hbm>> -> memref<2x128xf32, #tpu.memory_space<hbm>>
      %dma_start3A_96 = arith.constant 0 : i32
      %dma_start3A_97 = tpu.memref_slice %arg4[%add3A_93, %dma_start3A_96] : memref<10240x128xf32, #tpu.memory_space<hbm>> -> memref<2x128xf32, #tpu.memory_space<hbm>>
      tpu.enqueue_dma source(%arg10 : memref<2x128xf32, #tpu.memory_space<vmem>>) target(%dma_start3A_97 : memref<2x128xf32, #tpu.memory_space<hbm>>) target_semaphore(%arg14 : memref<!tpu.dma_semaphore, #tpu.memory_space<semaphore_mem>>)
      %add3A_98 = arith.constant 2 : i32
      %add3A_99 = arith.addi %add3A_71, %add3A_98 : i32
      %lt3A_100 = arith.constant 160 : i32
      %lt3A_101 = arith.cmpi slt, %add3A_99, %lt3A_100 : i32
      %convert_element_type3A_102 = arith.extui %lt3A_101 : i1 to i32
      %cond3A_103 = arith.constant 0 : i32
      %cond3A_104 = arith.cmpi ne, %convert_element_type3A_102, %cond3A_103 : i32
      scf.if %cond3A_104 {
        %dma_start3A_105 = arith.constant 0 : i32
        %dma_start3A_106 = tpu.memref_slice %arg6[%add3A_99, %dma_start3A_105] : memref<160x64xi32, #tpu.memory_space<vmem>> -> memref<1x64xi32, #tpu.memory_space<vmem>>
        %dma_start3A_107 = tpu.memref_squeeze %dma_start3A_106 : memref<1x64xi32, #tpu.memory_space<vmem>> -> memref<64xi32, #tpu.memory_space<vmem>>
        %dma_start3A_108 = arith.constant 0 : i32
        %dma_start3A_109 = arith.constant 0 : i32
        %dma_start3A_110 = tpu.memref_slice %arg5[%dma_start3A_108, %dma_start3A_109] : memref<10000x128xf32, #tpu.memory_space<vmem_shared>> -> memref<10000x128xf32, #tpu.memory_space<vmem_shared>>
        tpu.enqueue_indirect_dma source(%dma_start3A_110 : memref<10000x128xf32, #tpu.memory_space<vmem_shared>>) target(%arg8 : memref<64x128xf32, #tpu.memory_space<vmem>>) offsets(%dma_start3A_107 : memref<64xi32, #tpu.memory_space<vmem>>) semaphore(%arg12 : memref<!tpu.dma_semaphore, #tpu.memory_space<semaphore_mem>>)
      } else {
      }
    }
    %scan3A_20 = arith.constant 80 : i32
    %mul3A_21 = arith.constant 320 : i32
    %mul3A_22 = arith.muli %add3A, %mul3A_21 : i32
    %dma_wait3A = arith.constant 0 : i32
    %dma_wait3A_23 = tpu.memref_slice %arg4[%mul3A_22, %dma_wait3A] : memref<10240x128xf32, #tpu.memory_space<hbm>> -> memref<2x128xf32, #tpu.memory_space<hbm>>
    %dma_wait3A_24 = arith.constant 0 : i32
    %dma_wait3A_25 = tpu.memref_slice %arg4[%mul3A_22, %dma_wait3A_24] : memref<10240x128xf32, #tpu.memory_space<hbm>> -> memref<2x128xf32, #tpu.memory_space<hbm>>
    tpu.wait_dma2 semaphore(%arg13 : memref<!tpu.dma_semaphore, #tpu.memory_space<semaphore_mem>>) src(%arg9 : memref<2x128xf32, #tpu.memory_space<vmem>>) dst(%dma_wait3A_25 : memref<2x128xf32, #tpu.memory_space<hbm>>)
    %mul3A_26 = arith.constant 320 : i32
    %mul3A_27 = arith.muli %add3A, %mul3A_26 : i32
    %dma_wait3A_28 = arith.constant 0 : i32
    %dma_wait3A_29 = tpu.memref_slice %arg4[%mul3A_27, %dma_wait3A_28] : memref<10240x128xf32, #tpu.memory_space<hbm>> -> memref<2x128xf32, #tpu.memory_space<hbm>>
    %dma_wait3A_30 = arith.constant 0 : i32
    %dma_wait3A_31 = tpu.memref_slice %arg4[%mul3A_27, %dma_wait3A_30] : memref<10240x128xf32, #tpu.memory_space<hbm>> -> memref<2x128xf32, #tpu.memory_space<hbm>>
    tpu.wait_dma2 semaphore(%arg14 : memref<!tpu.dma_semaphore, #tpu.memory_space<semaphore_mem>>) src(%arg10 : memref<2x128xf32, #tpu.memory_space<vmem>>) dst(%dma_wait3A_31 : memref<2x128xf32, #tpu.memory_space<hbm>>)
    return
  }
}

module attributes {stable_mosaic.version = 14 : i64} {
  func.func @body(%arg0: i32, %arg1: memref<1000x128xf32, #tpu.memory_space<vmem>>, %arg2: memref<1000x128xf32, #tpu.memory_space<vmem>>, %arg3: memref<128x128xf32, #tpu.memory_space<vmem>>, %arg4: memref<128x128xf32, #tpu.memory_space<vmem>>, %arg5: memref<1000x128xf32, #tpu.memory_space<vmem>>) attributes {dimension_semantics = [#tpu.dimension_semantics<arbitrary>], iteration_bounds = array<i64: 10>, scalar_prefetch = 0 : i64, scratch_operands = 0 : i64, tpu.core_type = #tpu.core_type<tc>, window_params = [{transform_indices = @transform_0, window_bounds = array<i64: 1000, 128>}, {transform_indices = @transform_1, window_bounds = array<i64: 1000, 128>}, {pipeline_mode = #tpu.pipeline_mode<synchronous>, transform_indices = @transform_2, window_bounds = array<i64: 128, 128>}, {pipeline_mode = #tpu.pipeline_mode<synchronous>, transform_indices = @transform_3, window_bounds = array<i64: 128, 128>}, {transform_indices = @transform_4, window_bounds = array<i64: 1000, 128>}]} {
    %get3A = arith.constant 0 : index
    %get3A_0 = arith.constant 0 : index
    %get3A_1 = vector.load %arg1[%get3A, %get3A_0] : memref<1000x128xf32, #tpu.memory_space<vmem>>, vector<1000x128xf32>
    %get3A_2 = arith.constant 0 : index
    %get3A_3 = arith.constant 0 : index
    %get3A_4 = vector.load %arg3[%get3A_2, %get3A_3] : memref<128x128xf32, #tpu.memory_space<vmem>>, vector<128x128xf32>
    %dot_general3A = arith.constant dense<0.000000e+00> : vector<1000x128xf32>
    %dot_general3A_5 = tpu.matmul %get3A_1, %get3A_4, %dot_general3A {dimension_numbers = #tpu.dot_dimension_numbers<[1], [0], [0], [1], [0, 0, 1, 1], [], []>, transpose_lhs_hint = false} : vector<1000x128xf32>, vector<128x128xf32>, vector<1000x128xf32> -> vector<1000x128xf32>
    %get3A_6 = arith.constant 0 : index
    %get3A_7 = arith.constant 0 : index
    %get3A_8 = vector.load %arg2[%get3A_6, %get3A_7] : memref<1000x128xf32, #tpu.memory_space<vmem>>, vector<1000x128xf32>
    %get3A_9 = arith.constant 0 : index
    %get3A_10 = arith.constant 0 : index
    %get3A_11 = vector.load %arg4[%get3A_9, %get3A_10] : memref<128x128xf32, #tpu.memory_space<vmem>>, vector<128x128xf32>
    %dot_general3A_12 = arith.constant dense<0.000000e+00> : vector<1000x128xf32>
    %dot_general3A_13 = tpu.matmul %get3A_8, %get3A_11, %dot_general3A_12 {dimension_numbers = #tpu.dot_dimension_numbers<[1], [0], [0], [1], [0, 0, 1, 1], [], []>, transpose_lhs_hint = false} : vector<1000x128xf32>, vector<128x128xf32>, vector<1000x128xf32> -> vector<1000x128xf32>
    %add3A = arith.addf %dot_general3A_5, %dot_general3A_13 : vector<1000x128xf32>
    %max3A = arith.constant 0.000000e+00 : f32
    %max3A_14 = vector.broadcast %max3A : f32 to vector<1000x128xf32>
    %max3A_15 = arith.maximumf %add3A, %max3A_14 : vector<1000x128xf32>
    %swap3A = arith.constant 0 : index
    %swap3A_16 = arith.constant 0 : index
    %swap3A_17 = vector.load %arg5[%swap3A, %swap3A_16] : memref<1000x128xf32, #tpu.memory_space<vmem>>, vector<1000x128xf32>
    tpu.vector_store %arg5[%swap3A, %swap3A_16], %max3A_15 {strides = array<i32>} : memref<1000x128xf32, #tpu.memory_space<vmem>>, vector<1000x128xf32>,
    return
  }
  func.func @transform_0(%arg0: i32) -> (i32, i32) {
    %c0_i32 = arith.constant 0 : i32
    %c0_i32_0 = arith.constant 0 : i32
    return %arg0, %c0_i32 : i32, i32
  }
  func.func @transform_1(%arg0: i32) -> (i32, i32) {
    %c0_i32 = arith.constant 0 : i32
    %c0_i32_0 = arith.constant 0 : i32
    return %arg0, %c0_i32 : i32, i32
  }
  func.func @transform_2(%arg0: i32) -> (i32, i32) {
    %c0_i32 = arith.constant 0 : i32
    %c0_i32_0 = arith.constant 0 : i32
    %c0_i32_1 = arith.constant 0 : i32
    return %c0_i32, %c0_i32_0 : i32, i32
  }
  func.func @transform_3(%arg0: i32) -> (i32, i32) {
    %c0_i32 = arith.constant 0 : i32
    %c0_i32_0 = arith.constant 0 : i32
    %c0_i32_1 = arith.constant 0 : i32
    return %c0_i32, %c0_i32_0 : i32, i32
  }
  func.func @transform_4(%arg0: i32) -> (i32, i32) {
    %c0_i32 = arith.constant 0 : i32
    %c0_i32_0 = arith.constant 0 : i32
    return %arg0, %c0_i32 : i32, i32
  }
}

module attributes {stable_mosaic.version = 14 : i64} {
  func.func @body(%arg0: i32, %arg1: memref<1000x128xf32, #tpu.memory_space<vmem>>, %arg2: memref<1000x128xf32, #tpu.memory_space<vmem>>, %arg3: memref<128x16xf32, #tpu.memory_space<vmem>>, %arg4: memref<128x16xf32, #tpu.memory_space<vmem>>, %arg5: memref<1000x16xf32, #tpu.memory_space<vmem>>) attributes {dimension_semantics = [#tpu.dimension_semantics<arbitrary>], iteration_bounds = array<i64: 10>, scalar_prefetch = 0 : i64, scratch_operands = 0 : i64, tpu.core_type = #tpu.core_type<tc>, window_params = [{transform_indices = @transform_0, window_bounds = array<i64: 1000, 128>}, {transform_indices = @transform_1, window_bounds = array<i64: 1000, 128>}, {pipeline_mode = #tpu.pipeline_mode<synchronous>, transform_indices = @transform_2, window_bounds = array<i64: 128, 16>}, {pipeline_mode = #tpu.pipeline_mode<synchronous>, transform_indices = @transform_3, window_bounds = array<i64: 128, 16>}, {transform_indices = @transform_4, window_bounds = array<i64: 1000, 16>}]} {
    %get3A = arith.constant 0 : index
    %get3A_0 = arith.constant 0 : index
    %get3A_1 = vector.load %arg1[%get3A, %get3A_0] : memref<1000x128xf32, #tpu.memory_space<vmem>>, vector<1000x128xf32>
    %get3A_2 = arith.constant 0 : index
    %get3A_3 = arith.constant 0 : index
    %get3A_4 = vector.load %arg3[%get3A_2, %get3A_3] : memref<128x16xf32, #tpu.memory_space<vmem>>, vector<128x16xf32>
    %dot_general3A = arith.constant dense<0.000000e+00> : vector<1000x16xf32>
    %dot_general3A_5 = tpu.matmul %get3A_1, %get3A_4, %dot_general3A {dimension_numbers = #tpu.dot_dimension_numbers<[1], [0], [0], [1], [0, 0, 1, 1], [], []>, transpose_lhs_hint = false} : vector<1000x128xf32>, vector<128x16xf32>, vector<1000x16xf32> -> vector<1000x16xf32>
    %get3A_6 = arith.constant 0 : index
    %get3A_7 = arith.constant 0 : index
    %get3A_8 = vector.load %arg2[%get3A_6, %get3A_7] : memref<1000x128xf32, #tpu.memory_space<vmem>>, vector<1000x128xf32>
    %get3A_9 = arith.constant 0 : index
    %get3A_10 = arith.constant 0 : index
    %get3A_11 = vector.load %arg4[%get3A_9, %get3A_10] : memref<128x16xf32, #tpu.memory_space<vmem>>, vector<128x16xf32>
    %dot_general3A_12 = arith.constant dense<0.000000e+00> : vector<1000x16xf32>
    %dot_general3A_13 = tpu.matmul %get3A_8, %get3A_11, %dot_general3A_12 {dimension_numbers = #tpu.dot_dimension_numbers<[1], [0], [0], [1], [0, 0, 1, 1], [], []>, transpose_lhs_hint = false} : vector<1000x128xf32>, vector<128x16xf32>, vector<1000x16xf32> -> vector<1000x16xf32>
    %add3A = arith.addf %dot_general3A_5, %dot_general3A_13 : vector<1000x16xf32>
    %swap3A = arith.constant 0 : index
    %swap3A_14 = arith.constant 0 : index
    %swap3A_15 = vector.load %arg5[%swap3A, %swap3A_14] : memref<1000x16xf32, #tpu.memory_space<vmem>>, vector<1000x16xf32>
    tpu.vector_store %arg5[%swap3A, %swap3A_14], %add3A {strides = array<i32>} : memref<1000x16xf32, #tpu.memory_space<vmem>>, vector<1000x16xf32>,
    return
  }
  func.func @transform_0(%arg0: i32) -> (i32, i32) {
    %c0_i32 = arith.constant 0 : i32
    %c0_i32_0 = arith.constant 0 : i32
    return %arg0, %c0_i32 : i32, i32
  }
  func.func @transform_1(%arg0: i32) -> (i32, i32) {
    %c0_i32 = arith.constant 0 : i32
    %c0_i32_0 = arith.constant 0 : i32
    return %arg0, %c0_i32 : i32, i32
  }
  func.func @transform_2(%arg0: i32) -> (i32, i32) {
    %c0_i32 = arith.constant 0 : i32
    %c0_i32_0 = arith.constant 0 : i32
    %c0_i32_1 = arith.constant 0 : i32
    return %c0_i32, %c0_i32_0 : i32, i32
  }
  func.func @transform_3(%arg0: i32) -> (i32, i32) {
    %c0_i32 = arith.constant 0 : i32
    %c0_i32_0 = arith.constant 0 : i32
    %c0_i32_1 = arith.constant 0 : i32
    return %c0_i32, %c0_i32_0 : i32, i32
  }
  func.func @transform_4(%arg0: i32) -> (i32, i32) {
    %c0_i32 = arith.constant 0 : i32
    %c0_i32_0 = arith.constant 0 : i32
    return %arg0, %c0_i32 : i32, i32
  }
}

</mosaic_0001>

<sc_bundles>
// kernel: kernel.6.cloned.1.call-start
scs
__scs_entry_jumppad:
0x0: {  	(pc) =	sbr.rel $0x88, $3  }
0x1: {  	(tag) =	ssettag $0x0;
	lr =	simm.s32 $0x1  }
0x2: {  	[smem:$0x3F9D] =	sst lr;
	_ =	strace $0xD0000000  }
0x3: {  	_ = 	snop  }
0x4: {  	_ = 	snop  }
0x5: {  	_ = 	snop  }
0x6: {  	_ = 	snop  }
0x7: {  	_ = 	snop  }
__scs_overlays_trampoline_lowered:
0x8: {  	[smem:$0x3FAC] =	sst s0  }
0x9: {  	[smem:$0x3FAD] =	sst s1  }
0xa: {  	[smem:$0x3FAE] =	sst s2  }
0xb: {  	[smem:$0x3FAF] =	sst s3  }
0xc: {  	[smem:$0x3FB0] =	sst s4  }
0xd: {  	[smem:$0x3FB1] =	sst s5  }
0xe: {  	[smem:$0x3FB2] =	sst s6  }
0xf: {  	[smem:$0x3FB3] =	sst s7  }
0x10: {  	[smem:$0x3FB4] =	sst s8  }
0x11: {  	[smem:$0x3FB5] =	sst s9;
	s0 =	simm.s32 @!p0 $0x0  }
0x12: {  	s1 =	sld [smem:$0x3F9B];
	s0 =	simm.s32 @p0 $0x1  }
0x13: {  	[smem:$0x3FB6] =	sst s0;
	s0 =	simm.s32 @!p1 $0x0  }
0x14: {  	s2 =	sld [smem:$0x3F9A];
	s0 =	simm.s32 @p1 $0x1  }
0x15: {  	[smem:$0x3FB7] =	sst s0;
	s0 =	simm.s32 @!p2 $0x0  }
0x16: {  	s3 =	sld [smem:$0x3FDB];
	s0 =	simm.s32 @p2 $0x1  }
0x17: {  	s4 =	simm.s32 $0x1BF5;
	[smem:$0x3FB9] =	sst s0  }
0x18: {  	s0 =	sld [smem:$0x3F9C];
	_ =	swait.ge [sflag:s4], $0x0  }
0x19: {  	s7 =	sld [smem:$0x3F9D]  }
0x1a: {  	s8 =	sadd.s32 $0xFFFFE003, lr  }
0x1b: {  	s9 =	sadd.s32 $0xFFFFFEF7, lr;
	s5 =	simm.s32 $0xFFFFFFFF;
	p2 =	slt.u32 s8, $0xFFFFF086  }
0x1c: {  	p1 =	slt.u32 s9, $0xF7A;
	s5 =	simm.s32 @!p2 $0x0  }
0x1d: {  	s5 =	simm.s32 @p1 $0x1;
	p0 =	seq.s32 s7, s2  }
0x1e: {  	s7 =	smul.u32 @!p0 $0xF7A, s2;
	p2 =	seq.s32 @!p0 s5, $0x0  }
0x1f: {  	s9 =	smul.u32 $0xF7A, s1;
	s8 =	simm.s32 @!p0 $0x1BF5;
	p2 =	por !p2, p0  }
0x20: {  	[sflag:s8] =	ssyncset.s32 @!p0 $0xFFFFF086;
	s6 =	sadd.s32 @!p0 s3, s7;
	s7 =	simm.s32 @!p0 $0x108  }
0x21: {  	s3 =	sadd.s32 s3, s9;
	s6 =	sadd.s32 @!p0 $0x88, s6;
	s7 =	simm.s32 @p2 $0x1082  }
0x22: {  	[simem:s7], [sflag:s8] =	dma.local @!p0 [hbm:s6], $0xF7A  }
0x23: {  	s9 =	sor.u32 $0xD0000000, s2;
	s6 =	simm.s32 $0x108;
	_ =	swait.ge @!p0 [sflag:s8], $0x0  }
0x24: {  	s3 =	sadd.s32 $0x88, s3;
	s6 =	simm.s32 @!p1 $0x1082;
	[sflag:s4] =	ssyncset.s32 $0xFFFFF086  }
0x25: {  	[simem:s6], [sflag:s4] =	dma.local [hbm:s3], $0xF7A  }
0x26: {  	[smem:$0x3F9D] =	sst s1;
	(tag) =	ssettag s2;
	_ =	strace s9  }
0x27: {  	s1 =	sld [smem:$0x3FAD]  }
0x28: {  	s2 =	sld [smem:$0x3FAE]  }
0x29: {  	s4 =	sld [smem:$0x3FB0]  }
0x2a: {  	p0 =	seq.s32 s5, $0x0;
	s5 =	sld [smem:$0x3FB1]  }
0x2b: {  	s6 =	sld [smem:$0x3FB2]  }
0x2c: {  	s7 =	sld [smem:$0x3FB3]  }
0x2d: {  	s3 =	simm.s32 $0x108;
	s8 =	sld [smem:$0x3FB4]  }
0x2e: {  	s3 =	simm.s32 @!p0 $0x1082;
	s9 =	sld [smem:$0x3FB5]  }
0x2f: {  	lr =	sadd.s32 s0, s3;
	s0 =	sld [smem:$0x3FAC]  }
0x30: {  	s3 =	sld [smem:$0x3FAF]  }
0x31: {  	[smem:$0x3FB8] =	sst s10  }
0x32: {  	s10 =	sld [smem:$0x3FB6];
	_ =	sdelay $0x3  }
0x33: {  	p0 =	seq.s32 s10, $0x1;
	s10 =	sld [smem:$0x3FB8];
	_ =	sdelay $0x3  }
0x34: {  	[smem:$0x3FB8] =	sst s10  }
0x35: {  	s10 =	sld [smem:$0x3FB7];
	_ =	sdelay $0x3  }
0x36: {  	p1 =	seq.s32 s10, $0x1;
	s10 =	sld [smem:$0x3FB8];
	_ =	sdelay $0x3  }
0x37: {  	[smem:$0x3FB8] =	sst s10  }
0x38: {  	s10 =	sld [smem:$0x3FB9]  }
0x39: {  	_ = 	snop;
	(pc) =	sbr.ind lr, $3  }
0x3a: {  	_ = 	snop  }
0x3b: {  	_ = 	snop  }
0x3c: {  	p2 =	seq.s32 s10, $0x1;
	s10 =	sld [smem:$0x3FB8]  }
0x3d: {  	_ =	shalt  }
0x3e: {  	_ =	shalt  }
0x3f: {  	_ =	shalt  }
0x40: {  	_ =	shalt  }
0x41: {  	_ =	shalt  }
0x42: {  	_ =	shalt  }
0x43: {  	_ =	shalt  }
0x44: {  	_ =	shalt  }
0x45: {  	_ =	shalt  }
0x46: {  	_ =	shalt  }
0x47: {  	_ =	shalt  }
0x48: {  	_ =	shalt  }
0x49: {  	_ =	shalt  }
0x4a: {  	_ =	shalt  }
0x4b: {  	_ =	shalt  }
0x4c: {  	_ =	shalt  }
0x4d: {  	_ =	shalt  }
0x4e: {  	_ =	shalt  }
0x4f: {  	_ =	shalt  }
0x50: {  	_ =	shalt  }
0x51: {  	_ =	shalt  }
0x52: {  	_ =	shalt  }
0x53: {  	_ =	shalt  }
0x54: {  	_ =	shalt  }
0x55: {  	_ =	shalt  }
0x56: {  	_ =	shalt  }
0x57: {  	_ =	shalt  }
0x58: {  	_ =	shalt  }
0x59: {  	_ =	shalt  }
0x5a: {  	_ =	shalt  }
0x5b: {  	_ =	shalt  }
0x5c: {  	_ =	shalt  }
0x5d: {  	_ =	shalt  }
0x5e: {  	_ =	shalt  }
0x5f: {  	_ =	shalt  }
0x60: {  	_ =	shalt  }
0x61: {  	_ =	shalt  }
0x62: {  	_ =	shalt  }
0x63: {  	_ =	shalt  }
0x64: {  	_ =	shalt  }
0x65: {  	_ =	shalt  }
0x66: {  	_ =	shalt  }
0x67: {  	_ =	shalt  }
0x68: {  	_ =	shalt  }
0x69: {  	_ =	shalt  }
0x6a: {  	_ =	shalt  }
0x6b: {  	_ =	shalt  }
0x6c: {  	_ =	shalt  }
0x6d: {  	_ =	shalt  }
0x6e: {  	_ =	shalt  }
0x6f: {  	_ =	shalt  }
0x70: {  	_ =	shalt  }
0x71: {  	_ =	shalt  }
0x72: {  	_ =	shalt  }
0x73: {  	_ =	shalt  }
0x74: {  	_ =	shalt  }
0x75: {  	_ =	shalt  }
0x76: {  	_ =	shalt  }
0x77: {  	_ =	shalt  }
0x78: {  	_ =	shalt  }
0x79: {  	_ =	shalt  }
0x7a: {  	_ =	shalt  }
0x7b: {  	_ =	shalt  }
0x7c: {  	_ =	shalt  }
0x7d: {  	_ =	shalt  }
0x7e: {  	_ =	shalt  }
0x7f: {  	_ =	shalt  }
0x80: {  	_ =	shalt  }
0x81: {  	_ =	shalt  }
0x82: {  	_ =	shalt  }
0x83: {  	_ =	shalt  }
0x84: {  	_ =	shalt  }
0x85: {  	_ =	shalt  }
0x86: {  	_ =	shalt  }
0x87: {  	_ =	shalt  }
.Lfunc_end0:
.L_simem_size_0:
called_computation_lowered:
.L_overlay_start_0:
0x88: {  	s2 =	sld [smem:$0x3FD9]  }
0x89: {  	s3 =	sld [smem:$0x3FFE];
	_ =	sdelay $0x1  }
0x8a: {  	s1 =	srdreg.scid  }
0x8b: {  	s0 =	sand.u32 $0x1, s1  }
0x8c: {  	s17 =	sshll.u32 s0, $0xA;
	s2 =	sadd.s32 s3, s2  }
0x8d: {  	s2 =	sadd.s32 s2, s17  }
0x8e: {  	[smem:$0x3FC4] =	sst s2  }
0x8f: {  	_ = 	snop  }
0x90: {  	s2 =	sld [smem:$0x3FC8];
	(tm) =	ssettm $0x1  }
0x91: {  	s18 =	sld [smem:$0x3FFB];
	_ =	sdelay $0x3  }
0x92: {  	_ =	strace s18  }
0x93: {  	s3 =	sld [smem:$0x3FFC];
	_ =	sdelay $0x3  }
0x94: {  	_ =	strace s3  }
0x95: {  	s3 =	sld [smem:$0x3FFD];
	_ =	sdelay $0x3  }
0x96: {  	_ =	strace s3  }
0x97: {  	_ =	strace $0x8FFFFFFF  }
0x98: {  	s19 =	sld [smem:$0x3FDB];
	_ =	sdelay $0x1  }
0x99: {  	s4 =	simm.s32 $_scs_section_size  }
0x9a: {  	s5 =	simm.s32 $_size__tile_overlayer_lowered;
	s6 =	simm.s32 $_tile_overlayer_lowered  }
0x9b: {  	s22 =	simm.s32 $0x1BFF;
	s21 =	sshll.u32 s6, $0x1;
	s3 =	sadd.s32 s4, s19  }
0x9c: {  	s7 =	simm.s32 $0x0;
	s20 =	sshll.u32 s5, $0x1;
	s5 =	sadd.s32 s21, s3  }
0x9d: {  	[timem:s7], [sflag:s22] =	dma.local [hbm:s5], s20  }
0x9e: {  	_ =	swait.ge [sflag:s22], s20  }
0x9f: {  	s4 =	ssub.s32 $0x0, s20;
	[sflag:s22] =	ssyncset.done $0x0  }
0xa0: {  	[sflag:s22] =	ssyncadd.s32 s4;
	_ =	sdelay $0x1  }
0xa1: {  	s23 =	simm.s32 $0x1B8B  }
0xa2: {  	_ =	swait.ge [sflag:s23], $0x1  }
0xa3: {  	[sflag:s23] =	ssyncset.done $0x0  }
0xa4: {  	s25 =	simm.s32 $0x1B8E;
	s24 =	sld [smem:$0x3FFE];
	[sflag:s23] =	ssyncadd.s32 $0xFFFFFFFF  }
0xa5: {  	s26 =	simm.s32 $execute0_lowered;
	[smem:$0x3FD2] =	sst s25  }
0xa6: {  	s5 =	sshll.u32 s26, $0x1;
	_ =	strace $0x80000046;
	[dreg:$0x1] =	wrdreg $0xFFFFFFFF  }
0xa7: {  	s28 =	simm.s32 $_size_execute0_lowered;
	s3 =	sadd.s32 s3, s5;
	[dreg:$0x0] =	wrdreg $0x0  }
0xa8: {  	s5 =	sshll.u32 s28, $0x1;
	[dreg:$0x2] =	wrdreg s3  }
0xa9: {  	[dreg:$0x3] =	wrdreg s5  }
0xaa: {  	[dreg:$0x4] =	wrdreg $0xC0  }
0xab: {  	_ =	task [dreg:s7], $0x5FFFF  }
0xac: {  	[dreg:$0x1] =	wrdreg $0xFFFFFFFF  }
0xad: {  	[dreg:$0x0] =	wrdreg $0x60  }
0xae: {  	[dreg:$0x2] =	wrdreg s2  }
0xaf: {  	[dreg:$0x3] =	wrdreg s24  }
0xb0: {  	[dreg:$0x4] =	wrdreg $0x0  }
0xb1: {  	[dreg:$0x5] =	wrdreg $0x9  }
0xb2: {  	_ =	task.clear_ibuf [dreg:s7], $0x6FFFF;
	_ =	strace $0x90000046  }
0xb3: {  	s29 =	simm.s32 $0x9;
	_ =	strace $0x80000048  }
0xb4: {  	_ =	swait.ge [sflag:s29], $0x1  }
0xb5: {  	[sflag:s29] =	ssyncadd.s32 $0xFFFFFFFF  }
0xb6: {  	_ =	strace $0x90000048  }
0xb7: {  	_ =	sfence  }
0xb8: {  	s30 =	sld [smem:$0x0];
	_ =	sdelay $0x2  }
0xb9: {  	s31 =	sshll.u32 s1, $0xD;
	s1 =	sshrl.u32 s1, $0x2  }
0xba: {  	s3 =	sand.u32 $0x4000, s31;
	s1 =	sadd.s32 s1, s30  }
0xbb: {  	s0 =	sor.u32 s3, s0;
	s1 =	sshll.u32 s1, $0x11  }
0xbc: {  	s0 =	sor.u32 s1, s0  }
0xbd: {  	s0 =	sadd.s32 $0x8F2B, s0  }
0xbe: {  	[sflag:s0] =	ssyncadd.remote.s32 $0x1  }
0xbf: {  	_ =	sfence.sel $0xFFFF  }
0xc0: {  	[dreg:$0x0] =	wrdreg $0xFFFFFFFF;
	(pc) =	sbr.abs _section_cstart, $3  }
0xc1: {  	[dreg:$0x1] =	wrdreg $0xFFFFFFFF  }
0xc2: {  	_ =	task.clear_ibuf [dreg:s7], $0x2FFFF;
	_ =	strace $0x9FFFFFFF  }
0xc3: {  	(tm) =	ssettm $0x7FFFFFFF  }
tec
execute0_lowered:
.L_overlay_start_1:
0x0: {  	(tag) =	ssettag $0x1  }
0x1: {  	s0 =	rddreg [dreg:$0x0]  }
0x2: {  	s1 =	srdreg.scid;
	s4 =	rddreg [dreg:$0x1]  }
0x3: {  	s8 =	stileid.u32;
	s2 =	rddreg [dreg:$0x2]  }
0x4: {  	s3 =	simm.s32 $0x0;
	s10 =	simm.s32 $0x13880;
	s11 =	simm.s32 $0x6  }
0x5: {  	s12 =	simm.s32 $0x40;
	s13 =	simm.s32 $0x18880;
	s14 =	simm.s32 $0x13900  }
0x6: {  	s15 =	simm.s32 $0x1A880;
	s16 =	simm.s32 $0x1;
	s17 =	simm.s32 $0x1C880  }
0x7: {  	s18 =	simm.s32 $0x2;
	s19 =	simm.s32 $0x4;
	s20 =	simm.s32 $0x1C980  }
0x8: {  	s21 =	simm.s32 $0x3;
	s5 =	sand.u32 $0x1, s1;
	s1 =	rddreg [dreg:$0x3]  }
0x9: {  	s22 =	simm.s32 $0x0;
	s31 =	sshll.u32 s8, $0x1;
	[smem:$0x7FF] =	sst s3  }
.Ltmp0:
0xa: {  	s9 =	sor.u32 s5, s31;
	s5 =	ssub.s32 $0x2, s5;
	(pc) =	sbr.rel .LBB2_1-.Ltmp0, $4  }
0xb: {  	p0 =	sne.s32 s8, $0x0;
	s6 =	smul.u32 $0xA00, s9;
	s7 =	sshrl.u32 s5, $0x1  }
0xc: {  	_ =	strace $0x80000047;
	s8 =	smul.u32 $0x1400, s9;
	s7 =	ssub.s32 s5, s7  }
0xd: {  	s6 =	sadd.s32 s6, s4;
	s4 =	sadd.s32 $0x16000, s4;
	s7 =	smax.u32 s7, $0x1  }
0xe: {  	s5 =	sadd.s32 $0x2000, s6;
	s6 =	smul.u32 $0xA000, s9;
	s9 =	sshrl.u32 @!p0 s2, $0x3  }
.LBB2_12:
0xf: {  	s22 =	sadd.s32 $0x1, s22  }
0x10: {  	_ =	swait.ge [sflag:s21], $0x100;
	p1 =	sne.s32 s22, s7  }
.Ltmp1:
0x11: {  	[sflag:s21] =	ssyncset.done $0x0;
	(pc) =	sbr.rel @!p1 .LBB2_13-.Ltmp1, $4  }
0x12: {  	[sflag:s21] =	ssyncadd.s32 $0xFFFFFF00  }
0x13: {  	_ =	swait.ge [sflag:s19], $0x100  }
0x14: {  	[sflag:s19] =	ssyncset.done $0x0  }
0x15: {  	[sflag:s19] =	ssyncadd.s32 $0xFFFFFF00  }
.LBB2_1:
0x16: {  	s23 =	simm.s32 @!p0 $0x1C05  }
0x17: {  	[spmem:s9], [sflag:s23] =	dma.local @!p0 [hbm:s0], $0x27100  }
0x18: {  	s23 =	simm.s32 @!p0 $0x5  }
0x19: {  	_ =	swait.ge @!p0 [sflag:s23], $0x27100  }
0x1a: {  	[sflag:s23] =	ssyncset.done @!p0 $0x0  }
0x1b: {  	[sflag:s23] =	ssyncadd.s32 @!p0 $0xFFFD8F00  }
0x1c: {  	[bflag:$0x0] =	sbarrier.arrive $0xFFFF  }
0x1d: {  	[tilespmem:s10], [sflag:$0x6] =	stream.linear.gather [hbm4b:s5+s3], $0x5000, $0x38;
	[tilespmem:$0x1CA80] =	vst v63  }
0x1e: {  	_ =	swait.ge [sflag:s11], $0x5000  }
0x1f: {  	[sflag:s11] =	ssyncset.done $0x0  }
0x20: {  	[sflag:s11] =	ssyncadd.s32 $0xFFFFB000  }
0x21: {  	[tilespmem:s13], [sflag:$0x1] =	stream.indirect.gather [spmem:s2], $0x80, s10, s12, $0xb8;
	[tilespmem:$0x1CA80] =	vst v63  }
0x22: {  	s23 =	simm.s32 $0x0  }
0x23: {  	[tilespmem:s15], [sflag:$0x2] =	stream.indirect.gather [spmem:s2], $0x80, s14, s12, $0xb8;
	[tilespmem:$0x1CA80] =	vst v63  }
.LBB2_2:
0x24: {  	_ =	swait.ge [sflag:s16], $0x2000  }
0x25: {  	p1 =	seq.s32 s23, $0x0;
	[sflag:s16] =	ssyncset.done $0x0  }
0x26: {  	s24 =	simm.s32 @!p1 $0x3;
	[sflag:s16] =	ssyncadd.s32 $0xFFFFE000  }
0x27: {  	_ =	swait.ge @!p1 [sflag:s24], $0x100  }
0x28: {  	[sflag:s24] =	ssyncset.done @!p1 $0x0  }
0x29: {  	s25 =	simm.s32 $0x0;
	[sflag:s24] =	ssyncadd.s32 @!p1 $0xFFFFFF00  }
0x2a: {  	v0 =	vld [tilespmem:s25+$0x19880]  }
0x2b: {  	v11 =	vld [tilespmem:s25+$0x19900]  }
0x2c: {  	v14 =	vld [tilespmem:s25+$0x19980]  }
0x2d: {  	v17 =	vld [tilespmem:s25+$0x19A00]  }
0x2e: {  	v18 =	vld [tilespmem:s25+$0x19A80]  }
0x2f: {  	v19 =	vld [tilespmem:s25+$0x19B00]  }
0x30: {  	v20 =	vld [tilespmem:s25+$0x19B80]  }
0x31: {  	v22 =	vld [tilespmem:s25+$0x19C00]  }
0x32: {  	v23 =	vld [tilespmem:s25+$0x19C80]  }
0x33: {  	v25 =	vld [tilespmem:s25+$0x19D00]  }
0x34: {  	v26 =	vld [tilespmem:s25+$0x19D80]  }
0x35: {  	v27 =	vld [tilespmem:s25+$0x19E00]  }
0x36: {  	v28 =	vld [tilespmem:s25+$0x19E80]  }
0x37: {  	v29 =	vld [tilespmem:s25+$0x19F00]  }
0x38: {  	v30 =	vld [tilespmem:s25+$0x19F80]  }
0x39: {  	v31 =	vld [tilespmem:s25+$0x1A000]  }
0x3a: {  	v1 =	vld [tilespmem:s25+$0x1A080]  }
0x3b: {  	v2 =	vld [tilespmem:s25+$0x1A100]  }
0x3c: {  	v3 =	vld [tilespmem:s25+$0x1A180]  }
0x3d: {  	v5 =	vld [tilespmem:s25+$0x1A200]  }
0x3e: {  	v4 =	vld [tilespmem:s25+$0x1A280]  }
0x3f: {  	v6 =	vld [tilespmem:s25+$0x1A300]  }
0x40: {  	v7 =	vld [tilespmem:s25+$0x1A380]  }
0x41: {  	v9 =	vld [tilespmem:s25+$0x1A400]  }
0x42: {  	v8 =	vld [tilespmem:s25+$0x1A480]  }
0x43: {  	v10 =	vld [tilespmem:s25+$0x1A500]  }
0x44: {  	v12 =	vld [tilespmem:s25+$0x1A580]  }
0x45: {  	v15 =	vld [tilespmem:s25+$0x1A600]  }
0x46: {  	v13 =	vld [tilespmem:s25+$0x1A680]  }
0x47: {  	v16 =	vld [tilespmem:s25+$0x1A700];
	v11 =	vadd.f32 v11, v0;
	v14 =	vadd.f32 v17, v14  }
0x48: {  	v21 =	vld [tilespmem:s25+$0x1A780];
	v17 =	vadd.f32 v19, v18;
	v18 =	vadd.f32 v22, v20  }
0x49: {  	v24 =	vld [tilespmem:s25+$0x1A800];
	v19 =	vadd.f32 v25, v23;
	v20 =	vadd.f32 v27, v26  }
0x4a: {  	s26 =	simm.s32 $0x40;
	s24 =	sshll.u32 s23, $0xA;
	v0 =	vld [tilespmem:s25+$0x18880];
	v22 =	vadd.f32 v29, v28;
	v23 =	vadd.f32 v31, v30  }
.LBB2_3:
0x4b: {  	p2 =	sne.s32 s26, $0x1C0;
	v25 =	vld [tilespmem:s25+$0x18900];
	v1 =	vadd.f32 v2, v1;
	v2 =	vadd.f32 v5, v3  }
0x4c: {  	v4 =	vadd.f32 v6, v4;
	v5 =	vadd.f32 v9, v7;
	v3 =	vld [tilespmem:s25+$0x18980]  }
0x4d: {  	v7 =	vadd.f32 v10, v8;
	v8 =	vadd.f32 v15, v12;
	v6 =	vld [tilespmem:s25+$0x18A00]  }
0x4e: {  	v10 =	vadd.f32 v16, v13;
	v9 =	vld [tilespmem:s25+$0x18A80];
	v12 =	vadd.f32 v24, v21  }
0x4f: {  	v11 =	vadd.f32 v14, v11;
	v14 =	vadd.f32 v18, v17;
	v13 =	vld [tilespmem:s25+$0x18B00]  }
0x50: {  	v16 =	vadd.f32 v20, v19;
	v17 =	vadd.f32 v23, v22;
	v15 =	vld [tilespmem:s25+$0x18B80]  }
0x51: {  	v1 =	vadd.f32 v2, v1;
	v2 =	vadd.f32 v5, v4;
	v18 =	vld [tilespmem:s25+$0x18C00]  }
0x52: {  	v5 =	vadd.f32 v8, v7;
	v7 =	vadd.f32 v12, v10;
	v4 =	vld [tilespmem:s25+$0x18C80]  }
0x53: {  	v10 =	vadd.f32 v14, v11;
	v11 =	vadd.f32 v17, v16;
	v8 =	vld [tilespmem:s25+$0x18D00]  }
0x54: {  	v1 =	vadd.f32 v2, v1;
	v2 =	vadd.f32 v7, v5;
	v12 =	vld [tilespmem:s25+$0x18D80]  }
0x55: {  	v0 =	vadd.f32 v25, v0;
	v3 =	vadd.f32 v6, v3;
	v5 =	vld [tilespmem:s25+$0x18E00]  }
0x56: {  	v7 =	vadd.f32 v11, v10;
	v1 =	vadd.f32 v2, v1;
	v6 =	vld [tilespmem:s25+$0x18E80]  }
0x57: {  	v9 =	vadd.f32 v13, v9;
	v10 =	vadd.f32 v18, v15;
	v2 =	vld [tilespmem:s25+$0x18F00]  }
0x58: {  	v1 =	vadd.f32 v1, v7;
	v11 =	vld [tilespmem:s25+$0x18F80];
	v4 =	vadd.f32 v8, v4  }
0x59: {  	v0 =	vadd.f32 v3, v0;
	v3 =	vadd.f32 v10, v9;
	v7 =	vld [tilespmem:s25+$0x19000]  }
0x5a: {  	v8 =	vld [tilespmem:s25+$0x19080];
	v5 =	vadd.f32 v5, v12;
	[tilespmem:s25+$0x1C900] =	vst v1  }
0x5b: {  	v0 =	vadd.f32 v3, v0;
	v1 =	vld [tilespmem:s25+$0x19100]  }
0x5c: {  	v3 =	vld [tilespmem:s25+$0x19180];
	v2 =	vadd.f32 v2, v6;
	v4 =	vadd.f32 v5, v4  }
0x5d: {  	v5 =	vld [tilespmem:s25+$0x19200]  }
0x5e: {  	v6 =	vld [tilespmem:s25+$0x19280];
	v7 =	vadd.f32 v7, v11  }
0x5f: {  	v9 =	vld [tilespmem:s25+$0x19300]  }
0x60: {  	v10 =	vld [tilespmem:s25+$0x19380];
	v1 =	vadd.f32 v1, v8;
	v2 =	vadd.f32 v7, v2  }
0x61: {  	v7 =	vld [tilespmem:s25+$0x19400]  }
0x62: {  	v8 =	vld [tilespmem:s25+$0x19480];
	v3 =	vadd.f32 v5, v3;
	v2 =	vadd.f32 v2, v4  }
0x63: {  	v4 =	vld [tilespmem:s25+$0x19500]  }
0x64: {  	v5 =	vld [tilespmem:s25+$0x19580];
	v6 =	vadd.f32 v9, v6;
	v1 =	vadd.f32 v3, v1  }
0x65: {  	v0 =	vadd.f32 v2, v0;
	v3 =	vld [tilespmem:s25+$0x19600]  }
0x66: {  	v2 =	vld [tilespmem:s25+$0x19680];
	v7 =	vadd.f32 v7, v10  }
0x67: {  	v9 =	vld [tilespmem:s25+$0x19700]  }
0x68: {  	v10 =	vld [tilespmem:s25+$0x19780];
	v4 =	vadd.f32 v4, v8;
	v6 =	vadd.f32 v7, v6  }
0x69: {  	s28 =	sshra.s32 s26, $0x2;
	v7 =	vld [tilespmem:s25+$0x19800]  }
0x6a: {  	v11 =	vld [tilespmem:s28+$0x19880];
	v3 =	vadd.f32 v3, v5;
	v1 =	vadd.f32 v6, v1  }
0x6b: {  	v14 =	vld [tilespmem:s28+$0x19900]  }
0x6c: {  	v17 =	vld [tilespmem:s28+$0x19980];
	v2 =	vadd.f32 v9, v2;
	v3 =	vadd.f32 v3, v4  }
0x6d: {  	v18 =	vld [tilespmem:s28+$0x19A00]  }
0x6e: {  	v19 =	vld [tilespmem:s28+$0x19A80];
	v4 =	vadd.f32 v7, v10  }
0x6f: {  	v20 =	vld [tilespmem:s28+$0x19B00]  }
0x70: {  	v22 =	vld [tilespmem:s28+$0x19B80];
	v2 =	vadd.f32 v4, v2  }
0x71: {  	v23 =	vld [tilespmem:s28+$0x19C00]  }
0x72: {  	v25 =	vld [tilespmem:s28+$0x19C80];
	v2 =	vadd.f32 v2, v3  }
0x73: {  	v26 =	vld [tilespmem:s28+$0x19D00]  }
0x74: {  	v27 =	vld [tilespmem:s28+$0x19D80];
	v1 =	vadd.f32 v2, v1  }
0x75: {  	v28 =	vld [tilespmem:s28+$0x19E00]  }
0x76: {  	v29 =	vld [tilespmem:s28+$0x19E80];
	v0 =	vadd.f32 v1, v0  }
0x77: {  	v30 =	vld [tilespmem:s28+$0x19F00]  }
0x78: {  	v31 =	vld [tilespmem:s28+$0x19F80];
	[tilespmem:s25+$0x1C880] =	vst v0;
	s25 =	smov.u32 s28  }
0x79: {  	v32 =	vld [tilespmem:s25+$0x1A000]  }
0x7a: {  	v1 =	vld [tilespmem:s25+$0x1A080]  }
0x7b: {  	v2 =	vld [tilespmem:s25+$0x1A100]  }
0x7c: {  	v3 =	vld [tilespmem:s25+$0x1A180]  }
0x7d: {  	v5 =	vld [tilespmem:s25+$0x1A200]  }
0x7e: {  	v4 =	vld [tilespmem:s25+$0x1A280]  }
0x7f: {  	v6 =	vld [tilespmem:s25+$0x1A300]  }
0x80: {  	v7 =	vld [tilespmem:s25+$0x1A380]  }
0x81: {  	v9 =	vld [tilespmem:s25+$0x1A400]  }
0x82: {  	v8 =	vld [tilespmem:s25+$0x1A480]  }
0x83: {  	v10 =	vld [tilespmem:s25+$0x1A500]  }
0x84: {  	v12 =	vld [tilespmem:s25+$0x1A580]  }
0x85: {  	v15 =	vld [tilespmem:s25+$0x1A600]  }
.Ltmp2:
0x86: {  	v13 =	vld [tilespmem:s25+$0x1A680];
	(pc) =	sbr.rel @p2 .LBB2_3-.Ltmp2, $4  }
0x87: {  	v11 =	vadd.f32 v14, v11;
	v14 =	vadd.f32 v18, v17;
	v16 =	vld [tilespmem:s25+$0x1A700]  }
0x88: {  	v17 =	vadd.f32 v20, v19;
	v18 =	vadd.f32 v23, v22;
	v21 =	vld [tilespmem:s25+$0x1A780]  }
0x89: {  	v19 =	vadd.f32 v26, v25;
	v20 =	vadd.f32 v28, v27;
	v24 =	vld [tilespmem:s25+$0x1A800]  }
0x8a: {  	s26 =	sadd.s32 $0x40, s26;
	v22 =	vadd.f32 v30, v29;
	v23 =	vadd.f32 v32, v31;
	v0 =	vld [tilespmem:s25+$0x18880]  }
0x8b: {  	v25 =	vld [tilespmem:s25+$0x18900]  }
0x8c: {  	v50 =	vadd.f32 v5, v3;
	v3 =	vld [tilespmem:s25+$0x18980]  }
0x8d: {  	v52 =	vld [tilespmem:s25+$0x18A00]  }
0x8e: {  	v55 =	vld [tilespmem:s25+$0x18A80]  }
0x8f: {  	v58 =	vld [tilespmem:s25+$0x18B00]  }
0x90: {  	v60 =	vld [tilespmem:s25+$0x18B80]  }
0x91: {  	v63 =	vld [tilespmem:s25+$0x18C00]  }
0x92: {  	v28 =	vld [tilespmem:s25+$0x18C80]  }
0x93: {  	v31 =	vld [tilespmem:s25+$0x18D00]  }
0x94: {  	v34 =	vld [tilespmem:s25+$0x18D80]  }
0x95: {  	v36 =	vld [tilespmem:s25+$0x18E00]  }
0x96: {  	v37 =	vld [tilespmem:s25+$0x18E80]  }
0x97: {  	v38 =	vld [tilespmem:s25+$0x18F00]  }
0x98: {  	v39 =	vld [tilespmem:s25+$0x18F80]  }
0x99: {  	v40 =	vld [tilespmem:s25+$0x19000]  }
0x9a: {  	v1 =	vadd.f32 v2, v1;
	v4 =	vadd.f32 v6, v4;
	v41 =	vld [tilespmem:s25+$0x19080]  }
0x9b: {  	v51 =	vadd.f32 v9, v7;
	v53 =	vadd.f32 v10, v8;
	v42 =	vld [tilespmem:s25+$0x19100]  }
0x9c: {  	v54 =	vadd.f32 v15, v12;
	v11 =	vadd.f32 v14, v11;
	v43 =	vld [tilespmem:s25+$0x19180]  }
0x9d: {  	v59 =	vadd.f32 v18, v17;
	v61 =	vadd.f32 v20, v19;
	v44 =	vld [tilespmem:s25+$0x19200]  }
0x9e: {  	v45 =	vld [tilespmem:s25+$0x19280];
	v56 =	vadd.f32 v16, v13;
	v62 =	vadd.f32 v23, v22  }
0x9f: {  	v46 =	vld [tilespmem:s25+$0x19300];
	v1 =	vadd.f32 v50, v1;
	v27 =	vadd.f32 v51, v4  }
0xa0: {  	v47 =	vld [tilespmem:s25+$0x19380];
	v29 =	vadd.f32 v54, v53;
	v57 =	vadd.f32 v24, v21  }
0xa1: {  	v48 =	vld [tilespmem:s25+$0x19400];
	v32 =	vadd.f32 v59, v11;
	v33 =	vadd.f32 v62, v61  }
0xa2: {  	v49 =	vld [tilespmem:s25+$0x19480];
	v1 =	vadd.f32 v27, v1;
	v30 =	vadd.f32 v57, v56  }
0xa3: {  	v26 =	vld [tilespmem:s25+$0x19580];
	v10 =	vadd.f32 v33, v32;
	v0 =	vadd.f32 v25, v0  }
0xa4: {  	v50 =	vld [tilespmem:s25+$0x19500];
	v3 =	vadd.f32 v52, v3;
	v9 =	vadd.f32 v58, v55  }
0xa5: {  	v51 =	vld [tilespmem:s25+$0x19600];
	v52 =	vadd.f32 v63, v60;
	v4 =	vadd.f32 v31, v28  }
0xa6: {  	v53 =	vld [tilespmem:s25+$0x19680];
	v5 =	vadd.f32 v36, v34;
	v2 =	vadd.f32 v38, v37  }
0xa7: {  	v54 =	vld [tilespmem:s25+$0x19700];
	v57 =	vadd.f32 v40, v39;
	v59 =	vadd.f32 v44, v43  }
0xa8: {  	v56 =	vld [tilespmem:s25+$0x19780];
	v60 =	vadd.f32 v46, v45;
	v35 =	vadd.f32 v30, v29  }
0xa9: {  	v58 =	vld [tilespmem:s25+$0x19800];
	v61 =	vadd.f32 v48, v47;
	v0 =	vadd.f32 v3, v0  }
0xaa: {  	v55 =	vadd.f32 v52, v9;
	v1 =	vadd.f32 v35, v1  }
0xab: {  	v4 =	vadd.f32 v5, v4;
	v2 =	vadd.f32 v57, v2  }
0xac: {  	v62 =	vadd.f32 v50, v49;
	v1 =	vadd.f32 v1, v10  }
0xad: {  	v6 =	vadd.f32 v51, v26;
	v3 =	vadd.f32 v54, v53  }
0xae: {  	v9 =	vadd.f32 v58, v56;
	[tilespmem:s25+$0x1C900] =	vst v1;
	v1 =	vadd.f32 v42, v41  }
0xaf: {  	v63 =	vadd.f32 v61, v60;
	v6 =	vadd.f32 v6, v62  }
0xb0: {  	v3 =	vadd.f32 v9, v3;
	v1 =	vadd.f32 v59, v1  }
0xb1: {  	v0 =	vadd.f32 v55, v0;
	v2 =	vadd.f32 v2, v4  }
0xb2: {  	v3 =	vadd.f32 v3, v6;
	v1 =	vadd.f32 v63, v1  }
0xb3: {  	s26 =	sshll.u32 s23, $0x9  }
0xb4: {  	p2 =	sne.s32 s23, $0x4F;
	s28 =	sadd.s32 s6, s26;
	v0 =	vadd.f32 v2, v0;
	v1 =	vadd.f32 v3, v1  }
.Ltmp3:
0xb5: {  	s26 =	sand.u32 $0x200, s26;
	s28 =	sand.u32 $0x3FFC00, s28;
	(pc) =	sbr.rel @p2 .LBB2_6-.Ltmp3, $4  }
0xb6: {  	s26 =	sor.u32 s26, s28;
	v0 =	vadd.f32 v1, v0  }
0xb7: {  	s26 =	sshrl.u32 s26, $0x3  }
0xb8: {  	s31 =	sadd.s32 s4, s26;
	[tilespmem:s25+$0x1C880] =	vst v0  }
0xb9: {  	[hbm4b:s31+s3] =	stream.linear.scatter [tilespmem:s17], [sflag:$0x3], $0x100, $0x38;
	[tilespmem:$0x1CA80] =	vst v63  }
.Ltmp4:
0xba: {  	(pc) =	sbr.rel .LBB2_7-.Ltmp4, $4  }
0xbb: {  	_ = 	snop  }
0xbc: {  	_ =	swait.ge [sflag:s18], $0x2000  }
0xbd: {  	[sflag:s18] =	ssyncset.done $0x0  }
0xbe: {  	[sflag:s18] =	ssyncadd.s32 $0xFFFFE000  }
.LBB2_6:
0xbf: {  	s25 =	sshrl.u32 s24, $0x2  }
.Ltmp5:
0xc0: {  	s25 =	sadd.s32 $0x13980, s25;
	(pc) =	sbr.rel @p1 .LBB2_8-.Ltmp5, $4  }
0xc1: {  	[tilespmem:s13], [sflag:$0x1] =	stream.indirect.gather [spmem:s2], $0x80, s25, s12, $0xb8;
	[tilespmem:$0x1CA80] =	vst v63  }
0xc2: {  	_ =	swait.ge [sflag:s18], $0x2000  }
0xc3: {  	[sflag:s18] =	ssyncset.done $0x0  }
0xc4: {  	[sflag:s18] =	ssyncadd.s32 $0xFFFFE000  }
.LBB2_7:
0xc5: {  	_ =	swait.ge [sflag:s19], $0x100  }
0xc6: {  	[sflag:s19] =	ssyncset.done $0x0  }
0xc7: {  	[sflag:s19] =	ssyncadd.s32 $0xFFFFFF00  }
.LBB2_8:
0xc8: {  	s25 =	simm.s32 $0x0  }
0xc9: {  	v0 =	vld [tilespmem:s25+$0x1B880]  }
0xca: {  	v11 =	vld [tilespmem:s25+$0x1B900]  }
0xcb: {  	v14 =	vld [tilespmem:s25+$0x1B980]  }
0xcc: {  	v17 =	vld [tilespmem:s25+$0x1BA00]  }
0xcd: {  	v18 =	vld [tilespmem:s25+$0x1BA80]  }
0xce: {  	v19 =	vld [tilespmem:s25+$0x1BB00]  }
0xcf: {  	v20 =	vld [tilespmem:s25+$0x1BB80]  }
0xd0: {  	v22 =	vld [tilespmem:s25+$0x1BC00]  }
0xd1: {  	v23 =	vld [tilespmem:s25+$0x1BC80]  }
0xd2: {  	v25 =	vld [tilespmem:s25+$0x1BD00]  }
0xd3: {  	v26 =	vld [tilespmem:s25+$0x1BD80]  }
0xd4: {  	v27 =	vld [tilespmem:s25+$0x1BE00]  }
0xd5: {  	v28 =	vld [tilespmem:s25+$0x1BE80]  }
0xd6: {  	v29 =	vld [tilespmem:s25+$0x1BF00]  }
0xd7: {  	v30 =	vld [tilespmem:s25+$0x1BF80]  }
0xd8: {  	v31 =	vld [tilespmem:s25+$0x1C000]  }
0xd9: {  	v1 =	vld [tilespmem:s25+$0x1C080]  }
0xda: {  	v2 =	vld [tilespmem:s25+$0x1C100]  }
0xdb: {  	v3 =	vld [tilespmem:s25+$0x1C180]  }
0xdc: {  	v5 =	vld [tilespmem:s25+$0x1C200]  }
0xdd: {  	v4 =	vld [tilespmem:s25+$0x1C280]  }
0xde: {  	v6 =	vld [tilespmem:s25+$0x1C300]  }
0xdf: {  	v7 =	vld [tilespmem:s25+$0x1C380]  }
0xe0: {  	v9 =	vld [tilespmem:s25+$0x1C400]  }
0xe1: {  	v8 =	vld [tilespmem:s25+$0x1C480]  }
0xe2: {  	v10 =	vld [tilespmem:s25+$0x1C500]  }
0xe3: {  	v12 =	vld [tilespmem:s25+$0x1C580]  }
0xe4: {  	v15 =	vld [tilespmem:s25+$0x1C600]  }
0xe5: {  	v13 =	vld [tilespmem:s25+$0x1C680]  }
0xe6: {  	v16 =	vld [tilespmem:s25+$0x1C700];
	v11 =	vadd.f32 v11, v0;
	v14 =	vadd.f32 v17, v14  }
0xe7: {  	v21 =	vld [tilespmem:s25+$0x1C780];
	v17 =	vadd.f32 v19, v18;
	v18 =	vadd.f32 v22, v20  }
0xe8: {  	v24 =	vld [tilespmem:s25+$0x1C800];
	v19 =	vadd.f32 v25, v23;
	v20 =	vadd.f32 v27, v26  }
0xe9: {  	s26 =	simm.s32 $0x40;
	v0 =	vld [tilespmem:s25+$0x1A880];
	v22 =	vadd.f32 v29, v28;
	v23 =	vadd.f32 v31, v30  }
.LBB2_9:
0xea: {  	p1 =	sne.s32 s26, $0x1C0;
	v25 =	vld [tilespmem:s25+$0x1A900];
	v1 =	vadd.f32 v2, v1;
	v2 =	vadd.f32 v5, v3  }
0xeb: {  	v4 =	vadd.f32 v6, v4;
	v5 =	vadd.f32 v9, v7;
	v3 =	vld [tilespmem:s25+$0x1A980]  }
0xec: {  	v7 =	vadd.f32 v10, v8;
	v8 =	vadd.f32 v15, v12;
	v6 =	vld [tilespmem:s25+$0x1AA00]  }
0xed: {  	v10 =	vadd.f32 v16, v13;
	v9 =	vld [tilespmem:s25+$0x1AA80];
	v12 =	vadd.f32 v24, v21  }
0xee: {  	v11 =	vadd.f32 v14, v11;
	v14 =	vadd.f32 v18, v17;
	v13 =	vld [tilespmem:s25+$0x1AB00]  }
0xef: {  	v16 =	vadd.f32 v20, v19;
	v17 =	vadd.f32 v23, v22;
	v15 =	vld [tilespmem:s25+$0x1AB80]  }
0xf0: {  	v1 =	vadd.f32 v2, v1;
	v2 =	vadd.f32 v5, v4;
	v18 =	vld [tilespmem:s25+$0x1AC00]  }
0xf1: {  	v5 =	vadd.f32 v8, v7;
	v7 =	vadd.f32 v12, v10;
	v4 =	vld [tilespmem:s25+$0x1AC80]  }
0xf2: {  	v10 =	vadd.f32 v14, v11;
	v11 =	vadd.f32 v17, v16;
	v8 =	vld [tilespmem:s25+$0x1AD00]  }
0xf3: {  	v1 =	vadd.f32 v2, v1;
	v2 =	vadd.f32 v7, v5;
	v12 =	vld [tilespmem:s25+$0x1AD80]  }
0xf4: {  	v0 =	vadd.f32 v25, v0;
	v3 =	vadd.f32 v6, v3;
	v5 =	vld [tilespmem:s25+$0x1AE00]  }
0xf5: {  	v7 =	vadd.f32 v11, v10;
	v1 =	vadd.f32 v2, v1;
	v6 =	vld [tilespmem:s25+$0x1AE80]  }
0xf6: {  	v9 =	vadd.f32 v13, v9;
	v10 =	vadd.f32 v18, v15;
	v2 =	vld [tilespmem:s25+$0x1AF00]  }
0xf7: {  	v1 =	vadd.f32 v1, v7;
	v11 =	vld [tilespmem:s25+$0x1AF80];
	v4 =	vadd.f32 v8, v4  }
0xf8: {  	v0 =	vadd.f32 v3, v0;
	v3 =	vadd.f32 v10, v9;
	v7 =	vld [tilespmem:s25+$0x1B000]  }
0xf9: {  	v8 =	vld [tilespmem:s25+$0x1B080];
	v5 =	vadd.f32 v5, v12;
	[tilespmem:s25+$0x1CA00] =	vst v1  }
0xfa: {  	v0 =	vadd.f32 v3, v0;
	v1 =	vld [tilespmem:s25+$0x1B100]  }
0xfb: {  	v3 =	vld [tilespmem:s25+$0x1B180];
	v2 =	vadd.f32 v2, v6;
	v4 =	vadd.f32 v5, v4  }
0xfc: {  	v5 =	vld [tilespmem:s25+$0x1B200]  }
0xfd: {  	v6 =	vld [tilespmem:s25+$0x1B280];
	v7 =	vadd.f32 v7, v11  }
0xfe: {  	v9 =	vld [tilespmem:s25+$0x1B300]  }
0xff: {  	v10 =	vld [tilespmem:s25+$0x1B380];
	v1 =	vadd.f32 v1, v8;
	v2 =	vadd.f32 v7, v2  }
0x100: {  	v7 =	vld [tilespmem:s25+$0x1B400]  }
0x101: {  	v8 =	vld [tilespmem:s25+$0x1B480];
	v3 =	vadd.f32 v5, v3;
	v2 =	vadd.f32 v2, v4  }
0x102: {  	v4 =	vld [tilespmem:s25+$0x1B500]  }
0x103: {  	v5 =	vld [tilespmem:s25+$0x1B580];
	v6 =	vadd.f32 v9, v6;
	v1 =	vadd.f32 v3, v1  }
0x104: {  	v0 =	vadd.f32 v2, v0;
	v3 =	vld [tilespmem:s25+$0x1B600]  }
0x105: {  	v2 =	vld [tilespmem:s25+$0x1B680];
	v7 =	vadd.f32 v7, v10  }
0x106: {  	v9 =	vld [tilespmem:s25+$0x1B700]  }
0x107: {  	v10 =	vld [tilespmem:s25+$0x1B780];
	v4 =	vadd.f32 v4, v8;
	v6 =	vadd.f32 v7, v6  }
0x108: {  	s28 =	sshra.s32 s26, $0x2;
	v7 =	vld [tilespmem:s25+$0x1B800]  }
0x109: {  	v11 =	vld [tilespmem:s28+$0x1B880];
	v3 =	vadd.f32 v3, v5;
	v1 =	vadd.f32 v6, v1  }
0x10a: {  	v14 =	vld [tilespmem:s28+$0x1B900]  }
0x10b: {  	v17 =	vld [tilespmem:s28+$0x1B980];
	v2 =	vadd.f32 v9, v2;
	v3 =	vadd.f32 v3, v4  }
0x10c: {  	v18 =	vld [tilespmem:s28+$0x1BA00]  }
0x10d: {  	v19 =	vld [tilespmem:s28+$0x1BA80];
	v4 =	vadd.f32 v7, v10  }
0x10e: {  	v20 =	vld [tilespmem:s28+$0x1BB00]  }
0x10f: {  	v22 =	vld [tilespmem:s28+$0x1BB80];
	v2 =	vadd.f32 v4, v2  }
0x110: {  	v23 =	vld [tilespmem:s28+$0x1BC00]  }
0x111: {  	v25 =	vld [tilespmem:s28+$0x1BC80];
	v2 =	vadd.f32 v2, v3  }
0x112: {  	v26 =	vld [tilespmem:s28+$0x1BD00]  }
0x113: {  	v27 =	vld [tilespmem:s28+$0x1BD80];
	v1 =	vadd.f32 v2, v1  }
0x114: {  	v28 =	vld [tilespmem:s28+$0x1BE00]  }
0x115: {  	v29 =	vld [tilespmem:s28+$0x1BE80];
	v0 =	vadd.f32 v1, v0  }
0x116: {  	v30 =	vld [tilespmem:s28+$0x1BF00]  }
0x117: {  	v31 =	vld [tilespmem:s28+$0x1BF80];
	[tilespmem:s25+$0x1C980] =	vst v0;
	s25 =	smov.u32 s28  }
0x118: {  	v32 =	vld [tilespmem:s25+$0x1C000]  }
0x119: {  	v1 =	vld [tilespmem:s25+$0x1C080]  }
0x11a: {  	v2 =	vld [tilespmem:s25+$0x1C100]  }
0x11b: {  	v3 =	vld [tilespmem:s25+$0x1C180]  }
0x11c: {  	v5 =	vld [tilespmem:s25+$0x1C200]  }
0x11d: {  	v4 =	vld [tilespmem:s25+$0x1C280]  }
0x11e: {  	v6 =	vld [tilespmem:s25+$0x1C300]  }
0x11f: {  	v7 =	vld [tilespmem:s25+$0x1C380]  }
0x120: {  	v9 =	vld [tilespmem:s25+$0x1C400]  }
0x121: {  	v8 =	vld [tilespmem:s25+$0x1C480]  }
0x122: {  	v10 =	vld [tilespmem:s25+$0x1C500]  }
0x123: {  	v12 =	vld [tilespmem:s25+$0x1C580]  }
0x124: {  	v15 =	vld [tilespmem:s25+$0x1C600]  }
.Ltmp6:
0x125: {  	v13 =	vld [tilespmem:s25+$0x1C680];
	(pc) =	sbr.rel @p1 .LBB2_9-.Ltmp6, $4  }
0x126: {  	v11 =	vadd.f32 v14, v11;
	v14 =	vadd.f32 v18, v17;
	v16 =	vld [tilespmem:s25+$0x1C700]  }
0x127: {  	v17 =	vadd.f32 v20, v19;
	v18 =	vadd.f32 v23, v22;
	v21 =	vld [tilespmem:s25+$0x1C780]  }
0x128: {  	v19 =	vadd.f32 v26, v25;
	v20 =	vadd.f32 v28, v27;
	v24 =	vld [tilespmem:s25+$0x1C800]  }
0x129: {  	s26 =	sadd.s32 $0x40, s26;
	v22 =	vadd.f32 v30, v29;
	v23 =	vadd.f32 v32, v31;
	v0 =	vld [tilespmem:s25+$0x1A880]  }
0x12a: {  	v25 =	vld [tilespmem:s25+$0x1A900]  }
0x12b: {  	v50 =	vadd.f32 v5, v3;
	v3 =	vld [tilespmem:s25+$0x1A980]  }
0x12c: {  	v52 =	vld [tilespmem:s25+$0x1AA00]  }
0x12d: {  	v55 =	vld [tilespmem:s25+$0x1AA80]  }
0x12e: {  	v58 =	vld [tilespmem:s25+$0x1AB00]  }
0x12f: {  	v60 =	vld [tilespmem:s25+$0x1AB80]  }
0x130: {  	v63 =	vld [tilespmem:s25+$0x1AC00]  }
0x131: {  	v28 =	vld [tilespmem:s25+$0x1AC80]  }
0x132: {  	v31 =	vld [tilespmem:s25+$0x1AD00]  }
0x133: {  	v34 =	vld [tilespmem:s25+$0x1AD80]  }
0x134: {  	v36 =	vld [tilespmem:s25+$0x1AE00]  }
0x135: {  	v37 =	vld [tilespmem:s25+$0x1AE80]  }
0x136: {  	v38 =	vld [tilespmem:s25+$0x1AF00]  }
0x137: {  	v39 =	vld [tilespmem:s25+$0x1AF80]  }
0x138: {  	v40 =	vld [tilespmem:s25+$0x1B000]  }
0x139: {  	v1 =	vadd.f32 v2, v1;
	v4 =	vadd.f32 v6, v4;
	v41 =	vld [tilespmem:s25+$0x1B080]  }
0x13a: {  	v51 =	vadd.f32 v9, v7;
	v53 =	vadd.f32 v10, v8;
	v42 =	vld [tilespmem:s25+$0x1B100]  }
0x13b: {  	v54 =	vadd.f32 v15, v12;
	v11 =	vadd.f32 v14, v11;
	v43 =	vld [tilespmem:s25+$0x1B180]  }
0x13c: {  	v59 =	vadd.f32 v18, v17;
	v61 =	vadd.f32 v20, v19;
	v44 =	vld [tilespmem:s25+$0x1B200]  }
0x13d: {  	v45 =	vld [tilespmem:s25+$0x1B280];
	v56 =	vadd.f32 v16, v13;
	v62 =	vadd.f32 v23, v22  }
0x13e: {  	v46 =	vld [tilespmem:s25+$0x1B300];
	v1 =	vadd.f32 v50, v1;
	v27 =	vadd.f32 v51, v4  }
0x13f: {  	v47 =	vld [tilespmem:s25+$0x1B380];
	v29 =	vadd.f32 v54, v53;
	v57 =	vadd.f32 v24, v21  }
0x140: {  	v48 =	vld [tilespmem:s25+$0x1B400];
	v32 =	vadd.f32 v59, v11;
	v33 =	vadd.f32 v62, v61  }
0x141: {  	v49 =	vld [tilespmem:s25+$0x1B480];
	v1 =	vadd.f32 v27, v1;
	v30 =	vadd.f32 v57, v56  }
0x142: {  	v26 =	vld [tilespmem:s25+$0x1B580];
	v10 =	vadd.f32 v33, v32;
	v0 =	vadd.f32 v25, v0  }
0x143: {  	v50 =	vld [tilespmem:s25+$0x1B500];
	v3 =	vadd.f32 v52, v3;
	v9 =	vadd.f32 v58, v55  }
0x144: {  	v51 =	vld [tilespmem:s25+$0x1B600];
	v52 =	vadd.f32 v63, v60;
	v4 =	vadd.f32 v31, v28  }
0x145: {  	v53 =	vld [tilespmem:s25+$0x1B680];
	v5 =	vadd.f32 v36, v34;
	v2 =	vadd.f32 v38, v37  }
0x146: {  	v54 =	vld [tilespmem:s25+$0x1B700];
	v57 =	vadd.f32 v40, v39;
	v59 =	vadd.f32 v44, v43  }
0x147: {  	v56 =	vld [tilespmem:s25+$0x1B780];
	v60 =	vadd.f32 v46, v45;
	v35 =	vadd.f32 v30, v29  }
0x148: {  	v58 =	vld [tilespmem:s25+$0x1B800];
	v61 =	vadd.f32 v48, v47;
	v0 =	vadd.f32 v3, v0  }
0x149: {  	v55 =	vadd.f32 v52, v9;
	v1 =	vadd.f32 v35, v1  }
0x14a: {  	v4 =	vadd.f32 v5, v4;
	v2 =	vadd.f32 v57, v2  }
0x14b: {  	v62 =	vadd.f32 v50, v49;
	v1 =	vadd.f32 v1, v10  }
0x14c: {  	v6 =	vadd.f32 v51, v26;
	v3 =	vadd.f32 v54, v53  }
0x14d: {  	v9 =	vadd.f32 v58, v56;
	[tilespmem:s25+$0x1CA00] =	vst v1;
	v1 =	vadd.f32 v42, v41  }
0x14e: {  	v63 =	vadd.f32 v61, v60;
	v6 =	vadd.f32 v6, v62  }
0x14f: {  	v3 =	vadd.f32 v9, v3;
	v1 =	vadd.f32 v59, v1  }
0x150: {  	v0 =	vadd.f32 v55, v0;
	v2 =	vadd.f32 v2, v4  }
0x151: {  	v3 =	vadd.f32 v3, v6;
	v1 =	vadd.f32 v63, v1;
	_ =	sdelay $0x1  }
0x152: {  	s26 =	sshll.u32 s23, $0x6;
	p1 =	seq.s32 s23, $0x4F;
	v0 =	vadd.f32 v2, v0;
	v1 =	vadd.f32 v3, v1  }
.Ltmp7:
0x153: {  	s28 =	sadd.s32 s8, s26;
	s26 =	sand.u32 $0x40, s26;
	(pc) =	sbr.rel @p1 .LBB2_12-.Ltmp7, $4  }
0x154: {  	s28 =	sand.u32 $0xFFFFF80, s28;
	s26 =	sadd.s32 s26, s4;
	v0 =	vadd.f32 v1, v0  }
0x155: {  	s26 =	sadd.s32 s28, s26  }
0x156: {  	s31 =	sadd.s32 $0x20, s26;
	[tilespmem:s25+$0x1C980] =	vst v0  }
0x157: {  	[hbm4b:s31+s3] =	stream.linear.scatter [tilespmem:s20], [sflag:$0x4], $0x100, $0x38;
	[tilespmem:$0x1CA80] =	vst v63  }
.Ltmp8:
0x158: {  	(pc) =	sbr.rel .LBB2_2-.Ltmp8, $4  }
0x159: {  	_ = 	snop  }
0x15a: {  	s24 =	sshrl.u32 s24, $0x2  }
0x15b: {  	s23 =	sadd.s32 $0x1, s23;
	s24 =	sadd.s32 $0x13A00, s24  }
0x15c: {  	[tilespmem:s15], [sflag:$0x2] =	stream.indirect.gather [spmem:s2], $0x80, s24, s12, $0xb8;
	[tilespmem:$0x1CA80] =	vst v63  }
.LBB2_13:
0x15d: {  	_ =	sfence.sel $0x180000  }
0x15e: {  	[bflag:$0x0] =	sbarrier.arrive $0xFFFF  }
0x15f: {  	_ =	strace $0x90000047  }
0x160: {  	s0 =	sadd.s32 @!p0 $0x100000, s1;
	[bflag:$0x2] =	sbarrier.arrive $0xFFFF  }
0x161: {  	[sflag:s0] =	ssyncadd.tile.s32 @!p0 $0x1;
	_ =	shalt  }
.Lfunc_end2:
_tile_overlayer_lowered:
.L_overlay_start_2:
0x162: {  	(tag) =	ssettag $0x2  }
0x163: {  	s0 =	rddreg [dreg:$0x0];
	s2 =	stileid.u32  }
0x164: {  	s1 =	rddreg [dreg:$0x1];
	p0 =	sne.s32 s2, $0x0  }
0x165: {  	s3 =	rddreg [dreg:$0x2];
	[bflag:$0x3] =	sbarrier.arrive $0xFFFF;
	s2 =	simm.s32 @!p0 $0x1C06  }
0x166: {  	[timem:s3], [sflag:s2] =	dma.local @!p0 [hbm:s0], s1  }
0x167: {  	s0 =	simm.s32 @!p0 $0x6  }
0x168: {  	_ =	swait.ge @!p0 [sflag:s0], s1  }
0x169: {  	s1 =	ssub.s32 @!p0 $0x0, s1;
	[sflag:s0] =	ssyncset.done @!p0 $0x0  }
0x16a: {  	[sflag:s0] =	ssyncadd.s32 @!p0 s1  }
0x16b: {  	[bflag:$0x3] =	sbarrier.arrive $0xFFFF  }
0x16c: {  	_ =	shalt  }

// kernel: kernel.9.cloned.1.call-start
scs
__scs_entry_jumppad:
0x0: {  	(pc) =	sbr.rel $0x88, $3  }
0x1: {  	(tag) =	ssettag $0x0;
	lr =	simm.s32 $0x1  }
0x2: {  	[smem:$0x3F9D] =	sst lr;
	_ =	strace $0xD0000000  }
0x3: {  	_ = 	snop  }
0x4: {  	_ = 	snop  }
0x5: {  	_ = 	snop  }
0x6: {  	_ = 	snop  }
0x7: {  	_ = 	snop  }
__scs_overlays_trampoline_lowered:
0x8: {  	[smem:$0x3FAC] =	sst s0  }
0x9: {  	[smem:$0x3FAD] =	sst s1  }
0xa: {  	[smem:$0x3FAE] =	sst s2  }
0xb: {  	[smem:$0x3FAF] =	sst s3  }
0xc: {  	[smem:$0x3FB0] =	sst s4  }
0xd: {  	[smem:$0x3FB1] =	sst s5  }
0xe: {  	[smem:$0x3FB2] =	sst s6  }
0xf: {  	[smem:$0x3FB3] =	sst s7  }
0x10: {  	[smem:$0x3FB4] =	sst s8  }
0x11: {  	[smem:$0x3FB5] =	sst s9;
	s0 =	simm.s32 @!p0 $0x0  }
0x12: {  	s1 =	sld [smem:$0x3F9B];
	s0 =	simm.s32 @p0 $0x1  }
0x13: {  	[smem:$0x3FB6] =	sst s0;
	s0 =	simm.s32 @!p1 $0x0  }
0x14: {  	s2 =	sld [smem:$0x3F9A];
	s0 =	simm.s32 @p1 $0x1  }
0x15: {  	[smem:$0x3FB7] =	sst s0;
	s0 =	simm.s32 @!p2 $0x0  }
0x16: {  	s3 =	sld [smem:$0x3FDB];
	s0 =	simm.s32 @p2 $0x1  }
0x17: {  	s4 =	simm.s32 $0x1BF5;
	[smem:$0x3FB9] =	sst s0  }
0x18: {  	s0 =	sld [smem:$0x3F9C];
	_ =	swait.ge [sflag:s4], $0x0  }
0x19: {  	s7 =	sld [smem:$0x3F9D]  }
0x1a: {  	s8 =	sadd.s32 $0xFFFFE003, lr  }
0x1b: {  	s9 =	sadd.s32 $0xFFFFFEF7, lr;
	s5 =	simm.s32 $0xFFFFFFFF;
	p2 =	slt.u32 s8, $0xFFFFF086  }
0x1c: {  	p1 =	slt.u32 s9, $0xF7A;
	s5 =	simm.s32 @!p2 $0x0  }
0x1d: {  	s5 =	simm.s32 @p1 $0x1;
	p0 =	seq.s32 s7, s2  }
0x1e: {  	s7 =	smul.u32 @!p0 $0xF7A, s2;
	p2 =	seq.s32 @!p0 s5, $0x0  }
0x1f: {  	s9 =	smul.u32 $0xF7A, s1;
	s8 =	simm.s32 @!p0 $0x1BF5;
	p2 =	por !p2, p0  }
0x20: {  	[sflag:s8] =	ssyncset.s32 @!p0 $0xFFFFF086;
	s6 =	sadd.s32 @!p0 s3, s7;
	s7 =	simm.s32 @!p0 $0x108  }
0x21: {  	s3 =	sadd.s32 s3, s9;
	s6 =	sadd.s32 @!p0 $0x88, s6;
	s7 =	simm.s32 @p2 $0x1082  }
0x22: {  	[simem:s7], [sflag:s8] =	dma.local @!p0 [hbm:s6], $0xF7A  }
0x23: {  	s9 =	sor.u32 $0xD0000000, s2;
	s6 =	simm.s32 $0x108;
	_ =	swait.ge @!p0 [sflag:s8], $0x0  }
0x24: {  	s3 =	sadd.s32 $0x88, s3;
	s6 =	simm.s32 @!p1 $0x1082;
	[sflag:s4] =	ssyncset.s32 $0xFFFFF086  }
0x25: {  	[simem:s6], [sflag:s4] =	dma.local [hbm:s3], $0xF7A  }
0x26: {  	[smem:$0x3F9D] =	sst s1;
	(tag) =	ssettag s2;
	_ =	strace s9  }
0x27: {  	s1 =	sld [smem:$0x3FAD]  }
0x28: {  	s2 =	sld [smem:$0x3FAE]  }
0x29: {  	s4 =	sld [smem:$0x3FB0]  }
0x2a: {  	p0 =	seq.s32 s5, $0x0;
	s5 =	sld [smem:$0x3FB1]  }
0x2b: {  	s6 =	sld [smem:$0x3FB2]  }
0x2c: {  	s7 =	sld [smem:$0x3FB3]  }
0x2d: {  	s3 =	simm.s32 $0x108;
	s8 =	sld [smem:$0x3FB4]  }
0x2e: {  	s3 =	simm.s32 @!p0 $0x1082;
	s9 =	sld [smem:$0x3FB5]  }
0x2f: {  	lr =	sadd.s32 s0, s3;
	s0 =	sld [smem:$0x3FAC]  }
0x30: {  	s3 =	sld [smem:$0x3FAF]  }
0x31: {  	[smem:$0x3FB8] =	sst s10  }
0x32: {  	s10 =	sld [smem:$0x3FB6];
	_ =	sdelay $0x3  }
0x33: {  	p0 =	seq.s32 s10, $0x1;
	s10 =	sld [smem:$0x3FB8];
	_ =	sdelay $0x3  }
0x34: {  	[smem:$0x3FB8] =	sst s10  }
0x35: {  	s10 =	sld [smem:$0x3FB7];
	_ =	sdelay $0x3  }
0x36: {  	p1 =	seq.s32 s10, $0x1;
	s10 =	sld [smem:$0x3FB8];
	_ =	sdelay $0x3  }
0x37: {  	[smem:$0x3FB8] =	sst s10  }
0x38: {  	s10 =	sld [smem:$0x3FB9]  }
0x39: {  	_ = 	snop;
	(pc) =	sbr.ind lr, $3  }
0x3a: {  	_ = 	snop  }
0x3b: {  	_ = 	snop  }
0x3c: {  	p2 =	seq.s32 s10, $0x1;
	s10 =	sld [smem:$0x3FB8]  }
0x3d: {  	_ =	shalt  }
0x3e: {  	_ =	shalt  }
0x3f: {  	_ =	shalt  }
0x40: {  	_ =	shalt  }
0x41: {  	_ =	shalt  }
0x42: {  	_ =	shalt  }
0x43: {  	_ =	shalt  }
0x44: {  	_ =	shalt  }
0x45: {  	_ =	shalt  }
0x46: {  	_ =	shalt  }
0x47: {  	_ =	shalt  }
0x48: {  	_ =	shalt  }
0x49: {  	_ =	shalt  }
0x4a: {  	_ =	shalt  }
0x4b: {  	_ =	shalt  }
0x4c: {  	_ =	shalt  }
0x4d: {  	_ =	shalt  }
0x4e: {  	_ =	shalt  }
0x4f: {  	_ =	shalt  }
0x50: {  	_ =	shalt  }
0x51: {  	_ =	shalt  }
0x52: {  	_ =	shalt  }
0x53: {  	_ =	shalt  }
0x54: {  	_ =	shalt  }
0x55: {  	_ =	shalt  }
0x56: {  	_ =	shalt  }
0x57: {  	_ =	shalt  }
0x58: {  	_ =	shalt  }
0x59: {  	_ =	shalt  }
0x5a: {  	_ =	shalt  }
0x5b: {  	_ =	shalt  }
0x5c: {  	_ =	shalt  }
0x5d: {  	_ =	shalt  }
0x5e: {  	_ =	shalt  }
0x5f: {  	_ =	shalt  }
0x60: {  	_ =	shalt  }
0x61: {  	_ =	shalt  }
0x62: {  	_ =	shalt  }
0x63: {  	_ =	shalt  }
0x64: {  	_ =	shalt  }
0x65: {  	_ =	shalt  }
0x66: {  	_ =	shalt  }
0x67: {  	_ =	shalt  }
0x68: {  	_ =	shalt  }
0x69: {  	_ =	shalt  }
0x6a: {  	_ =	shalt  }
0x6b: {  	_ =	shalt  }
0x6c: {  	_ =	shalt  }
0x6d: {  	_ =	shalt  }
0x6e: {  	_ =	shalt  }
0x6f: {  	_ =	shalt  }
0x70: {  	_ =	shalt  }
0x71: {  	_ =	shalt  }
0x72: {  	_ =	shalt  }
0x73: {  	_ =	shalt  }
0x74: {  	_ =	shalt  }
0x75: {  	_ =	shalt  }
0x76: {  	_ =	shalt  }
0x77: {  	_ =	shalt  }
0x78: {  	_ =	shalt  }
0x79: {  	_ =	shalt  }
0x7a: {  	_ =	shalt  }
0x7b: {  	_ =	shalt  }
0x7c: {  	_ =	shalt  }
0x7d: {  	_ =	shalt  }
0x7e: {  	_ =	shalt  }
0x7f: {  	_ =	shalt  }
0x80: {  	_ =	shalt  }
0x81: {  	_ =	shalt  }
0x82: {  	_ =	shalt  }
0x83: {  	_ =	shalt  }
0x84: {  	_ =	shalt  }
0x85: {  	_ =	shalt  }
0x86: {  	_ =	shalt  }
0x87: {  	_ =	shalt  }
.Lfunc_end0:
.L_simem_size_0:
called_computation.1_lowered:
.L_overlay_start_0:
0x88: {  	s2 =	sld [smem:$0x3FD9]  }
0x89: {  	s3 =	sld [smem:$0x3FFE];
	_ =	sdelay $0x1  }
0x8a: {  	s1 =	srdreg.scid  }
0x8b: {  	s0 =	sand.u32 $0x1, s1  }
0x8c: {  	s16 =	sshll.u32 s0, $0xA;
	s2 =	sadd.s32 s3, s2  }
0x8d: {  	s2 =	sadd.s32 s2, s16  }
0x8e: {  	[smem:$0x3FC4] =	sst s2  }
0x8f: {  	_ = 	snop  }
0x90: {  	(tm) =	ssettm $0x1  }
0x91: {  	s17 =	sld [smem:$0x3FFB];
	_ =	sdelay $0x3  }
0x92: {  	_ =	strace s17  }
0x93: {  	s2 =	sld [smem:$0x3FFC];
	_ =	sdelay $0x3  }
0x94: {  	_ =	strace s2  }
0x95: {  	s2 =	sld [smem:$0x3FFD];
	_ =	sdelay $0x3  }
0x96: {  	_ =	strace s2  }
0x97: {  	_ =	strace $0x8FFFFFFF  }
0x98: {  	s18 =	sld [smem:$0x3FDB];
	_ =	sdelay $0x1  }
0x99: {  	s19 =	simm.s32 $_scs_section_size  }
0x9a: {  	s4 =	simm.s32 $_size__tile_overlayer_lowered;
	s5 =	simm.s32 $_tile_overlayer_lowered  }
0x9b: {  	s22 =	simm.s32 $0x1BFF;
	s21 =	sshll.u32 s5, $0x1;
	s2 =	sadd.s32 s19, s18  }
0x9c: {  	s6 =	simm.s32 $0x0;
	s20 =	sshll.u32 s4, $0x1;
	s4 =	sadd.s32 s21, s2  }
0x9d: {  	[timem:s6], [sflag:s22] =	dma.local [hbm:s4], s20  }
0x9e: {  	_ =	swait.ge [sflag:s22], s20  }
0x9f: {  	s3 =	ssub.s32 $0x0, s20;
	[sflag:s22] =	ssyncset.done $0x0  }
0xa0: {  	[sflag:s22] =	ssyncadd.s32 s3;
	_ =	sdelay $0x1  }
0xa1: {  	s23 =	simm.s32 $0x1B8B  }
0xa2: {  	_ =	swait.ge [sflag:s23], $0x1  }
0xa3: {  	[sflag:s23] =	ssyncset.done $0x0  }
0xa4: {  	s25 =	simm.s32 $0x1B8E;
	s24 =	sld [smem:$0x3FFE];
	[sflag:s23] =	ssyncadd.s32 $0xFFFFFFFF  }
0xa5: {  	s26 =	simm.s32 $execute0_lowered;
	[smem:$0x3FD2] =	sst s25  }
0xa6: {  	s4 =	sshll.u32 s26, $0x1;
	_ =	strace $0x80000049;
	[dreg:$0x1] =	wrdreg $0xFFFFFFFF  }
0xa7: {  	s28 =	simm.s32 $_size_execute0_lowered;
	s2 =	sadd.s32 s2, s4;
	[dreg:$0x0] =	wrdreg $0x0  }
0xa8: {  	s4 =	sshll.u32 s28, $0x1;
	[dreg:$0x2] =	wrdreg s2  }
0xa9: {  	[dreg:$0x3] =	wrdreg s4  }
0xaa: {  	[dreg:$0x4] =	wrdreg $0xC0  }
0xab: {  	_ =	task [dreg:s6], $0x5FFFF  }
0xac: {  	[dreg:$0x1] =	wrdreg $0xFFFFFFFF  }
0xad: {  	[dreg:$0x0] =	wrdreg $0x60  }
0xae: {  	[dreg:$0x2] =	wrdreg s24  }
0xaf: {  	[dreg:$0x3] =	wrdreg $0x0  }
0xb0: {  	[dreg:$0x4] =	wrdreg $0x9  }
0xb1: {  	_ =	task.clear_ibuf [dreg:s6], $0x5FFFF;
	_ =	strace $0x90000049  }
0xb2: {  	s29 =	simm.s32 $0x9;
	_ =	strace $0x8000004B  }
0xb3: {  	_ =	swait.ge [sflag:s29], $0x1  }
0xb4: {  	[sflag:s29] =	ssyncadd.s32 $0xFFFFFFFF  }
0xb5: {  	_ =	strace $0x9000004B  }
0xb6: {  	_ =	sfence  }
0xb7: {  	s30 =	sld [smem:$0x0];
	_ =	sdelay $0x2  }
0xb8: {  	s31 =	sshll.u32 s1, $0xD;
	s1 =	sshrl.u32 s1, $0x2  }
0xb9: {  	s3 =	sand.u32 $0x4000, s31;
	s1 =	sadd.s32 s1, s30  }
0xba: {  	s0 =	sor.u32 s3, s0;
	s1 =	sshll.u32 s1, $0x11  }
0xbb: {  	s0 =	sor.u32 s1, s0  }
0xbc: {  	s0 =	sadd.s32 $0x8F2B, s0  }
0xbd: {  	[sflag:s0] =	ssyncadd.remote.s32 $0x1  }
0xbe: {  	_ =	sfence.sel $0xFFFF  }
0xbf: {  	[dreg:$0x0] =	wrdreg $0xFFFFFFFF;
	(pc) =	sbr.abs _section_cstart, $3  }
0xc0: {  	[dreg:$0x1] =	wrdreg $0xFFFFFFFF  }
0xc1: {  	_ =	task.clear_ibuf [dreg:s6], $0x2FFFF;
	_ =	strace $0x9FFFFFFF  }
0xc2: {  	(tm) =	ssettm $0x7FFFFFFF  }
0xc3: {  	_ =	shalt  }
tec
execute0_lowered:
.L_overlay_start_1:
0x0: {  	(tag) =	ssettag $0x1  }
0x1: {  	s4 =	rddreg [dreg:$0x0];
	s0 =	srdreg.scid  }
0x2: {  	s8 =	stileid.u32;
	s1 =	rddreg [dreg:$0x1];
	s2 =	simm.s32 $0x0  }
0x3: {  	s10 =	simm.s32 $0x13880;
	s11 =	simm.s32 $0x6;
	s12 =	simm.s32 $0x40  }
0x4: {  	s13 =	simm.s32 $0x18880;
	s14 =	simm.s32 $0x13900;
	s15 =	simm.s32 $0x1A880  }
0x5: {  	s16 =	simm.s32 $0x1;
	s17 =	simm.s32 $0x1C880;
	s18 =	simm.s32 $0x2  }
0x6: {  	s19 =	simm.s32 $0x4;
	s20 =	simm.s32 $0x1C980;
	s21 =	simm.s32 $0x3  }
0x7: {  	s22 =	simm.s32 $0x0;
	s3 =	sand.u32 $0x1, s0;
	s0 =	rddreg [dreg:$0x2]  }
0x8: {  	s5 =	sshll.u32 s8, $0x1;
	[smem:$0x7FF] =	sst s2;
	p0 =	sne.s32 s8, $0x0  }
.Ltmp0:
0x9: {  	s9 =	sor.u32 s3, s5;
	s6 =	ssub.s32 $0x2, s3;
	(pc) =	sbr.rel .LBB2_1-.Ltmp0, $4  }
0xa: {  	_ =	strace $0x8000004A;
	s5 =	smul.u32 $0xA00, s9;
	s7 =	sshrl.u32 s6, $0x1  }
0xb: {  	s3 =	sadd.s32 $0x16000, s4;
	s8 =	smul.u32 $0x1400, s9;
	s7 =	ssub.s32 s6, s7  }
0xc: {  	s6 =	smul.u32 $0xA000, s9;
	s9 =	sshrl.u32 @!p0 s1, $0x3;
	s5 =	sadd.s32 s5, s4  }
0xd: {  	s4 =	sadd.s32 $0x3D200, s4;
	s7 =	smax.u32 s7, $0x1;
	s5 =	sadd.s32 $0x2000, s5  }
.LBB2_12:
0xe: {  	s22 =	sadd.s32 $0x1, s22  }
0xf: {  	_ =	swait.ge [sflag:s21], $0x100;
	p1 =	sne.s32 s22, s7  }
.Ltmp1:
0x10: {  	[sflag:s21] =	ssyncset.done $0x0;
	(pc) =	sbr.rel @!p1 .LBB2_13-.Ltmp1, $4  }
0x11: {  	[sflag:s21] =	ssyncadd.s32 $0xFFFFFF00  }
0x12: {  	_ =	swait.ge [sflag:s19], $0x100  }
0x13: {  	[sflag:s19] =	ssyncset.done $0x0  }
0x14: {  	[sflag:s19] =	ssyncadd.s32 $0xFFFFFF00  }
.LBB2_1:
0x15: {  	s23 =	simm.s32 @!p0 $0x1C05  }
0x16: {  	[spmem:s9], [sflag:s23] =	dma.local @!p0 [hbm:s3], $0x27100  }
0x17: {  	s23 =	simm.s32 @!p0 $0x5  }
0x18: {  	_ =	swait.ge @!p0 [sflag:s23], $0x27100  }
0x19: {  	[sflag:s23] =	ssyncset.done @!p0 $0x0  }
0x1a: {  	[sflag:s23] =	ssyncadd.s32 @!p0 $0xFFFD8F00  }
0x1b: {  	[bflag:$0x0] =	sbarrier.arrive $0xFFFF  }
0x1c: {  	[tilespmem:s10], [sflag:$0x6] =	stream.linear.gather [hbm4b:s5+s2], $0x5000, $0x38;
	[tilespmem:$0x1CA80] =	vst v63  }
0x1d: {  	_ =	swait.ge [sflag:s11], $0x5000  }
0x1e: {  	[sflag:s11] =	ssyncset.done $0x0  }
0x1f: {  	[sflag:s11] =	ssyncadd.s32 $0xFFFFB000  }
0x20: {  	[tilespmem:s13], [sflag:$0x1] =	stream.indirect.gather [spmem:s1], $0x80, s10, s12, $0xb8;
	[tilespmem:$0x1CA80] =	vst v63  }
0x21: {  	s23 =	simm.s32 $0x0  }
0x22: {  	[tilespmem:s15], [sflag:$0x2] =	stream.indirect.gather [spmem:s1], $0x80, s14, s12, $0xb8;
	[tilespmem:$0x1CA80] =	vst v63  }
.LBB2_2:
0x23: {  	_ =	swait.ge [sflag:s16], $0x2000  }
0x24: {  	p1 =	seq.s32 s23, $0x0;
	[sflag:s16] =	ssyncset.done $0x0  }
0x25: {  	s24 =	simm.s32 @!p1 $0x3;
	[sflag:s16] =	ssyncadd.s32 $0xFFFFE000  }
0x26: {  	_ =	swait.ge @!p1 [sflag:s24], $0x100  }
0x27: {  	[sflag:s24] =	ssyncset.done @!p1 $0x0  }
0x28: {  	s25 =	simm.s32 $0x0;
	[sflag:s24] =	ssyncadd.s32 @!p1 $0xFFFFFF00  }
0x29: {  	v0 =	vld [tilespmem:s25+$0x19880]  }
0x2a: {  	v11 =	vld [tilespmem:s25+$0x19900]  }
0x2b: {  	v14 =	vld [tilespmem:s25+$0x19980]  }
0x2c: {  	v17 =	vld [tilespmem:s25+$0x19A00]  }
0x2d: {  	v18 =	vld [tilespmem:s25+$0x19A80]  }
0x2e: {  	v19 =	vld [tilespmem:s25+$0x19B00]  }
0x2f: {  	v20 =	vld [tilespmem:s25+$0x19B80]  }
0x30: {  	v22 =	vld [tilespmem:s25+$0x19C00]  }
0x31: {  	v23 =	vld [tilespmem:s25+$0x19C80]  }
0x32: {  	v25 =	vld [tilespmem:s25+$0x19D00]  }
0x33: {  	v26 =	vld [tilespmem:s25+$0x19D80]  }
0x34: {  	v27 =	vld [tilespmem:s25+$0x19E00]  }
0x35: {  	v28 =	vld [tilespmem:s25+$0x19E80]  }
0x36: {  	v29 =	vld [tilespmem:s25+$0x19F00]  }
0x37: {  	v30 =	vld [tilespmem:s25+$0x19F80]  }
0x38: {  	v31 =	vld [tilespmem:s25+$0x1A000]  }
0x39: {  	v1 =	vld [tilespmem:s25+$0x1A080]  }
0x3a: {  	v2 =	vld [tilespmem:s25+$0x1A100]  }
0x3b: {  	v3 =	vld [tilespmem:s25+$0x1A180]  }
0x3c: {  	v5 =	vld [tilespmem:s25+$0x1A200]  }
0x3d: {  	v4 =	vld [tilespmem:s25+$0x1A280]  }
0x3e: {  	v6 =	vld [tilespmem:s25+$0x1A300]  }
0x3f: {  	v7 =	vld [tilespmem:s25+$0x1A380]  }
0x40: {  	v9 =	vld [tilespmem:s25+$0x1A400]  }
0x41: {  	v8 =	vld [tilespmem:s25+$0x1A480]  }
0x42: {  	v10 =	vld [tilespmem:s25+$0x1A500]  }
0x43: {  	v12 =	vld [tilespmem:s25+$0x1A580]  }
0x44: {  	v15 =	vld [tilespmem:s25+$0x1A600]  }
0x45: {  	v13 =	vld [tilespmem:s25+$0x1A680]  }
0x46: {  	v16 =	vld [tilespmem:s25+$0x1A700];
	v11 =	vadd.f32 v11, v0;
	v14 =	vadd.f32 v17, v14  }
0x47: {  	v21 =	vld [tilespmem:s25+$0x1A780];
	v17 =	vadd.f32 v19, v18;
	v18 =	vadd.f32 v22, v20  }
0x48: {  	v24 =	vld [tilespmem:s25+$0x1A800];
	v19 =	vadd.f32 v25, v23;
	v20 =	vadd.f32 v27, v26  }
0x49: {  	s26 =	simm.s32 $0x40;
	s24 =	sshll.u32 s23, $0xA;
	v0 =	vld [tilespmem:s25+$0x18880];
	v22 =	vadd.f32 v29, v28;
	v23 =	vadd.f32 v31, v30  }
.LBB2_3:
0x4a: {  	p2 =	sne.s32 s26, $0x1C0;
	v25 =	vld [tilespmem:s25+$0x18900];
	v1 =	vadd.f32 v2, v1;
	v2 =	vadd.f32 v5, v3  }
0x4b: {  	v4 =	vadd.f32 v6, v4;
	v5 =	vadd.f32 v9, v7;
	v3 =	vld [tilespmem:s25+$0x18980]  }
0x4c: {  	v7 =	vadd.f32 v10, v8;
	v8 =	vadd.f32 v15, v12;
	v6 =	vld [tilespmem:s25+$0x18A00]  }
0x4d: {  	v10 =	vadd.f32 v16, v13;
	v9 =	vld [tilespmem:s25+$0x18A80];
	v12 =	vadd.f32 v24, v21  }
0x4e: {  	v11 =	vadd.f32 v14, v11;
	v14 =	vadd.f32 v18, v17;
	v13 =	vld [tilespmem:s25+$0x18B00]  }
0x4f: {  	v16 =	vadd.f32 v20, v19;
	v17 =	vadd.f32 v23, v22;
	v15 =	vld [tilespmem:s25+$0x18B80]  }
0x50: {  	v1 =	vadd.f32 v2, v1;
	v2 =	vadd.f32 v5, v4;
	v18 =	vld [tilespmem:s25+$0x18C00]  }
0x51: {  	v5 =	vadd.f32 v8, v7;
	v7 =	vadd.f32 v12, v10;
	v4 =	vld [tilespmem:s25+$0x18C80]  }
0x52: {  	v10 =	vadd.f32 v14, v11;
	v11 =	vadd.f32 v17, v16;
	v8 =	vld [tilespmem:s25+$0x18D00]  }
0x53: {  	v1 =	vadd.f32 v2, v1;
	v2 =	vadd.f32 v7, v5;
	v12 =	vld [tilespmem:s25+$0x18D80]  }
0x54: {  	v0 =	vadd.f32 v25, v0;
	v3 =	vadd.f32 v6, v3;
	v5 =	vld [tilespmem:s25+$0x18E00]  }
0x55: {  	v7 =	vadd.f32 v11, v10;
	v1 =	vadd.f32 v2, v1;
	v6 =	vld [tilespmem:s25+$0x18E80]  }
0x56: {  	v9 =	vadd.f32 v13, v9;
	v10 =	vadd.f32 v18, v15;
	v2 =	vld [tilespmem:s25+$0x18F00]  }
0x57: {  	v1 =	vadd.f32 v1, v7;
	v11 =	vld [tilespmem:s25+$0x18F80];
	v4 =	vadd.f32 v8, v4  }
0x58: {  	v0 =	vadd.f32 v3, v0;
	v3 =	vadd.f32 v10, v9;
	v7 =	vld [tilespmem:s25+$0x19000]  }
0x59: {  	v8 =	vld [tilespmem:s25+$0x19080];
	v5 =	vadd.f32 v5, v12;
	[tilespmem:s25+$0x1C900] =	vst v1  }
0x5a: {  	v0 =	vadd.f32 v3, v0;
	v1 =	vld [tilespmem:s25+$0x19100]  }
0x5b: {  	v3 =	vld [tilespmem:s25+$0x19180];
	v2 =	vadd.f32 v2, v6;
	v4 =	vadd.f32 v5, v4  }
0x5c: {  	v5 =	vld [tilespmem:s25+$0x19200]  }
0x5d: {  	v6 =	vld [tilespmem:s25+$0x19280];
	v7 =	vadd.f32 v7, v11  }
0x5e: {  	v9 =	vld [tilespmem:s25+$0x19300]  }
0x5f: {  	v10 =	vld [tilespmem:s25+$0x19380];
	v1 =	vadd.f32 v1, v8;
	v2 =	vadd.f32 v7, v2  }
0x60: {  	v7 =	vld [tilespmem:s25+$0x19400]  }
0x61: {  	v8 =	vld [tilespmem:s25+$0x19480];
	v3 =	vadd.f32 v5, v3;
	v2 =	vadd.f32 v2, v4  }
0x62: {  	v4 =	vld [tilespmem:s25+$0x19500]  }
0x63: {  	v5 =	vld [tilespmem:s25+$0x19580];
	v6 =	vadd.f32 v9, v6;
	v1 =	vadd.f32 v3, v1  }
0x64: {  	v0 =	vadd.f32 v2, v0;
	v3 =	vld [tilespmem:s25+$0x19600]  }
0x65: {  	v2 =	vld [tilespmem:s25+$0x19680];
	v7 =	vadd.f32 v7, v10  }
0x66: {  	v9 =	vld [tilespmem:s25+$0x19700]  }
0x67: {  	v10 =	vld [tilespmem:s25+$0x19780];
	v4 =	vadd.f32 v4, v8;
	v6 =	vadd.f32 v7, v6  }
0x68: {  	s28 =	sshra.s32 s26, $0x2;
	v7 =	vld [tilespmem:s25+$0x19800]  }
0x69: {  	v11 =	vld [tilespmem:s28+$0x19880];
	v3 =	vadd.f32 v3, v5;
	v1 =	vadd.f32 v6, v1  }
0x6a: {  	v14 =	vld [tilespmem:s28+$0x19900]  }
0x6b: {  	v17 =	vld [tilespmem:s28+$0x19980];
	v2 =	vadd.f32 v9, v2;
	v3 =	vadd.f32 v3, v4  }
0x6c: {  	v18 =	vld [tilespmem:s28+$0x19A00]  }
0x6d: {  	v19 =	vld [tilespmem:s28+$0x19A80];
	v4 =	vadd.f32 v7, v10  }
0x6e: {  	v20 =	vld [tilespmem:s28+$0x19B00]  }
0x6f: {  	v22 =	vld [tilespmem:s28+$0x19B80];
	v2 =	vadd.f32 v4, v2  }
0x70: {  	v23 =	vld [tilespmem:s28+$0x19C00]  }
0x71: {  	v25 =	vld [tilespmem:s28+$0x19C80];
	v2 =	vadd.f32 v2, v3  }
0x72: {  	v26 =	vld [tilespmem:s28+$0x19D00]  }
0x73: {  	v27 =	vld [tilespmem:s28+$0x19D80];
	v1 =	vadd.f32 v2, v1  }
0x74: {  	v28 =	vld [tilespmem:s28+$0x19E00]  }
0x75: {  	v29 =	vld [tilespmem:s28+$0x19E80];
	v0 =	vadd.f32 v1, v0  }
0x76: {  	v30 =	vld [tilespmem:s28+$0x19F00]  }
0x77: {  	v31 =	vld [tilespmem:s28+$0x19F80];
	[tilespmem:s25+$0x1C880] =	vst v0;
	s25 =	smov.u32 s28  }
0x78: {  	v32 =	vld [tilespmem:s25+$0x1A000]  }
0x79: {  	v1 =	vld [tilespmem:s25+$0x1A080]  }
0x7a: {  	v2 =	vld [tilespmem:s25+$0x1A100]  }
0x7b: {  	v3 =	vld [tilespmem:s25+$0x1A180]  }
0x7c: {  	v5 =	vld [tilespmem:s25+$0x1A200]  }
0x7d: {  	v4 =	vld [tilespmem:s25+$0x1A280]  }
0x7e: {  	v6 =	vld [tilespmem:s25+$0x1A300]  }
0x7f: {  	v7 =	vld [tilespmem:s25+$0x1A380]  }
0x80: {  	v9 =	vld [tilespmem:s25+$0x1A400]  }
0x81: {  	v8 =	vld [tilespmem:s25+$0x1A480]  }
0x82: {  	v10 =	vld [tilespmem:s25+$0x1A500]  }
0x83: {  	v12 =	vld [tilespmem:s25+$0x1A580]  }
0x84: {  	v15 =	vld [tilespmem:s25+$0x1A600]  }
.Ltmp2:
0x85: {  	v13 =	vld [tilespmem:s25+$0x1A680];
	(pc) =	sbr.rel @p2 .LBB2_3-.Ltmp2, $4  }
0x86: {  	v11 =	vadd.f32 v14, v11;
	v14 =	vadd.f32 v18, v17;
	v16 =	vld [tilespmem:s25+$0x1A700]  }
0x87: {  	v17 =	vadd.f32 v20, v19;
	v18 =	vadd.f32 v23, v22;
	v21 =	vld [tilespmem:s25+$0x1A780]  }
0x88: {  	v19 =	vadd.f32 v26, v25;
	v20 =	vadd.f32 v28, v27;
	v24 =	vld [tilespmem:s25+$0x1A800]  }
0x89: {  	s26 =	sadd.s32 $0x40, s26;
	v22 =	vadd.f32 v30, v29;
	v23 =	vadd.f32 v32, v31;
	v0 =	vld [tilespmem:s25+$0x18880]  }
0x8a: {  	v25 =	vld [tilespmem:s25+$0x18900]  }
0x8b: {  	v50 =	vadd.f32 v5, v3;
	v3 =	vld [tilespmem:s25+$0x18980]  }
0x8c: {  	v52 =	vld [tilespmem:s25+$0x18A00]  }
0x8d: {  	v55 =	vld [tilespmem:s25+$0x18A80]  }
0x8e: {  	v58 =	vld [tilespmem:s25+$0x18B00]  }
0x8f: {  	v60 =	vld [tilespmem:s25+$0x18B80]  }
0x90: {  	v63 =	vld [tilespmem:s25+$0x18C00]  }
0x91: {  	v28 =	vld [tilespmem:s25+$0x18C80]  }
0x92: {  	v31 =	vld [tilespmem:s25+$0x18D00]  }
0x93: {  	v34 =	vld [tilespmem:s25+$0x18D80]  }
0x94: {  	v36 =	vld [tilespmem:s25+$0x18E00]  }
0x95: {  	v37 =	vld [tilespmem:s25+$0x18E80]  }
0x96: {  	v38 =	vld [tilespmem:s25+$0x18F00]  }
0x97: {  	v39 =	vld [tilespmem:s25+$0x18F80]  }
0x98: {  	v40 =	vld [tilespmem:s25+$0x19000]  }
0x99: {  	v1 =	vadd.f32 v2, v1;
	v4 =	vadd.f32 v6, v4;
	v41 =	vld [tilespmem:s25+$0x19080]  }
0x9a: {  	v51 =	vadd.f32 v9, v7;
	v53 =	vadd.f32 v10, v8;
	v42 =	vld [tilespmem:s25+$0x19100]  }
0x9b: {  	v54 =	vadd.f32 v15, v12;
	v11 =	vadd.f32 v14, v11;
	v43 =	vld [tilespmem:s25+$0x19180]  }
0x9c: {  	v59 =	vadd.f32 v18, v17;
	v61 =	vadd.f32 v20, v19;
	v44 =	vld [tilespmem:s25+$0x19200]  }
0x9d: {  	v45 =	vld [tilespmem:s25+$0x19280];
	v56 =	vadd.f32 v16, v13;
	v62 =	vadd.f32 v23, v22  }
0x9e: {  	v46 =	vld [tilespmem:s25+$0x19300];
	v1 =	vadd.f32 v50, v1;
	v27 =	vadd.f32 v51, v4  }
0x9f: {  	v47 =	vld [tilespmem:s25+$0x19380];
	v29 =	vadd.f32 v54, v53;
	v57 =	vadd.f32 v24, v21  }
0xa0: {  	v48 =	vld [tilespmem:s25+$0x19400];
	v32 =	vadd.f32 v59, v11;
	v33 =	vadd.f32 v62, v61  }
0xa1: {  	v49 =	vld [tilespmem:s25+$0x19480];
	v1 =	vadd.f32 v27, v1;
	v30 =	vadd.f32 v57, v56  }
0xa2: {  	v26 =	vld [tilespmem:s25+$0x19580];
	v10 =	vadd.f32 v33, v32;
	v0 =	vadd.f32 v25, v0  }
0xa3: {  	v50 =	vld [tilespmem:s25+$0x19500];
	v3 =	vadd.f32 v52, v3;
	v9 =	vadd.f32 v58, v55  }
0xa4: {  	v51 =	vld [tilespmem:s25+$0x19600];
	v52 =	vadd.f32 v63, v60;
	v4 =	vadd.f32 v31, v28  }
0xa5: {  	v53 =	vld [tilespmem:s25+$0x19680];
	v5 =	vadd.f32 v36, v34;
	v2 =	vadd.f32 v38, v37  }
0xa6: {  	v54 =	vld [tilespmem:s25+$0x19700];
	v57 =	vadd.f32 v40, v39;
	v59 =	vadd.f32 v44, v43  }
0xa7: {  	v56 =	vld [tilespmem:s25+$0x19780];
	v60 =	vadd.f32 v46, v45;
	v35 =	vadd.f32 v30, v29  }
0xa8: {  	v58 =	vld [tilespmem:s25+$0x19800];
	v61 =	vadd.f32 v48, v47;
	v0 =	vadd.f32 v3, v0  }
0xa9: {  	v55 =	vadd.f32 v52, v9;
	v1 =	vadd.f32 v35, v1  }
0xaa: {  	v4 =	vadd.f32 v5, v4;
	v2 =	vadd.f32 v57, v2  }
0xab: {  	v62 =	vadd.f32 v50, v49;
	v1 =	vadd.f32 v1, v10  }
0xac: {  	v6 =	vadd.f32 v51, v26;
	v3 =	vadd.f32 v54, v53  }
0xad: {  	v9 =	vadd.f32 v58, v56;
	[tilespmem:s25+$0x1C900] =	vst v1;
	v1 =	vadd.f32 v42, v41  }
0xae: {  	v63 =	vadd.f32 v61, v60;
	v6 =	vadd.f32 v6, v62  }
0xaf: {  	v3 =	vadd.f32 v9, v3;
	v1 =	vadd.f32 v59, v1  }
0xb0: {  	v0 =	vadd.f32 v55, v0;
	v2 =	vadd.f32 v2, v4  }
0xb1: {  	v3 =	vadd.f32 v3, v6;
	v1 =	vadd.f32 v63, v1  }
0xb2: {  	s26 =	sshll.u32 s23, $0x9  }
0xb3: {  	p2 =	sne.s32 s23, $0x4F;
	s28 =	sadd.s32 s6, s26;
	v0 =	vadd.f32 v2, v0;
	v1 =	vadd.f32 v3, v1  }
.Ltmp3:
0xb4: {  	s26 =	sand.u32 $0x200, s26;
	s28 =	sand.u32 $0x3FFC00, s28;
	(pc) =	sbr.rel @p2 .LBB2_6-.Ltmp3, $4  }
0xb5: {  	s26 =	sor.u32 s26, s28;
	v0 =	vadd.f32 v1, v0  }
0xb6: {  	s26 =	sshrl.u32 s26, $0x3  }
0xb7: {  	s31 =	sadd.s32 s4, s26;
	[tilespmem:s25+$0x1C880] =	vst v0  }
0xb8: {  	[hbm4b:s31+s2] =	stream.linear.scatter [tilespmem:s17], [sflag:$0x3], $0x100, $0x38;
	[tilespmem:$0x1CA80] =	vst v63  }
.Ltmp4:
0xb9: {  	(pc) =	sbr.rel .LBB2_7-.Ltmp4, $4  }
0xba: {  	_ = 	snop  }
0xbb: {  	_ =	swait.ge [sflag:s18], $0x2000  }
0xbc: {  	[sflag:s18] =	ssyncset.done $0x0  }
0xbd: {  	[sflag:s18] =	ssyncadd.s32 $0xFFFFE000  }
.LBB2_6:
0xbe: {  	s25 =	sshrl.u32 s24, $0x2  }
.Ltmp5:
0xbf: {  	s25 =	sadd.s32 $0x13980, s25;
	(pc) =	sbr.rel @p1 .LBB2_8-.Ltmp5, $4  }
0xc0: {  	[tilespmem:s13], [sflag:$0x1] =	stream.indirect.gather [spmem:s1], $0x80, s25, s12, $0xb8;
	[tilespmem:$0x1CA80] =	vst v63  }
0xc1: {  	_ =	swait.ge [sflag:s18], $0x2000  }
0xc2: {  	[sflag:s18] =	ssyncset.done $0x0  }
0xc3: {  	[sflag:s18] =	ssyncadd.s32 $0xFFFFE000  }
.LBB2_7:
0xc4: {  	_ =	swait.ge [sflag:s19], $0x100  }
0xc5: {  	[sflag:s19] =	ssyncset.done $0x0  }
0xc6: {  	[sflag:s19] =	ssyncadd.s32 $0xFFFFFF00  }
.LBB2_8:
0xc7: {  	s25 =	simm.s32 $0x0  }
0xc8: {  	v0 =	vld [tilespmem:s25+$0x1B880]  }
0xc9: {  	v11 =	vld [tilespmem:s25+$0x1B900]  }
0xca: {  	v14 =	vld [tilespmem:s25+$0x1B980]  }
0xcb: {  	v17 =	vld [tilespmem:s25+$0x1BA00]  }
0xcc: {  	v18 =	vld [tilespmem:s25+$0x1BA80]  }
0xcd: {  	v19 =	vld [tilespmem:s25+$0x1BB00]  }
0xce: {  	v20 =	vld [tilespmem:s25+$0x1BB80]  }
0xcf: {  	v22 =	vld [tilespmem:s25+$0x1BC00]  }
0xd0: {  	v23 =	vld [tilespmem:s25+$0x1BC80]  }
0xd1: {  	v25 =	vld [tilespmem:s25+$0x1BD00]  }
0xd2: {  	v26 =	vld [tilespmem:s25+$0x1BD80]  }
0xd3: {  	v27 =	vld [tilespmem:s25+$0x1BE00]  }
0xd4: {  	v28 =	vld [tilespmem:s25+$0x1BE80]  }
0xd5: {  	v29 =	vld [tilespmem:s25+$0x1BF00]  }
0xd6: {  	v30 =	vld [tilespmem:s25+$0x1BF80]  }
0xd7: {  	v31 =	vld [tilespmem:s25+$0x1C000]  }
0xd8: {  	v1 =	vld [tilespmem:s25+$0x1C080]  }
0xd9: {  	v2 =	vld [tilespmem:s25+$0x1C100]  }
0xda: {  	v3 =	vld [tilespmem:s25+$0x1C180]  }
0xdb: {  	v5 =	vld [tilespmem:s25+$0x1C200]  }
0xdc: {  	v4 =	vld [tilespmem:s25+$0x1C280]  }
0xdd: {  	v6 =	vld [tilespmem:s25+$0x1C300]  }
0xde: {  	v7 =	vld [tilespmem:s25+$0x1C380]  }
0xdf: {  	v9 =	vld [tilespmem:s25+$0x1C400]  }
0xe0: {  	v8 =	vld [tilespmem:s25+$0x1C480]  }
0xe1: {  	v10 =	vld [tilespmem:s25+$0x1C500]  }
0xe2: {  	v12 =	vld [tilespmem:s25+$0x1C580]  }
0xe3: {  	v15 =	vld [tilespmem:s25+$0x1C600]  }
0xe4: {  	v13 =	vld [tilespmem:s25+$0x1C680]  }
0xe5: {  	v16 =	vld [tilespmem:s25+$0x1C700];
	v11 =	vadd.f32 v11, v0;
	v14 =	vadd.f32 v17, v14  }
0xe6: {  	v21 =	vld [tilespmem:s25+$0x1C780];
	v17 =	vadd.f32 v19, v18;
	v18 =	vadd.f32 v22, v20  }
0xe7: {  	v24 =	vld [tilespmem:s25+$0x1C800];
	v19 =	vadd.f32 v25, v23;
	v20 =	vadd.f32 v27, v26  }
0xe8: {  	s26 =	simm.s32 $0x40;
	v0 =	vld [tilespmem:s25+$0x1A880];
	v22 =	vadd.f32 v29, v28;
	v23 =	vadd.f32 v31, v30  }
.LBB2_9:
0xe9: {  	p1 =	sne.s32 s26, $0x1C0;
	v25 =	vld [tilespmem:s25+$0x1A900];
	v1 =	vadd.f32 v2, v1;
	v2 =	vadd.f32 v5, v3  }
0xea: {  	v4 =	vadd.f32 v6, v4;
	v5 =	vadd.f32 v9, v7;
	v3 =	vld [tilespmem:s25+$0x1A980]  }
0xeb: {  	v7 =	vadd.f32 v10, v8;
	v8 =	vadd.f32 v15, v12;
	v6 =	vld [tilespmem:s25+$0x1AA00]  }
0xec: {  	v10 =	vadd.f32 v16, v13;
	v9 =	vld [tilespmem:s25+$0x1AA80];
	v12 =	vadd.f32 v24, v21  }
0xed: {  	v11 =	vadd.f32 v14, v11;
	v14 =	vadd.f32 v18, v17;
	v13 =	vld [tilespmem:s25+$0x1AB00]  }
0xee: {  	v16 =	vadd.f32 v20, v19;
	v17 =	vadd.f32 v23, v22;
	v15 =	vld [tilespmem:s25+$0x1AB80]  }
0xef: {  	v1 =	vadd.f32 v2, v1;
	v2 =	vadd.f32 v5, v4;
	v18 =	vld [tilespmem:s25+$0x1AC00]  }
0xf0: {  	v5 =	vadd.f32 v8, v7;
	v7 =	vadd.f32 v12, v10;
	v4 =	vld [tilespmem:s25+$0x1AC80]  }
0xf1: {  	v10 =	vadd.f32 v14, v11;
	v11 =	vadd.f32 v17, v16;
	v8 =	vld [tilespmem:s25+$0x1AD00]  }
0xf2: {  	v1 =	vadd.f32 v2, v1;
	v2 =	vadd.f32 v7, v5;
	v12 =	vld [tilespmem:s25+$0x1AD80]  }
0xf3: {  	v0 =	vadd.f32 v25, v0;
	v3 =	vadd.f32 v6, v3;
	v5 =	vld [tilespmem:s25+$0x1AE00]  }
0xf4: {  	v7 =	vadd.f32 v11, v10;
	v1 =	vadd.f32 v2, v1;
	v6 =	vld [tilespmem:s25+$0x1AE80]  }
0xf5: {  	v9 =	vadd.f32 v13, v9;
	v10 =	vadd.f32 v18, v15;
	v2 =	vld [tilespmem:s25+$0x1AF00]  }
0xf6: {  	v1 =	vadd.f32 v1, v7;
	v11 =	vld [tilespmem:s25+$0x1AF80];
	v4 =	vadd.f32 v8, v4  }
0xf7: {  	v0 =	vadd.f32 v3, v0;
	v3 =	vadd.f32 v10, v9;
	v7 =	vld [tilespmem:s25+$0x1B000]  }
0xf8: {  	v8 =	vld [tilespmem:s25+$0x1B080];
	v5 =	vadd.f32 v5, v12;
	[tilespmem:s25+$0x1CA00] =	vst v1  }
0xf9: {  	v0 =	vadd.f32 v3, v0;
	v1 =	vld [tilespmem:s25+$0x1B100]  }
0xfa: {  	v3 =	vld [tilespmem:s25+$0x1B180];
	v2 =	vadd.f32 v2, v6;
	v4 =	vadd.f32 v5, v4  }
0xfb: {  	v5 =	vld [tilespmem:s25+$0x1B200]  }
0xfc: {  	v6 =	vld [tilespmem:s25+$0x1B280];
	v7 =	vadd.f32 v7, v11  }
0xfd: {  	v9 =	vld [tilespmem:s25+$0x1B300]  }
0xfe: {  	v10 =	vld [tilespmem:s25+$0x1B380];
	v1 =	vadd.f32 v1, v8;
	v2 =	vadd.f32 v7, v2  }
0xff: {  	v7 =	vld [tilespmem:s25+$0x1B400]  }
0x100: {  	v8 =	vld [tilespmem:s25+$0x1B480];
	v3 =	vadd.f32 v5, v3;
	v2 =	vadd.f32 v2, v4  }
0x101: {  	v4 =	vld [tilespmem:s25+$0x1B500]  }
0x102: {  	v5 =	vld [tilespmem:s25+$0x1B580];
	v6 =	vadd.f32 v9, v6;
	v1 =	vadd.f32 v3, v1  }
0x103: {  	v0 =	vadd.f32 v2, v0;
	v3 =	vld [tilespmem:s25+$0x1B600]  }
0x104: {  	v2 =	vld [tilespmem:s25+$0x1B680];
	v7 =	vadd.f32 v7, v10  }
0x105: {  	v9 =	vld [tilespmem:s25+$0x1B700]  }
0x106: {  	v10 =	vld [tilespmem:s25+$0x1B780];
	v4 =	vadd.f32 v4, v8;
	v6 =	vadd.f32 v7, v6  }
0x107: {  	s28 =	sshra.s32 s26, $0x2;
	v7 =	vld [tilespmem:s25+$0x1B800]  }
0x108: {  	v11 =	vld [tilespmem:s28+$0x1B880];
	v3 =	vadd.f32 v3, v5;
	v1 =	vadd.f32 v6, v1  }
0x109: {  	v14 =	vld [tilespmem:s28+$0x1B900]  }
0x10a: {  	v17 =	vld [tilespmem:s28+$0x1B980];
	v2 =	vadd.f32 v9, v2;
	v3 =	vadd.f32 v3, v4  }
0x10b: {  	v18 =	vld [tilespmem:s28+$0x1BA00]  }
0x10c: {  	v19 =	vld [tilespmem:s28+$0x1BA80];
	v4 =	vadd.f32 v7, v10  }
0x10d: {  	v20 =	vld [tilespmem:s28+$0x1BB00]  }
0x10e: {  	v22 =	vld [tilespmem:s28+$0x1BB80];
	v2 =	vadd.f32 v4, v2  }
0x10f: {  	v23 =	vld [tilespmem:s28+$0x1BC00]  }
0x110: {  	v25 =	vld [tilespmem:s28+$0x1BC80];
	v2 =	vadd.f32 v2, v3  }
0x111: {  	v26 =	vld [tilespmem:s28+$0x1BD00]  }
0x112: {  	v27 =	vld [tilespmem:s28+$0x1BD80];
	v1 =	vadd.f32 v2, v1  }
0x113: {  	v28 =	vld [tilespmem:s28+$0x1BE00]  }
0x114: {  	v29 =	vld [tilespmem:s28+$0x1BE80];
	v0 =	vadd.f32 v1, v0  }
0x115: {  	v30 =	vld [tilespmem:s28+$0x1BF00]  }
0x116: {  	v31 =	vld [tilespmem:s28+$0x1BF80];
	[tilespmem:s25+$0x1C980] =	vst v0;
	s25 =	smov.u32 s28  }
0x117: {  	v32 =	vld [tilespmem:s25+$0x1C000]  }
0x118: {  	v1 =	vld [tilespmem:s25+$0x1C080]  }
0x119: {  	v2 =	vld [tilespmem:s25+$0x1C100]  }
0x11a: {  	v3 =	vld [tilespmem:s25+$0x1C180]  }
0x11b: {  	v5 =	vld [tilespmem:s25+$0x1C200]  }
0x11c: {  	v4 =	vld [tilespmem:s25+$0x1C280]  }
0x11d: {  	v6 =	vld [tilespmem:s25+$0x1C300]  }
0x11e: {  	v7 =	vld [tilespmem:s25+$0x1C380]  }
0x11f: {  	v9 =	vld [tilespmem:s25+$0x1C400]  }
0x120: {  	v8 =	vld [tilespmem:s25+$0x1C480]  }
0x121: {  	v10 =	vld [tilespmem:s25+$0x1C500]  }
0x122: {  	v12 =	vld [tilespmem:s25+$0x1C580]  }
0x123: {  	v15 =	vld [tilespmem:s25+$0x1C600]  }
.Ltmp6:
0x124: {  	v13 =	vld [tilespmem:s25+$0x1C680];
	(pc) =	sbr.rel @p1 .LBB2_9-.Ltmp6, $4  }
0x125: {  	v11 =	vadd.f32 v14, v11;
	v14 =	vadd.f32 v18, v17;
	v16 =	vld [tilespmem:s25+$0x1C700]  }
0x126: {  	v17 =	vadd.f32 v20, v19;
	v18 =	vadd.f32 v23, v22;
	v21 =	vld [tilespmem:s25+$0x1C780]  }
0x127: {  	v19 =	vadd.f32 v26, v25;
	v20 =	vadd.f32 v28, v27;
	v24 =	vld [tilespmem:s25+$0x1C800]  }
0x128: {  	s26 =	sadd.s32 $0x40, s26;
	v22 =	vadd.f32 v30, v29;
	v23 =	vadd.f32 v32, v31;
	v0 =	vld [tilespmem:s25+$0x1A880]  }
0x129: {  	v25 =	vld [tilespmem:s25+$0x1A900]  }
0x12a: {  	v50 =	vadd.f32 v5, v3;
	v3 =	vld [tilespmem:s25+$0x1A980]  }
0x12b: {  	v52 =	vld [tilespmem:s25+$0x1AA00]  }
0x12c: {  	v55 =	vld [tilespmem:s25+$0x1AA80]  }
0x12d: {  	v58 =	vld [tilespmem:s25+$0x1AB00]  }
0x12e: {  	v60 =	vld [tilespmem:s25+$0x1AB80]  }
0x12f: {  	v63 =	vld [tilespmem:s25+$0x1AC00]  }
0x130: {  	v28 =	vld [tilespmem:s25+$0x1AC80]  }
0x131: {  	v31 =	vld [tilespmem:s25+$0x1AD00]  }
0x132: {  	v34 =	vld [tilespmem:s25+$0x1AD80]  }
0x133: {  	v36 =	vld [tilespmem:s25+$0x1AE00]  }
0x134: {  	v37 =	vld [tilespmem:s25+$0x1AE80]  }
0x135: {  	v38 =	vld [tilespmem:s25+$0x1AF00]  }
0x136: {  	v39 =	vld [tilespmem:s25+$0x1AF80]  }
0x137: {  	v40 =	vld [tilespmem:s25+$0x1B000]  }
0x138: {  	v1 =	vadd.f32 v2, v1;
	v4 =	vadd.f32 v6, v4;
	v41 =	vld [tilespmem:s25+$0x1B080]  }
0x139: {  	v51 =	vadd.f32 v9, v7;
	v53 =	vadd.f32 v10, v8;
	v42 =	vld [tilespmem:s25+$0x1B100]  }
0x13a: {  	v54 =	vadd.f32 v15, v12;
	v11 =	vadd.f32 v14, v11;
	v43 =	vld [tilespmem:s25+$0x1B180]  }
0x13b: {  	v59 =	vadd.f32 v18, v17;
	v61 =	vadd.f32 v20, v19;
	v44 =	vld [tilespmem:s25+$0x1B200]  }
0x13c: {  	v45 =	vld [tilespmem:s25+$0x1B280];
	v56 =	vadd.f32 v16, v13;
	v62 =	vadd.f32 v23, v22  }
0x13d: {  	v46 =	vld [tilespmem:s25+$0x1B300];
	v1 =	vadd.f32 v50, v1;
	v27 =	vadd.f32 v51, v4  }
0x13e: {  	v47 =	vld [tilespmem:s25+$0x1B380];
	v29 =	vadd.f32 v54, v53;
	v57 =	vadd.f32 v24, v21  }
0x13f: {  	v48 =	vld [tilespmem:s25+$0x1B400];
	v32 =	vadd.f32 v59, v11;
	v33 =	vadd.f32 v62, v61  }
0x140: {  	v49 =	vld [tilespmem:s25+$0x1B480];
	v1 =	vadd.f32 v27, v1;
	v30 =	vadd.f32 v57, v56  }
0x141: {  	v26 =	vld [tilespmem:s25+$0x1B580];
	v10 =	vadd.f32 v33, v32;
	v0 =	vadd.f32 v25, v0  }
0x142: {  	v50 =	vld [tilespmem:s25+$0x1B500];
	v3 =	vadd.f32 v52, v3;
	v9 =	vadd.f32 v58, v55  }
0x143: {  	v51 =	vld [tilespmem:s25+$0x1B600];
	v52 =	vadd.f32 v63, v60;
	v4 =	vadd.f32 v31, v28  }
0x144: {  	v53 =	vld [tilespmem:s25+$0x1B680];
	v5 =	vadd.f32 v36, v34;
	v2 =	vadd.f32 v38, v37  }
0x145: {  	v54 =	vld [tilespmem:s25+$0x1B700];
	v57 =	vadd.f32 v40, v39;
	v59 =	vadd.f32 v44, v43  }
0x146: {  	v56 =	vld [tilespmem:s25+$0x1B780];
	v60 =	vadd.f32 v46, v45;
	v35 =	vadd.f32 v30, v29  }
0x147: {  	v58 =	vld [tilespmem:s25+$0x1B800];
	v61 =	vadd.f32 v48, v47;
	v0 =	vadd.f32 v3, v0  }
0x148: {  	v55 =	vadd.f32 v52, v9;
	v1 =	vadd.f32 v35, v1  }
0x149: {  	v4 =	vadd.f32 v5, v4;
	v2 =	vadd.f32 v57, v2  }
0x14a: {  	v62 =	vadd.f32 v50, v49;
	v1 =	vadd.f32 v1, v10  }
0x14b: {  	v6 =	vadd.f32 v51, v26;
	v3 =	vadd.f32 v54, v53  }
0x14c: {  	v9 =	vadd.f32 v58, v56;
	[tilespmem:s25+$0x1CA00] =	vst v1;
	v1 =	vadd.f32 v42, v41  }
0x14d: {  	v63 =	vadd.f32 v61, v60;
	v6 =	vadd.f32 v6, v62  }
0x14e: {  	v3 =	vadd.f32 v9, v3;
	v1 =	vadd.f32 v59, v1  }
0x14f: {  	v0 =	vadd.f32 v55, v0;
	v2 =	vadd.f32 v2, v4  }
0x150: {  	v3 =	vadd.f32 v3, v6;
	v1 =	vadd.f32 v63, v1;
	_ =	sdelay $0x1  }
0x151: {  	s26 =	sshll.u32 s23, $0x6;
	p1 =	seq.s32 s23, $0x4F;
	v0 =	vadd.f32 v2, v0;
	v1 =	vadd.f32 v3, v1  }
.Ltmp7:
0x152: {  	s28 =	sadd.s32 s8, s26;
	s26 =	sand.u32 $0x40, s26;
	(pc) =	sbr.rel @p1 .LBB2_12-.Ltmp7, $4  }
0x153: {  	s28 =	sand.u32 $0xFFFFF80, s28;
	s26 =	sadd.s32 s26, s4;
	v0 =	vadd.f32 v1, v0  }
0x154: {  	s26 =	sadd.s32 s28, s26  }
0x155: {  	s31 =	sadd.s32 $0x20, s26;
	[tilespmem:s25+$0x1C980] =	vst v0  }
0x156: {  	[hbm4b:s31+s2] =	stream.linear.scatter [tilespmem:s20], [sflag:$0x4], $0x100, $0x38;
	[tilespmem:$0x1CA80] =	vst v63  }
.Ltmp8:
0x157: {  	(pc) =	sbr.rel .LBB2_2-.Ltmp8, $4  }
0x158: {  	_ = 	snop  }
0x159: {  	s24 =	sshrl.u32 s24, $0x2  }
0x15a: {  	s23 =	sadd.s32 $0x1, s23;
	s24 =	sadd.s32 $0x13A00, s24  }
0x15b: {  	[tilespmem:s15], [sflag:$0x2] =	stream.indirect.gather [spmem:s1], $0x80, s24, s12, $0xb8;
	[tilespmem:$0x1CA80] =	vst v63  }
.LBB2_13:
0x15c: {  	_ =	sfence.sel $0x180000  }
0x15d: {  	[bflag:$0x0] =	sbarrier.arrive $0xFFFF  }
0x15e: {  	_ =	strace $0x9000004A  }
0x15f: {  	s0 =	sadd.s32 @!p0 $0x100000, s0;
	[bflag:$0x2] =	sbarrier.arrive $0xFFFF  }
0x160: {  	[sflag:s0] =	ssyncadd.tile.s32 @!p0 $0x1;
	_ =	shalt  }
.Lfunc_end2:
_tile_overlayer_lowered:
.L_overlay_start_2:
0x161: {  	(tag) =	ssettag $0x2  }
0x162: {  	s0 =	rddreg [dreg:$0x0];
	s2 =	stileid.u32  }
0x163: {  	s1 =	rddreg [dreg:$0x1];
	p0 =	sne.s32 s2, $0x0  }
0x164: {  	s3 =	rddreg [dreg:$0x2];
	[bflag:$0x3] =	sbarrier.arrive $0xFFFF;
	s2 =	simm.s32 @!p0 $0x1C06  }
0x165: {  	[timem:s3], [sflag:s2] =	dma.local @!p0 [hbm:s0], s1  }
0x166: {  	s0 =	simm.s32 @!p0 $0x6  }
0x167: {  	_ =	swait.ge @!p0 [sflag:s0], s1  }
0x168: {  	s1 =	ssub.s32 @!p0 $0x0, s1;
	[sflag:s0] =	ssyncset.done @!p0 $0x0  }
0x169: {  	[sflag:s0] =	ssyncadd.s32 @!p0 s1  }
0x16a: {  	[bflag:$0x3] =	sbarrier.arrive $0xFFFF  }
0x16b: {  	_ =	shalt  }

</sc_bundles>
